<compile_context>
chip_gen: v7x
topology: tpu7x:2x2x1
jax: 0.10.2.dev20260603
libtpu: 0.0.44.dev20260713+nightly
codegen_flags: <defaults>
</compile_context>

<pallas_src>
import functools

import jax
import jax.numpy as jnp
from jax import lax
from jax.experimental import pallas as pl
from jax.experimental.pallas import tpu as pltpu
from jax.experimental.pallas import tpu_sc as plsc

VOCAB = 1000000
DIM = 64
B_TOK = 16384
SEQ = 50

_info = plsc.get_sparse_core_info()
NC, NS, NL = _info.num_cores, _info.num_subcores, _info.num_lanes
NW = NC * NS

BLK = 128
NBH = B_TOK // BLK
UNITS = SEQ * NBH
UNITS_PER_W = UNITS // NW
PAD = BLK + 1


def _make_gather():
  mesh = plsc.VectorSubcoreMesh(core_axis_name="c", subcore_axis_name="s")

  @functools.partial(
      pl.kernel,
      mesh=mesh,
      compiler_params=pltpu.CompilerParams(
          use_tc_tiling_on_sc=False, needs_layout_passes=False),
      out_type=jax.ShapeDtypeStruct((SEQ, 8, NBH, 8, BLK), jnp.float32),
      scratch_types=[
          pltpu.VMEM((2, BLK), jnp.int32),
          pltpu.VMEM((2, BLK, DIM), jnp.float32),
          pltpu.VMEM((2, DIM, PAD), jnp.float32),
          pltpu.SemaphoreType.DMA,
          pltpu.SemaphoreType.DMA,
          pltpu.SemaphoreType.DMA,
          pltpu.SemaphoreType.DMA,
          pltpu.SemaphoreType.DMA,
          pltpu.SemaphoreType.DMA,
      ],
  )
  def gather_kernel(xT_hbm, table_hbm, out_hbm, idx_v, rows_v, tr_v,
                    isem0, isem1, gsem0, gsem1, wsem0, wsem1):
    wid = lax.axis_index("s") * NC + lax.axis_index("c")
    base_u = wid * UNITS_PER_W
    isem = (isem0, isem1)
    gsem = (gsem0, gsem1)
    wsem = (wsem0, wsem1)
    lanes = lax.iota(jnp.int32, NL)

    def unit_sb(u):
      gu = base_u + u
      return gu // NBH, gu % NBH

    def idx_src(u):
      s, bh = unit_sb(u)
      return xT_hbm.at[s, pl.ds(bh * BLK, BLK)]

    def issue_gather(slot):
      pltpu.async_copy(table_hbm.at[idx_v.at[slot]], rows_v.at[slot],
                       gsem[slot])

    def wait_gather(slot):
      pltpu.make_async_copy(
          table_hbm.at[pl.ds(0, BLK)], rows_v.at[slot], gsem[slot]).wait()

    def wait_idx(slot):
      pltpu.make_async_copy(idx_src(0), idx_v.at[slot], isem[slot]).wait()

    def wait_wb(slot):
      for _ in range(8):
        pltpu.make_async_copy(
            tr_v.at[slot, pl.ds(0, 8), pl.ds(0, BLK)], out_hbm.at[0, 0, 0],
            wsem[slot]).wait()

    dvecs = [lanes + k * NL for k in range(DIM // NL)]

    def transpose(slot):
      @plsc.parallel_loop(0, BLK, unroll=8)
      def _(t):
        tvec = lanes * 0 + t
        for k in range(DIM // NL):
          vals = plsc.load_gather(rows_v.at[slot, t], [dvecs[k]])
          plsc.store_scatter(tr_v.at[slot], [dvecs[k], tvec], vals)

    def writeback(u, slot):
      s, bh = unit_sb(u)
      for dh in range(8):
        pltpu.async_copy(
            tr_v.at[slot, pl.ds(8 * dh, 8), pl.ds(0, BLK)],
            out_hbm.at[s, dh, bh], wsem[slot])

    pltpu.sync_copy(idx_src(0), idx_v.at[0])
    issue_gather(0)
    pltpu.async_copy(idx_src(1), idx_v.at[1], isem[1])

    def unit_body(u, cur, nxt):
      @pl.when(u + 1 < UNITS_PER_W)
      def _():
        wait_idx(nxt)
        issue_gather(nxt)
      wait_gather(cur)
      @pl.when(u + 2 < UNITS_PER_W)
      def _():
        pltpu.async_copy(idx_src(u + 2), idx_v.at[cur], isem[cur])
      @pl.when(u >= 2)
      def _():
        wait_wb(cur)
      transpose(cur)
      writeback(u, cur)

    @pl.loop(0, UNITS_PER_W // 2)
    def _(i):
      unit_body(2 * i, 0, 1)
      unit_body(2 * i + 1, 1, 0)

    wait_wb(0)
    wait_wb(1)

  return gather_kernel


_gather = _make_gather()


def kernel(x, weight):
  xT = x.T
  out5 = _gather(xT, weight)
  return out5.transpose(2, 4, 0, 1, 3).reshape(B_TOK, SEQ, DIM)

# --- scband reference (transcript-rebuilt; emitter-appended) ---
"""Pipeline reference for scband-parallel-embedding-26422638805105 (READ-ONLY COPY).

The authoritative reference and input builder live on the scoring server;
editing this copy changes nothing except your own understanding.
"""

import jax, jax.numpy as jnp
import numpy as np

VOCAB_SIZE = 1000000
DIM = 64
# single-process reference: world_size=1 -> part_vocab_size=vocab_size,
# vocab_start_idx=0, vocab_end_idx=vocab_size; all_reduce is identity.
VOCAB_START_IDX = 0
VOCAB_END_IDX = VOCAB_SIZE


def setup_inputs(seed: int = 0) -> dict:
    key = jax.random.key(seed)
    k1, k2 = jax.random.split(key)
    x = jax.random.randint(k1, (16384, 50), 0, VOCAB_SIZE, dtype=jnp.int64 if jax.config.jax_enable_x64 else jnp.int32).astype(jnp.int32)
    weight = jax.random.normal(k2, (VOCAB_SIZE, DIM), dtype=jnp.float32) * 0.02
    return {"x": x, "weight": weight}


def reference(x, weight):
    # mask = (x < vocab_start_idx) | (x >= vocab_end_idx)
    mask = (x < VOCAB_START_IDX) | (x >= VOCAB_END_IDX)
    x_local = x - VOCAB_START_IDX
    x_local = jnp.where(mask, 0, x_local)
    # F.embedding -> gather rows
    y = jnp.take(weight, x_local, axis=0)
    # zero out out-of-range rows
    y = jnp.where(mask[..., None], 0.0, y)
    # distnn.all_reduce with world_size=1 is identity
    return y

if __name__ == "__main__":
    import jax
    _d = setup_inputs()
    print(jax.jit(kernel)(*tuple(_d.values())))

</pallas_src>

<mosaic_0001>
#map = affine_map<(d0, d1) -> (0, 0)>
#map1 = affine_map<(d0, d1) -> (0, 0, 0, 0, 0)>
module attributes {stable_mosaic.version = 14 : i64} {
  func.func @gather_kernel(%arg0: i32, %arg1: i32, %arg2: memref<50x16384xi32, #tpu.memory_space<hbm>>, %arg3: memref<1000000x64xf32, #tpu.memory_space<hbm>>, %arg4: memref<50x8x128x8x128xf32, #tpu.memory_space<hbm>>, %arg5: memref<2x128xi32, #tpu.memory_space<vmem>>, %arg6: memref<2x128x64xf32, #tpu.memory_space<vmem>>, %arg7: memref<2x64x129xf32, #tpu.memory_space<vmem>>, %arg8: memref<!tpu.dma_semaphore, #tpu.memory_space<semaphore_mem>>, %arg9: memref<!tpu.dma_semaphore, #tpu.memory_space<semaphore_mem>>, %arg10: memref<!tpu.dma_semaphore, #tpu.memory_space<semaphore_mem>>, %arg11: memref<!tpu.dma_semaphore, #tpu.memory_space<semaphore_mem>>, %arg12: memref<!tpu.dma_semaphore, #tpu.memory_space<semaphore_mem>>, %arg13: memref<!tpu.dma_semaphore, #tpu.memory_space<semaphore_mem>>) attributes {dimension_semantics = [#tpu.dimension_semantics<core_parallel>, #tpu.dimension_semantics<subcore_parallel>], iteration_bounds = array<i64: 2, 16>, scalar_prefetch = 0 : i64, scratch_operands = 9 : i64, tpu.core_type = #tpu.core_type<sc_vector_subcore>, window_params = [{transform_indices = #map}, {transform_indices = #map}, {transform_indices = #map1}]} {
    %mul3A = arith.constant 2 : i32
    %mul3A_0 = arith.muli %arg1, %mul3A : i32
    %add3A = arith.addi %mul3A_0, %arg0 : i32
    %mul3A_1 = arith.constant 200 : i32
    %mul3A_2 = arith.muli %add3A, %mul3A_1 : i32
    %iota3A = tpu.iota {dimensions = array<i32: 0>} : vector<16xi32>
    %add3A_3 = arith.constant 0 : i32
    %add3A_4 = vector.broadcast %add3A_3 : i32 to vector<16xi32>
    %add3A_5 = arith.addi %iota3A, %add3A_4 : vector<16xi32>
    %add3A_6 = arith.constant 16 : i32
    %add3A_7 = vector.broadcast %add3A_6 : i32 to vector<16xi32>
    %add3A_8 = arith.addi %iota3A, %add3A_7 : vector<16xi32>
    %add3A_9 = arith.constant 32 : i32
    %add3A_10 = vector.broadcast %add3A_9 : i32 to vector<16xi32>
    %add3A_11 = arith.addi %iota3A, %add3A_10 : vector<16xi32>
    %add3A_12 = arith.constant 48 : i32
    %add3A_13 = vector.broadcast %add3A_12 : i32 to vector<16xi32>
    %add3A_14 = arith.addi %iota3A, %add3A_13 : vector<16xi32>
    %add3A_15 = arith.constant 0 : i32
    %add3A_16 = arith.addi %mul3A_2, %add3A_15 : i32
    %jit3A = arith.constant 128 : i32
    %div3A = arith.divsi %add3A_16, %jit3A : i32
    %sign3A = arith.constant 0 : i32
    %sign3A_17 = arith.cmpi sgt, %add3A_16, %sign3A : i32
    %sign3A_18 = arith.extui %sign3A_17 : i1 to i32
    %sign3A_19 = arith.constant 0 : i32
    %sign3A_20 = arith.cmpi slt, %add3A_16, %sign3A_19 : i32
    %sign3A_21 = arith.extui %sign3A_20 : i1 to i32
    %sign3A_22 = arith.subi %sign3A_18, %sign3A_21 : i32
    %sign3A_23 = arith.constant 0 : i32
    %sign3A_24 = arith.cmpi sgt, %jit3A, %sign3A_23 : i32
    %sign3A_25 = arith.extui %sign3A_24 : i1 to i32
    %sign3A_26 = arith.constant 0 : i32
    %sign3A_27 = arith.cmpi slt, %jit3A, %sign3A_26 : i32
    %sign3A_28 = arith.extui %sign3A_27 : i1 to i32
    %sign3A_29 = arith.subi %sign3A_25, %sign3A_28 : i32
    %ne3A = arith.cmpi ne, %sign3A_22, %sign3A_29 : i32
    %rem3A = arith.remsi %add3A_16, %jit3A : i32
    %ne3A_30 = arith.constant 0 : i32
    %ne3A_31 = arith.cmpi ne, %rem3A, %ne3A_30 : i32
    %and3A = arith.andi %ne3A, %ne3A_31 : i1
    %sub3A = arith.constant 1 : i32
    %sub3A_32 = arith.subi %div3A, %sub3A : i32
    %select_n3A = arith.select %and3A, %sub3A_32, %div3A : i32
    %jit3A_33 = arith.constant 128 : i32
    %eq3A = arith.constant 0 : i32
    %eq3A_34 = arith.cmpi eq, %jit3A_33, %eq3A : i32
    %jit3A_35 = arith.constant 1 : i32
    %select_n3A_36 = arith.select %eq3A_34, %jit3A_35, %jit3A_33 : i32
    %rem3A_37 = arith.remsi %add3A_16, %select_n3A_36 : i32
    %ne3A_38 = arith.constant 0 : i32
    %ne3A_39 = arith.cmpi ne, %rem3A_37, %ne3A_38 : i32
    %lt3A = arith.constant 0 : i32
    %lt3A_40 = arith.cmpi slt, %rem3A_37, %lt3A : i32
    %lt3A_41 = arith.constant 0 : i32
    %lt3A_42 = arith.cmpi slt, %select_n3A_36, %lt3A_41 : i32
    %ne3A_43 = arith.xori %lt3A_40, %lt3A_42 : i1
    %and3A_44 = arith.andi %ne3A_43, %ne3A_39 : i1
    %add3A_45 = arith.addi %rem3A_37, %select_n3A_36 : i32
    %select_n3A_46 = arith.select %and3A_44, %add3A_45, %rem3A_37 : i32
    %mul3A_47 = arith.constant 128 : i32
    %mul3A_48 = arith.muli %select_n3A_46, %mul3A_47 : i32
    %run_scoped3A = arith.constant 0 : i32
    "tpu.region"() ({
      %run_scoped3A_438 = tpu.sem_alloc : memref<!tpu.dma_semaphore, #tpu.memory_space<semaphore_mem>>
      %dma_start3A_439 = arith.constant 0 : i32
      %dma_start3A_440 = tpu.memref_slice %arg5[%run_scoped3A, %dma_start3A_439] : memref<2x128xi32, #tpu.memory_space<vmem>> -> memref<1x128xi32, #tpu.memory_space<vmem>>
      %dma_start3A_441 = tpu.memref_squeeze %dma_start3A_440 : memref<1x128xi32, #tpu.memory_space<vmem>> -> memref<128xi32, #tpu.memory_space<vmem>>
      %dma_start3A_442 = tpu.memref_slice %arg2[%select_n3A, %mul3A_48] : memref<50x16384xi32, #tpu.memory_space<hbm>> -> memref<1x128xi32, #tpu.memory_space<hbm>>
      %dma_start3A_443 = tpu.memref_squeeze %dma_start3A_442 : memref<1x128xi32, #tpu.memory_space<hbm>> -> memref<128xi32, #tpu.memory_space<hbm>>
      %dma_start3A_444 = arith.constant 0 : i32
      %dma_start3A_445 = tpu.memref_slice %arg5[%run_scoped3A, %dma_start3A_444] : memref<2x128xi32, #tpu.memory_space<vmem>> -> memref<1x128xi32, #tpu.memory_space<vmem>>
      %dma_start3A_446 = tpu.memref_squeeze %dma_start3A_445 : memref<1x128xi32, #tpu.memory_space<vmem>> -> memref<128xi32, #tpu.memory_space<vmem>>
      %dma_start3A_447 = tpu.memref_slice %arg2[%select_n3A, %mul3A_48] : memref<50x16384xi32, #tpu.memory_space<hbm>> -> memref<1x128xi32, #tpu.memory_space<hbm>>
      %dma_start3A_448 = tpu.memref_squeeze %dma_start3A_447 : memref<1x128xi32, #tpu.memory_space<hbm>> -> memref<128xi32, #tpu.memory_space<hbm>>
      tpu.enqueue_dma source(%dma_start3A_448 : memref<128xi32, #tpu.memory_space<hbm>>) target(%dma_start3A_446 : memref<128xi32, #tpu.memory_space<vmem>>) target_semaphore(%run_scoped3A_438 : memref<!tpu.dma_semaphore, #tpu.memory_space<semaphore_mem>>)
      %dma_wait3A_449 = arith.constant 0 : i32
      %dma_wait3A_450 = tpu.memref_slice %arg5[%run_scoped3A, %dma_wait3A_449] : memref<2x128xi32, #tpu.memory_space<vmem>> -> memref<1x128xi32, #tpu.memory_space<vmem>>
      %dma_wait3A_451 = tpu.memref_squeeze %dma_wait3A_450 : memref<1x128xi32, #tpu.memory_space<vmem>> -> memref<128xi32, #tpu.memory_space<vmem>>
      %dma_wait3A_452 = tpu.memref_slice %arg2[%select_n3A, %mul3A_48] : memref<50x16384xi32, #tpu.memory_space<hbm>> -> memref<1x128xi32, #tpu.memory_space<hbm>>
      %dma_wait3A_453 = tpu.memref_squeeze %dma_wait3A_452 : memref<1x128xi32, #tpu.memory_space<hbm>> -> memref<128xi32, #tpu.memory_space<hbm>>
      %dma_wait3A_454 = arith.constant 0 : i32
      %dma_wait3A_455 = tpu.memref_slice %arg5[%run_scoped3A, %dma_wait3A_454] : memref<2x128xi32, #tpu.memory_space<vmem>> -> memref<1x128xi32, #tpu.memory_space<vmem>>
      %dma_wait3A_456 = tpu.memref_squeeze %dma_wait3A_455 : memref<1x128xi32, #tpu.memory_space<vmem>> -> memref<128xi32, #tpu.memory_space<vmem>>
      %dma_wait3A_457 = tpu.memref_slice %arg2[%select_n3A, %mul3A_48] : memref<50x16384xi32, #tpu.memory_space<hbm>> -> memref<1x128xi32, #tpu.memory_space<hbm>>
      %dma_wait3A_458 = tpu.memref_squeeze %dma_wait3A_457 : memref<1x128xi32, #tpu.memory_space<hbm>> -> memref<128xi32, #tpu.memory_space<hbm>>
      tpu.wait_dma2 semaphore(%run_scoped3A_438 : memref<!tpu.dma_semaphore, #tpu.memory_space<semaphore_mem>>) src(%dma_wait3A_458 : memref<128xi32, #tpu.memory_space<hbm>>) dst(%dma_wait3A_456 : memref<128xi32, #tpu.memory_space<vmem>>)
      tpu.yield
    }) : () -> ()
    %dma_start3A = arith.constant 0 : i32
    %dma_start3A_49 = arith.constant 0 : i32
    %dma_start3A_50 = arith.constant 0 : i32
    %dma_start3A_51 = arith.constant 0 : i32
    %dma_start3A_52 = tpu.memref_slice %arg6[%dma_start3A_49, %dma_start3A_50, %dma_start3A_51] : memref<2x128x64xf32, #tpu.memory_space<vmem>> -> memref<1x128x64xf32, #tpu.memory_space<vmem>>
    %dma_start3A_53 = tpu.memref_squeeze %dma_start3A_52 : memref<1x128x64xf32, #tpu.memory_space<vmem>> -> memref<128x64xf32, #tpu.memory_space<vmem>>
    %dma_start3A_54 = arith.constant 0 : i32
    %dma_start3A_55 = tpu.memref_slice %arg5[%dma_start3A, %dma_start3A_54] : memref<2x128xi32, #tpu.memory_space<vmem>> -> memref<1x128xi32, #tpu.memory_space<vmem>>
    %dma_start3A_56 = tpu.memref_squeeze %dma_start3A_55 : memref<1x128xi32, #tpu.memory_space<vmem>> -> memref<128xi32, #tpu.memory_space<vmem>>
    %dma_start3A_57 = arith.constant 0 : i32
    %dma_start3A_58 = arith.constant 0 : i32
    %dma_start3A_59 = tpu.memref_slice %arg3[%dma_start3A_57, %dma_start3A_58] : memref<1000000x64xf32, #tpu.memory_space<hbm>> -> memref<1000000x64xf32, #tpu.memory_space<hbm>>
    tpu.enqueue_indirect_dma source(%dma_start3A_59 : memref<1000000x64xf32, #tpu.memory_space<hbm>>) target(%dma_start3A_53 : memref<128x64xf32, #tpu.memory_space<vmem>>) offsets(%dma_start3A_56 : memref<128xi32, #tpu.memory_space<vmem>>) semaphore(%arg10 : memref<!tpu.dma_semaphore, #tpu.memory_space<semaphore_mem>>)
    %add3A_60 = arith.constant 1 : i32
    %add3A_61 = arith.addi %mul3A_2, %add3A_60 : i32
    %jit3A_62 = arith.constant 128 : i32
    %div3A_63 = arith.divsi %add3A_61, %jit3A_62 : i32
    %sign3A_64 = arith.constant 0 : i32
    %sign3A_65 = arith.cmpi sgt, %add3A_61, %sign3A_64 : i32
    %sign3A_66 = arith.extui %sign3A_65 : i1 to i32
    %sign3A_67 = arith.constant 0 : i32
    %sign3A_68 = arith.cmpi slt, %add3A_61, %sign3A_67 : i32
    %sign3A_69 = arith.extui %sign3A_68 : i1 to i32
    %sign3A_70 = arith.subi %sign3A_66, %sign3A_69 : i32
    %sign3A_71 = arith.constant 0 : i32
    %sign3A_72 = arith.cmpi sgt, %jit3A_62, %sign3A_71 : i32
    %sign3A_73 = arith.extui %sign3A_72 : i1 to i32
    %sign3A_74 = arith.constant 0 : i32
    %sign3A_75 = arith.cmpi slt, %jit3A_62, %sign3A_74 : i32
    %sign3A_76 = arith.extui %sign3A_75 : i1 to i32
    %sign3A_77 = arith.subi %sign3A_73, %sign3A_76 : i32
    %ne3A_78 = arith.cmpi ne, %sign3A_70, %sign3A_77 : i32
    %rem3A_79 = arith.remsi %add3A_61, %jit3A_62 : i32
    %ne3A_80 = arith.constant 0 : i32
    %ne3A_81 = arith.cmpi ne, %rem3A_79, %ne3A_80 : i32
    %and3A_82 = arith.andi %ne3A_78, %ne3A_81 : i1
    %sub3A_83 = arith.constant 1 : i32
    %sub3A_84 = arith.subi %div3A_63, %sub3A_83 : i32
    %select_n3A_85 = arith.select %and3A_82, %sub3A_84, %div3A_63 : i32
    %jit3A_86 = arith.constant 128 : i32
    %eq3A_87 = arith.constant 0 : i32
    %eq3A_88 = arith.cmpi eq, %jit3A_86, %eq3A_87 : i32
    %jit3A_89 = arith.constant 1 : i32
    %select_n3A_90 = arith.select %eq3A_88, %jit3A_89, %jit3A_86 : i32
    %rem3A_91 = arith.remsi %add3A_61, %select_n3A_90 : i32
    %ne3A_92 = arith.constant 0 : i32
    %ne3A_93 = arith.cmpi ne, %rem3A_91, %ne3A_92 : i32
    %lt3A_94 = arith.constant 0 : i32
    %lt3A_95 = arith.cmpi slt, %rem3A_91, %lt3A_94 : i32
    %lt3A_96 = arith.constant 0 : i32
    %lt3A_97 = arith.cmpi slt, %select_n3A_90, %lt3A_96 : i32
    %ne3A_98 = arith.xori %lt3A_95, %lt3A_97 : i1
    %and3A_99 = arith.andi %ne3A_98, %ne3A_93 : i1
    %add3A_100 = arith.addi %rem3A_91, %select_n3A_90 : i32
    %select_n3A_101 = arith.select %and3A_99, %add3A_100, %rem3A_91 : i32
    %mul3A_102 = arith.constant 128 : i32
    %mul3A_103 = arith.muli %select_n3A_101, %mul3A_102 : i32
    %dma_start3A_104 = arith.constant 1 : i32
    %dma_start3A_105 = arith.constant 0 : i32
    %dma_start3A_106 = tpu.memref_slice %arg5[%dma_start3A_104, %dma_start3A_105] : memref<2x128xi32, #tpu.memory_space<vmem>> -> memref<1x128xi32, #tpu.memory_space<vmem>>
    %dma_start3A_107 = tpu.memref_squeeze %dma_start3A_106 : memref<1x128xi32, #tpu.memory_space<vmem>> -> memref<128xi32, #tpu.memory_space<vmem>>
    %dma_start3A_108 = tpu.memref_slice %arg2[%select_n3A_85, %mul3A_103] : memref<50x16384xi32, #tpu.memory_space<hbm>> -> memref<1x128xi32, #tpu.memory_space<hbm>>
    %dma_start3A_109 = tpu.memref_squeeze %dma_start3A_108 : memref<1x128xi32, #tpu.memory_space<hbm>> -> memref<128xi32, #tpu.memory_space<hbm>>
    %dma_start3A_110 = arith.constant 0 : i32
    %dma_start3A_111 = tpu.memref_slice %arg5[%dma_start3A_104, %dma_start3A_110] : memref<2x128xi32, #tpu.memory_space<vmem>> -> memref<1x128xi32, #tpu.memory_space<vmem>>
    %dma_start3A_112 = tpu.memref_squeeze %dma_start3A_111 : memref<1x128xi32, #tpu.memory_space<vmem>> -> memref<128xi32, #tpu.memory_space<vmem>>
    %dma_start3A_113 = tpu.memref_slice %arg2[%select_n3A_85, %mul3A_103] : memref<50x16384xi32, #tpu.memory_space<hbm>> -> memref<1x128xi32, #tpu.memory_space<hbm>>
    %dma_start3A_114 = tpu.memref_squeeze %dma_start3A_113 : memref<1x128xi32, #tpu.memory_space<hbm>> -> memref<128xi32, #tpu.memory_space<hbm>>
    tpu.enqueue_dma source(%dma_start3A_114 : memref<128xi32, #tpu.memory_space<hbm>>) target(%dma_start3A_112 : memref<128xi32, #tpu.memory_space<vmem>>) target_semaphore(%arg9 : memref<!tpu.dma_semaphore, #tpu.memory_space<semaphore_mem>>)
    %scan3A = arith.constant 0 : i32
    %scan3A_115 = arith.constant 100 : i32
    %scan3A_116 = arith.addi %scan3A, %scan3A_115 : i32
    %scan3A_117 = arith.constant 1 : i32
    scf.for %scan3A_438 = %scan3A to %scan3A_116 step %scan3A_117  : i32 {
      %mul3A_439 = arith.constant 1 : i32
      %mul3A_440 = arith.muli %scan3A_438, %mul3A_439 : i32
      %add3A_441 = arith.constant 0 : i32
      %add3A_442 = arith.addi %add3A_441, %mul3A_440 : i32
      %mul3A_443 = arith.constant 2 : i32
      %mul3A_444 = arith.muli %mul3A_443, %add3A_442 : i32
      %add3A_445 = arith.constant 1 : i32
      %add3A_446 = arith.addi %mul3A_444, %add3A_445 : i32
      %lt3A_447 = arith.constant 200 : i32
      %lt3A_448 = arith.cmpi slt, %add3A_446, %lt3A_447 : i32
      %convert_element_type3A = arith.extui %lt3A_448 : i1 to i32
      %cond3A = arith.constant 0 : i32
      %cond3A_449 = arith.cmpi ne, %convert_element_type3A, %cond3A : i32
      scf.if %cond3A_449 {
        %add3A_889 = arith.constant 0 : i32
        %add3A_890 = arith.addi %mul3A_2, %add3A_889 : i32
        %jit3A_891 = arith.constant 128 : i32
        %div3A_892 = arith.divsi %add3A_890, %jit3A_891 : i32
        %sign3A_893 = arith.constant 0 : i32
        %sign3A_894 = arith.cmpi sgt, %add3A_890, %sign3A_893 : i32
        %sign3A_895 = arith.extui %sign3A_894 : i1 to i32
        %sign3A_896 = arith.constant 0 : i32
        %sign3A_897 = arith.cmpi slt, %add3A_890, %sign3A_896 : i32
        %sign3A_898 = arith.extui %sign3A_897 : i1 to i32
        %sign3A_899 = arith.subi %sign3A_895, %sign3A_898 : i32
        %sign3A_900 = arith.constant 0 : i32
        %sign3A_901 = arith.cmpi sgt, %jit3A_891, %sign3A_900 : i32
        %sign3A_902 = arith.extui %sign3A_901 : i1 to i32
        %sign3A_903 = arith.constant 0 : i32
        %sign3A_904 = arith.cmpi slt, %jit3A_891, %sign3A_903 : i32
        %sign3A_905 = arith.extui %sign3A_904 : i1 to i32
        %sign3A_906 = arith.subi %sign3A_902, %sign3A_905 : i32
        %ne3A_907 = arith.cmpi ne, %sign3A_899, %sign3A_906 : i32
        %rem3A_908 = arith.remsi %add3A_890, %jit3A_891 : i32
        %ne3A_909 = arith.constant 0 : i32
        %ne3A_910 = arith.cmpi ne, %rem3A_908, %ne3A_909 : i32
        %and3A_911 = arith.andi %ne3A_907, %ne3A_910 : i1
        %sub3A_912 = arith.constant 1 : i32
        %sub3A_913 = arith.subi %div3A_892, %sub3A_912 : i32
        %select_n3A_914 = arith.select %and3A_911, %sub3A_913, %div3A_892 : i32
        %jit3A_915 = arith.constant 128 : i32
        %eq3A_916 = arith.constant 0 : i32
        %eq3A_917 = arith.cmpi eq, %jit3A_915, %eq3A_916 : i32
        %jit3A_918 = arith.constant 1 : i32
        %select_n3A_919 = arith.select %eq3A_917, %jit3A_918, %jit3A_915 : i32
        %rem3A_920 = arith.remsi %add3A_890, %select_n3A_919 : i32
        %ne3A_921 = arith.constant 0 : i32
        %ne3A_922 = arith.cmpi ne, %rem3A_920, %ne3A_921 : i32
        %lt3A_923 = arith.constant 0 : i32
        %lt3A_924 = arith.cmpi slt, %rem3A_920, %lt3A_923 : i32
        %lt3A_925 = arith.constant 0 : i32
        %lt3A_926 = arith.cmpi slt, %select_n3A_919, %lt3A_925 : i32
        %ne3A_927 = arith.xori %lt3A_924, %lt3A_926 : i1
        %and3A_928 = arith.andi %ne3A_927, %ne3A_922 : i1
        %add3A_929 = arith.addi %rem3A_920, %select_n3A_919 : i32
        %select_n3A_930 = arith.select %and3A_928, %add3A_929, %rem3A_920 : i32
        %mul3A_931 = arith.constant 128 : i32
        %mul3A_932 = arith.muli %select_n3A_930, %mul3A_931 : i32
        %dma_wait3A_933 = arith.constant 1 : i32
        %dma_wait3A_934 = arith.constant 0 : i32
        %dma_wait3A_935 = tpu.memref_slice %arg5[%dma_wait3A_933, %dma_wait3A_934] : memref<2x128xi32, #tpu.memory_space<vmem>> -> memref<1x128xi32, #tpu.memory_space<vmem>>
        %dma_wait3A_936 = tpu.memref_squeeze %dma_wait3A_935 : memref<1x128xi32, #tpu.memory_space<vmem>> -> memref<128xi32, #tpu.memory_space<vmem>>
        %dma_wait3A_937 = tpu.memref_slice %arg2[%select_n3A_914, %mul3A_932] : memref<50x16384xi32, #tpu.memory_space<hbm>> -> memref<1x128xi32, #tpu.memory_space<hbm>>
        %dma_wait3A_938 = tpu.memref_squeeze %dma_wait3A_937 : memref<1x128xi32, #tpu.memory_space<hbm>> -> memref<128xi32, #tpu.memory_space<hbm>>
        %dma_wait3A_939 = arith.constant 0 : i32
        %dma_wait3A_940 = tpu.memref_slice %arg5[%dma_wait3A_933, %dma_wait3A_939] : memref<2x128xi32, #tpu.memory_space<vmem>> -> memref<1x128xi32, #tpu.memory_space<vmem>>
        %dma_wait3A_941 = tpu.memref_squeeze %dma_wait3A_940 : memref<1x128xi32, #tpu.memory_space<vmem>> -> memref<128xi32, #tpu.memory_space<vmem>>
        %dma_wait3A_942 = tpu.memref_slice %arg2[%select_n3A_914, %mul3A_932] : memref<50x16384xi32, #tpu.memory_space<hbm>> -> memref<1x128xi32, #tpu.memory_space<hbm>>
        %dma_wait3A_943 = tpu.memref_squeeze %dma_wait3A_942 : memref<1x128xi32, #tpu.memory_space<hbm>> -> memref<128xi32, #tpu.memory_space<hbm>>
        tpu.wait_dma2 semaphore(%arg9 : memref<!tpu.dma_semaphore, #tpu.memory_space<semaphore_mem>>) src(%dma_wait3A_943 : memref<128xi32, #tpu.memory_space<hbm>>) dst(%dma_wait3A_941 : memref<128xi32, #tpu.memory_space<vmem>>)
        %dma_start3A_944 = arith.constant 1 : i32
        %dma_start3A_945 = arith.constant 1 : i32
        %dma_start3A_946 = arith.constant 0 : i32
        %dma_start3A_947 = arith.constant 0 : i32
        %dma_start3A_948 = tpu.memref_slice %arg6[%dma_start3A_945, %dma_start3A_946, %dma_start3A_947] : memref<2x128x64xf32, #tpu.memory_space<vmem>> -> memref<1x128x64xf32, #tpu.memory_space<vmem>>
        %dma_start3A_949 = tpu.memref_squeeze %dma_start3A_948 : memref<1x128x64xf32, #tpu.memory_space<vmem>> -> memref<128x64xf32, #tpu.memory_space<vmem>>
        %dma_start3A_950 = arith.constant 0 : i32
        %dma_start3A_951 = tpu.memref_slice %arg5[%dma_start3A_944, %dma_start3A_950] : memref<2x128xi32, #tpu.memory_space<vmem>> -> memref<1x128xi32, #tpu.memory_space<vmem>>
        %dma_start3A_952 = tpu.memref_squeeze %dma_start3A_951 : memref<1x128xi32, #tpu.memory_space<vmem>> -> memref<128xi32, #tpu.memory_space<vmem>>
        %dma_start3A_953 = arith.constant 0 : i32
        %dma_start3A_954 = arith.constant 0 : i32
        %dma_start3A_955 = tpu.memref_slice %arg3[%dma_start3A_953, %dma_start3A_954] : memref<1000000x64xf32, #tpu.memory_space<hbm>> -> memref<1000000x64xf32, #tpu.memory_space<hbm>>
        tpu.enqueue_indirect_dma source(%dma_start3A_955 : memref<1000000x64xf32, #tpu.memory_space<hbm>>) target(%dma_start3A_949 : memref<128x64xf32, #tpu.memory_space<vmem>>) offsets(%dma_start3A_952 : memref<128xi32, #tpu.memory_space<vmem>>) semaphore(%arg11 : memref<!tpu.dma_semaphore, #tpu.memory_space<semaphore_mem>>)
      } else {
      }
      %dma_wait3A_450 = arith.constant 0 : i32
      %dma_wait3A_451 = arith.constant 0 : i32
      %dma_wait3A_452 = arith.constant 0 : i32
      %dma_wait3A_453 = tpu.memref_slice %arg6[%dma_wait3A_450, %dma_wait3A_451, %dma_wait3A_452] : memref<2x128x64xf32, #tpu.memory_space<vmem>> -> memref<1x128x64xf32, #tpu.memory_space<vmem>>
      %dma_wait3A_454 = tpu.memref_squeeze %dma_wait3A_453 : memref<1x128x64xf32, #tpu.memory_space<vmem>> -> memref<128x64xf32, #tpu.memory_space<vmem>>
      %dma_wait3A_455 = arith.constant 0 : i32
      %dma_wait3A_456 = arith.constant 0 : i32
      %dma_wait3A_457 = tpu.memref_slice %arg3[%dma_wait3A_455, %dma_wait3A_456] : memref<1000000x64xf32, #tpu.memory_space<hbm>> -> memref<128x64xf32, #tpu.memory_space<hbm>>
      %dma_wait3A_458 = arith.constant 0 : i32
      %dma_wait3A_459 = arith.constant 0 : i32
      %dma_wait3A_460 = tpu.memref_slice %arg6[%dma_wait3A_450, %dma_wait3A_458, %dma_wait3A_459] : memref<2x128x64xf32, #tpu.memory_space<vmem>> -> memref<1x128x64xf32, #tpu.memory_space<vmem>>
      %dma_wait3A_461 = tpu.memref_squeeze %dma_wait3A_460 : memref<1x128x64xf32, #tpu.memory_space<vmem>> -> memref<128x64xf32, #tpu.memory_space<vmem>>
      %dma_wait3A_462 = arith.constant 0 : i32
      %dma_wait3A_463 = arith.constant 0 : i32
      %dma_wait3A_464 = tpu.memref_slice %arg3[%dma_wait3A_462, %dma_wait3A_463] : memref<1000000x64xf32, #tpu.memory_space<hbm>> -> memref<128x64xf32, #tpu.memory_space<hbm>>
      tpu.wait_dma2 semaphore(%arg10 : memref<!tpu.dma_semaphore, #tpu.memory_space<semaphore_mem>>) src(%dma_wait3A_464 : memref<128x64xf32, #tpu.memory_space<hbm>>) dst(%dma_wait3A_461 : memref<128x64xf32, #tpu.memory_space<vmem>>)
      %add3A_465 = arith.constant 2 : i32
      %add3A_466 = arith.addi %mul3A_444, %add3A_465 : i32
      %lt3A_467 = arith.constant 200 : i32
      %lt3A_468 = arith.cmpi slt, %add3A_466, %lt3A_467 : i32
      %convert_element_type3A_469 = arith.extui %lt3A_468 : i1 to i32
      %cond3A_470 = arith.constant 0 : i32
      %cond3A_471 = arith.cmpi ne, %convert_element_type3A_469, %cond3A_470 : i32
      scf.if %cond3A_471 {
        %add3A_889 = arith.constant 2 : i32
        %add3A_890 = arith.addi %mul3A_444, %add3A_889 : i32
        %add3A_891 = arith.addi %mul3A_2, %add3A_890 : i32
        %jit3A_892 = arith.constant 128 : i32
        %div3A_893 = arith.divsi %add3A_891, %jit3A_892 : i32
        %sign3A_894 = arith.constant 0 : i32
        %sign3A_895 = arith.cmpi sgt, %add3A_891, %sign3A_894 : i32
        %sign3A_896 = arith.extui %sign3A_895 : i1 to i32
        %sign3A_897 = arith.constant 0 : i32
        %sign3A_898 = arith.cmpi slt, %add3A_891, %sign3A_897 : i32
        %sign3A_899 = arith.extui %sign3A_898 : i1 to i32
        %sign3A_900 = arith.subi %sign3A_896, %sign3A_899 : i32
        %sign3A_901 = arith.constant 0 : i32
        %sign3A_902 = arith.cmpi sgt, %jit3A_892, %sign3A_901 : i32
        %sign3A_903 = arith.extui %sign3A_902 : i1 to i32
        %sign3A_904 = arith.constant 0 : i32
        %sign3A_905 = arith.cmpi slt, %jit3A_892, %sign3A_904 : i32
        %sign3A_906 = arith.extui %sign3A_905 : i1 to i32
        %sign3A_907 = arith.subi %sign3A_903, %sign3A_906 : i32
        %ne3A_908 = arith.cmpi ne, %sign3A_900, %sign3A_907 : i32
        %rem3A_909 = arith.remsi %add3A_891, %jit3A_892 : i32
        %ne3A_910 = arith.constant 0 : i32
        %ne3A_911 = arith.cmpi ne, %rem3A_909, %ne3A_910 : i32
        %and3A_912 = arith.andi %ne3A_908, %ne3A_911 : i1
        %sub3A_913 = arith.constant 1 : i32
        %sub3A_914 = arith.subi %div3A_893, %sub3A_913 : i32
        %select_n3A_915 = arith.select %and3A_912, %sub3A_914, %div3A_893 : i32
        %jit3A_916 = arith.constant 128 : i32
        %eq3A_917 = arith.constant 0 : i32
        %eq3A_918 = arith.cmpi eq, %jit3A_916, %eq3A_917 : i32
        %jit3A_919 = arith.constant 1 : i32
        %select_n3A_920 = arith.select %eq3A_918, %jit3A_919, %jit3A_916 : i32
        %rem3A_921 = arith.remsi %add3A_891, %select_n3A_920 : i32
        %ne3A_922 = arith.constant 0 : i32
        %ne3A_923 = arith.cmpi ne, %rem3A_921, %ne3A_922 : i32
        %lt3A_924 = arith.constant 0 : i32
        %lt3A_925 = arith.cmpi slt, %rem3A_921, %lt3A_924 : i32
        %lt3A_926 = arith.constant 0 : i32
        %lt3A_927 = arith.cmpi slt, %select_n3A_920, %lt3A_926 : i32
        %ne3A_928 = arith.xori %lt3A_925, %lt3A_927 : i1
        %and3A_929 = arith.andi %ne3A_928, %ne3A_923 : i1
        %add3A_930 = arith.addi %rem3A_921, %select_n3A_920 : i32
        %select_n3A_931 = arith.select %and3A_929, %add3A_930, %rem3A_921 : i32
        %mul3A_932 = arith.constant 128 : i32
        %mul3A_933 = arith.muli %select_n3A_931, %mul3A_932 : i32
        %dma_start3A_934 = arith.constant 0 : i32
        %dma_start3A_935 = arith.constant 0 : i32
        %dma_start3A_936 = tpu.memref_slice %arg5[%dma_start3A_934, %dma_start3A_935] : memref<2x128xi32, #tpu.memory_space<vmem>> -> memref<1x128xi32, #tpu.memory_space<vmem>>
        %dma_start3A_937 = tpu.memref_squeeze %dma_start3A_936 : memref<1x128xi32, #tpu.memory_space<vmem>> -> memref<128xi32, #tpu.memory_space<vmem>>
        %dma_start3A_938 = tpu.memref_slice %arg2[%select_n3A_915, %mul3A_933] : memref<50x16384xi32, #tpu.memory_space<hbm>> -> memref<1x128xi32, #tpu.memory_space<hbm>>
        %dma_start3A_939 = tpu.memref_squeeze %dma_start3A_938 : memref<1x128xi32, #tpu.memory_space<hbm>> -> memref<128xi32, #tpu.memory_space<hbm>>
        %dma_start3A_940 = arith.constant 0 : i32
        %dma_start3A_941 = tpu.memref_slice %arg5[%dma_start3A_934, %dma_start3A_940] : memref<2x128xi32, #tpu.memory_space<vmem>> -> memref<1x128xi32, #tpu.memory_space<vmem>>
        %dma_start3A_942 = tpu.memref_squeeze %dma_start3A_941 : memref<1x128xi32, #tpu.memory_space<vmem>> -> memref<128xi32, #tpu.memory_space<vmem>>
        %dma_start3A_943 = tpu.memref_slice %arg2[%select_n3A_915, %mul3A_933] : memref<50x16384xi32, #tpu.memory_space<hbm>> -> memref<1x128xi32, #tpu.memory_space<hbm>>
        %dma_start3A_944 = tpu.memref_squeeze %dma_start3A_943 : memref<1x128xi32, #tpu.memory_space<hbm>> -> memref<128xi32, #tpu.memory_space<hbm>>
        tpu.enqueue_dma source(%dma_start3A_944 : memref<128xi32, #tpu.memory_space<hbm>>) target(%dma_start3A_942 : memref<128xi32, #tpu.memory_space<vmem>>) target_semaphore(%arg8 : memref<!tpu.dma_semaphore, #tpu.memory_space<semaphore_mem>>)
      } else {
      }
      %ge3A = arith.constant 2 : i32
      %ge3A_472 = arith.cmpi sge, %mul3A_444, %ge3A : i32
      %convert_element_type3A_473 = arith.extui %ge3A_472 : i1 to i32
      %cond3A_474 = arith.constant 0 : i32
      %cond3A_475 = arith.cmpi ne, %convert_element_type3A_473, %cond3A_474 : i32
      scf.if %cond3A_475 {
        %dma_wait3A_889 = arith.constant 0 : i32
        %dma_wait3A_890 = arith.constant 0 : i32
        %dma_wait3A_891 = arith.constant 0 : i32
        %dma_wait3A_892 = arith.constant 0 : i32
        %dma_wait3A_893 = arith.constant 0 : i32
        %dma_wait3A_894 = arith.constant 0 : i32
        %dma_wait3A_895 = tpu.memref_slice %arg7[%dma_wait3A_889, %dma_wait3A_893, %dma_wait3A_894] : memref<2x64x129xf32, #tpu.memory_space<vmem>> -> memref<1x8x128xf32, #tpu.memory_space<vmem>>
        %dma_wait3A_896 = tpu.memref_squeeze %dma_wait3A_895 : memref<1x8x128xf32, #tpu.memory_space<vmem>> -> memref<8x128xf32, #tpu.memory_space<vmem>>
        %dma_wait3A_897 = arith.constant 0 : i32
        %dma_wait3A_898 = arith.constant 0 : i32
        %dma_wait3A_899 = tpu.memref_slice %arg4[%dma_wait3A_890, %dma_wait3A_891, %dma_wait3A_892, %dma_wait3A_897, %dma_wait3A_898] : memref<50x8x128x8x128xf32, #tpu.memory_space<hbm>> -> memref<1x1x1x8x128xf32, #tpu.memory_space<hbm>>
        %dma_wait3A_900 = tpu.memref_squeeze %dma_wait3A_899 : memref<1x1x1x8x128xf32, #tpu.memory_space<hbm>> -> memref<8x128xf32, #tpu.memory_space<hbm>>
        %dma_wait3A_901 = arith.constant 0 : i32
        %dma_wait3A_902 = arith.constant 0 : i32
        %dma_wait3A_903 = tpu.memref_slice %arg4[%dma_wait3A_890, %dma_wait3A_891, %dma_wait3A_892, %dma_wait3A_901, %dma_wait3A_902] : memref<50x8x128x8x128xf32, #tpu.memory_space<hbm>> -> memref<1x1x1x8x128xf32, #tpu.memory_space<hbm>>
        %dma_wait3A_904 = tpu.memref_squeeze %dma_wait3A_903 : memref<1x1x1x8x128xf32, #tpu.memory_space<hbm>> -> memref<8x128xf32, #tpu.memory_space<hbm>>
        %dma_wait3A_905 = arith.constant 0 : i32
        %dma_wait3A_906 = arith.constant 0 : i32
        %dma_wait3A_907 = tpu.memref_slice %arg7[%dma_wait3A_889, %dma_wait3A_905, %dma_wait3A_906] : memref<2x64x129xf32, #tpu.memory_space<vmem>> -> memref<1x8x128xf32, #tpu.memory_space<vmem>>
        %dma_wait3A_908 = tpu.memref_squeeze %dma_wait3A_907 : memref<1x8x128xf32, #tpu.memory_space<vmem>> -> memref<8x128xf32, #tpu.memory_space<vmem>>
        tpu.wait_dma2 semaphore(%arg12 : memref<!tpu.dma_semaphore, #tpu.memory_space<semaphore_mem>>) src(%dma_wait3A_908 : memref<8x128xf32, #tpu.memory_space<vmem>>) dst(%dma_wait3A_904 : memref<8x128xf32, #tpu.memory_space<hbm>>)
        %dma_wait3A_909 = arith.constant 0 : i32
        %dma_wait3A_910 = arith.constant 0 : i32
        %dma_wait3A_911 = arith.constant 0 : i32
        %dma_wait3A_912 = arith.constant 0 : i32
        %dma_wait3A_913 = arith.constant 0 : i32
        %dma_wait3A_914 = arith.constant 0 : i32
        %dma_wait3A_915 = tpu.memref_slice %arg7[%dma_wait3A_909, %dma_wait3A_913, %dma_wait3A_914] : memref<2x64x129xf32, #tpu.memory_space<vmem>> -> memref<1x8x128xf32, #tpu.memory_space<vmem>>
        %dma_wait3A_916 = tpu.memref_squeeze %dma_wait3A_915 : memref<1x8x128xf32, #tpu.memory_space<vmem>> -> memref<8x128xf32, #tpu.memory_space<vmem>>
        %dma_wait3A_917 = arith.constant 0 : i32
        %dma_wait3A_918 = arith.constant 0 : i32
        %dma_wait3A_919 = tpu.memref_slice %arg4[%dma_wait3A_910, %dma_wait3A_911, %dma_wait3A_912, %dma_wait3A_917, %dma_wait3A_918] : memref<50x8x128x8x128xf32, #tpu.memory_space<hbm>> -> memref<1x1x1x8x128xf32, #tpu.memory_space<hbm>>
        %dma_wait3A_920 = tpu.memref_squeeze %dma_wait3A_919 : memref<1x1x1x8x128xf32, #tpu.memory_space<hbm>> -> memref<8x128xf32, #tpu.memory_space<hbm>>
        %dma_wait3A_921 = arith.constant 0 : i32
        %dma_wait3A_922 = arith.constant 0 : i32
        %dma_wait3A_923 = tpu.memref_slice %arg4[%dma_wait3A_910, %dma_wait3A_911, %dma_wait3A_912, %dma_wait3A_921, %dma_wait3A_922] : memref<50x8x128x8x128xf32, #tpu.memory_space<hbm>> -> memref<1x1x1x8x128xf32, #tpu.memory_space<hbm>>
        %dma_wait3A_924 = tpu.memref_squeeze %dma_wait3A_923 : memref<1x1x1x8x128xf32, #tpu.memory_space<hbm>> -> memref<8x128xf32, #tpu.memory_space<hbm>>
        %dma_wait3A_925 = arith.constant 0 : i32
        %dma_wait3A_926 = arith.constant 0 : i32
        %dma_wait3A_927 = tpu.memref_slice %arg7[%dma_wait3A_909, %dma_wait3A_925, %dma_wait3A_926] : memref<2x64x129xf32, #tpu.memory_space<vmem>> -> memref<1x8x128xf32, #tpu.memory_space<vmem>>
        %dma_wait3A_928 = tpu.memref_squeeze %dma_wait3A_927 : memref<1x8x128xf32, #tpu.memory_space<vmem>> -> memref<8x128xf32, #tpu.memory_space<vmem>>
        tpu.wait_dma2 semaphore(%arg12 : memref<!tpu.dma_semaphore, #tpu.memory_space<semaphore_mem>>) src(%dma_wait3A_928 : memref<8x128xf32, #tpu.memory_space<vmem>>) dst(%dma_wait3A_924 : memref<8x128xf32, #tpu.memory_space<hbm>>)
        %dma_wait3A_929 = arith.constant 0 : i32
        %dma_wait3A_930 = arith.constant 0 : i32
        %dma_wait3A_931 = arith.constant 0 : i32
        %dma_wait3A_932 = arith.constant 0 : i32
        %dma_wait3A_933 = arith.constant 0 : i32
        %dma_wait3A_934 = arith.constant 0 : i32
        %dma_wait3A_935 = tpu.memref_slice %arg7[%dma_wait3A_929, %dma_wait3A_933, %dma_wait3A_934] : memref<2x64x129xf32, #tpu.memory_space<vmem>> -> memref<1x8x128xf32, #tpu.memory_space<vmem>>
        %dma_wait3A_936 = tpu.memref_squeeze %dma_wait3A_935 : memref<1x8x128xf32, #tpu.memory_space<vmem>> -> memref<8x128xf32, #tpu.memory_space<vmem>>
        %dma_wait3A_937 = arith.constant 0 : i32
        %dma_wait3A_938 = arith.constant 0 : i32
        %dma_wait3A_939 = tpu.memref_slice %arg4[%dma_wait3A_930, %dma_wait3A_931, %dma_wait3A_932, %dma_wait3A_937, %dma_wait3A_938] : memref<50x8x128x8x128xf32, #tpu.memory_space<hbm>> -> memref<1x1x1x8x128xf32, #tpu.memory_space<hbm>>
        %dma_wait3A_940 = tpu.memref_squeeze %dma_wait3A_939 : memref<1x1x1x8x128xf32, #tpu.memory_space<hbm>> -> memref<8x128xf32, #tpu.memory_space<hbm>>
        %dma_wait3A_941 = arith.constant 0 : i32
        %dma_wait3A_942 = arith.constant 0 : i32
        %dma_wait3A_943 = tpu.memref_slice %arg4[%dma_wait3A_930, %dma_wait3A_931, %dma_wait3A_932, %dma_wait3A_941, %dma_wait3A_942] : memref<50x8x128x8x128xf32, #tpu.memory_space<hbm>> -> memref<1x1x1x8x128xf32, #tpu.memory_space<hbm>>
        %dma_wait3A_944 = tpu.memref_squeeze %dma_wait3A_943 : memref<1x1x1x8x128xf32, #tpu.memory_space<hbm>> -> memref<8x128xf32, #tpu.memory_space<hbm>>
        %dma_wait3A_945 = arith.constant 0 : i32
        %dma_wait3A_946 = arith.constant 0 : i32
        %dma_wait3A_947 = tpu.memref_slice %arg7[%dma_wait3A_929, %dma_wait3A_945, %dma_wait3A_946] : memref<2x64x129xf32, #tpu.memory_space<vmem>> -> memref<1x8x128xf32, #tpu.memory_space<vmem>>
        %dma_wait3A_948 = tpu.memref_squeeze %dma_wait3A_947 : memref<1x8x128xf32, #tpu.memory_space<vmem>> -> memref<8x128xf32, #tpu.memory_space<vmem>>
        tpu.wait_dma2 semaphore(%arg12 : memref<!tpu.dma_semaphore, #tpu.memory_space<semaphore_mem>>) src(%dma_wait3A_948 : memref<8x128xf32, #tpu.memory_space<vmem>>) dst(%dma_wait3A_944 : memref<8x128xf32, #tpu.memory_space<hbm>>)
        %dma_wait3A_949 = arith.constant 0 : i32
        %dma_wait3A_950 = arith.constant 0 : i32
        %dma_wait3A_951 = arith.constant 0 : i32
        %dma_wait3A_952 = arith.constant 0 : i32
        %dma_wait3A_953 = arith.constant 0 : i32
        %dma_wait3A_954 = arith.constant 0 : i32
        %dma_wait3A_955 = tpu.memref_slice %arg7[%dma_wait3A_949, %dma_wait3A_953, %dma_wait3A_954] : memref<2x64x129xf32, #tpu.memory_space<vmem>> -> memref<1x8x128xf32, #tpu.memory_space<vmem>>
        %dma_wait3A_956 = tpu.memref_squeeze %dma_wait3A_955 : memref<1x8x128xf32, #tpu.memory_space<vmem>> -> memref<8x128xf32, #tpu.memory_space<vmem>>
        %dma_wait3A_957 = arith.constant 0 : i32
        %dma_wait3A_958 = arith.constant 0 : i32
        %dma_wait3A_959 = tpu.memref_slice %arg4[%dma_wait3A_950, %dma_wait3A_951, %dma_wait3A_952, %dma_wait3A_957, %dma_wait3A_958] : memref<50x8x128x8x128xf32, #tpu.memory_space<hbm>> -> memref<1x1x1x8x128xf32, #tpu.memory_space<hbm>>
        %dma_wait3A_960 = tpu.memref_squeeze %dma_wait3A_959 : memref<1x1x1x8x128xf32, #tpu.memory_space<hbm>> -> memref<8x128xf32, #tpu.memory_space<hbm>>
        %dma_wait3A_961 = arith.constant 0 : i32
        %dma_wait3A_962 = arith.constant 0 : i32
        %dma_wait3A_963 = tpu.memref_slice %arg4[%dma_wait3A_950, %dma_wait3A_951, %dma_wait3A_952, %dma_wait3A_961, %dma_wait3A_962] : memref<50x8x128x8x128xf32, #tpu.memory_space<hbm>> -> memref<1x1x1x8x128xf32, #tpu.memory_space<hbm>>
        %dma_wait3A_964 = tpu.memref_squeeze %dma_wait3A_963 : memref<1x1x1x8x128xf32, #tpu.memory_space<hbm>> -> memref<8x128xf32, #tpu.memory_space<hbm>>
        %dma_wait3A_965 = arith.constant 0 : i32
        %dma_wait3A_966 = arith.constant 0 : i32
        %dma_wait3A_967 = tpu.memref_slice %arg7[%dma_wait3A_949, %dma_wait3A_965, %dma_wait3A_966] : memref<2x64x129xf32, #tpu.memory_space<vmem>> -> memref<1x8x128xf32, #tpu.memory_space<vmem>>
        %dma_wait3A_968 = tpu.memref_squeeze %dma_wait3A_967 : memref<1x8x128xf32, #tpu.memory_space<vmem>> -> memref<8x128xf32, #tpu.memory_space<vmem>>
        tpu.wait_dma2 semaphore(%arg12 : memref<!tpu.dma_semaphore, #tpu.memory_space<semaphore_mem>>) src(%dma_wait3A_968 : memref<8x128xf32, #tpu.memory_space<vmem>>) dst(%dma_wait3A_964 : memref<8x128xf32, #tpu.memory_space<hbm>>)
        %dma_wait3A_969 = arith.constant 0 : i32
        %dma_wait3A_970 = arith.constant 0 : i32
        %dma_wait3A_971 = arith.constant 0 : i32
        %dma_wait3A_972 = arith.constant 0 : i32
        %dma_wait3A_973 = arith.constant 0 : i32
        %dma_wait3A_974 = arith.constant 0 : i32
        %dma_wait3A_975 = tpu.memref_slice %arg7[%dma_wait3A_969, %dma_wait3A_973, %dma_wait3A_974] : memref<2x64x129xf32, #tpu.memory_space<vmem>> -> memref<1x8x128xf32, #tpu.memory_space<vmem>>
        %dma_wait3A_976 = tpu.memref_squeeze %dma_wait3A_975 : memref<1x8x128xf32, #tpu.memory_space<vmem>> -> memref<8x128xf32, #tpu.memory_space<vmem>>
        %dma_wait3A_977 = arith.constant 0 : i32
        %dma_wait3A_978 = arith.constant 0 : i32
        %dma_wait3A_979 = tpu.memref_slice %arg4[%dma_wait3A_970, %dma_wait3A_971, %dma_wait3A_972, %dma_wait3A_977, %dma_wait3A_978] : memref<50x8x128x8x128xf32, #tpu.memory_space<hbm>> -> memref<1x1x1x8x128xf32, #tpu.memory_space<hbm>>
        %dma_wait3A_980 = tpu.memref_squeeze %dma_wait3A_979 : memref<1x1x1x8x128xf32, #tpu.memory_space<hbm>> -> memref<8x128xf32, #tpu.memory_space<hbm>>
        %dma_wait3A_981 = arith.constant 0 : i32
        %dma_wait3A_982 = arith.constant 0 : i32
        %dma_wait3A_983 = tpu.memref_slice %arg4[%dma_wait3A_970, %dma_wait3A_971, %dma_wait3A_972, %dma_wait3A_981, %dma_wait3A_982] : memref<50x8x128x8x128xf32, #tpu.memory_space<hbm>> -> memref<1x1x1x8x128xf32, #tpu.memory_space<hbm>>
        %dma_wait3A_984 = tpu.memref_squeeze %dma_wait3A_983 : memref<1x1x1x8x128xf32, #tpu.memory_space<hbm>> -> memref<8x128xf32, #tpu.memory_space<hbm>>
        %dma_wait3A_985 = arith.constant 0 : i32
        %dma_wait3A_986 = arith.constant 0 : i32
        %dma_wait3A_987 = tpu.memref_slice %arg7[%dma_wait3A_969, %dma_wait3A_985, %dma_wait3A_986] : memref<2x64x129xf32, #tpu.memory_space<vmem>> -> memref<1x8x128xf32, #tpu.memory_space<vmem>>
        %dma_wait3A_988 = tpu.memref_squeeze %dma_wait3A_987 : memref<1x8x128xf32, #tpu.memory_space<vmem>> -> memref<8x128xf32, #tpu.memory_space<vmem>>
        tpu.wait_dma2 semaphore(%arg12 : memref<!tpu.dma_semaphore, #tpu.memory_space<semaphore_mem>>) src(%dma_wait3A_988 : memref<8x128xf32, #tpu.memory_space<vmem>>) dst(%dma_wait3A_984 : memref<8x128xf32, #tpu.memory_space<hbm>>)
        %dma_wait3A_989 = arith.constant 0 : i32
        %dma_wait3A_990 = arith.constant 0 : i32
        %dma_wait3A_991 = arith.constant 0 : i32
        %dma_wait3A_992 = arith.constant 0 : i32
        %dma_wait3A_993 = arith.constant 0 : i32
        %dma_wait3A_994 = arith.constant 0 : i32
        %dma_wait3A_995 = tpu.memref_slice %arg7[%dma_wait3A_989, %dma_wait3A_993, %dma_wait3A_994] : memref<2x64x129xf32, #tpu.memory_space<vmem>> -> memref<1x8x128xf32, #tpu.memory_space<vmem>>
        %dma_wait3A_996 = tpu.memref_squeeze %dma_wait3A_995 : memref<1x8x128xf32, #tpu.memory_space<vmem>> -> memref<8x128xf32, #tpu.memory_space<vmem>>
        %dma_wait3A_997 = arith.constant 0 : i32
        %dma_wait3A_998 = arith.constant 0 : i32
        %dma_wait3A_999 = tpu.memref_slice %arg4[%dma_wait3A_990, %dma_wait3A_991, %dma_wait3A_992, %dma_wait3A_997, %dma_wait3A_998] : memref<50x8x128x8x128xf32, #tpu.memory_space<hbm>> -> memref<1x1x1x8x128xf32, #tpu.memory_space<hbm>>
        %dma_wait3A_1000 = tpu.memref_squeeze %dma_wait3A_999 : memref<1x1x1x8x128xf32, #tpu.memory_space<hbm>> -> memref<8x128xf32, #tpu.memory_space<hbm>>
        %dma_wait3A_1001 = arith.constant 0 : i32
        %dma_wait3A_1002 = arith.constant 0 : i32
        %dma_wait3A_1003 = tpu.memref_slice %arg4[%dma_wait3A_990, %dma_wait3A_991, %dma_wait3A_992, %dma_wait3A_1001, %dma_wait3A_1002] : memref<50x8x128x8x128xf32, #tpu.memory_space<hbm>> -> memref<1x1x1x8x128xf32, #tpu.memory_space<hbm>>
        %dma_wait3A_1004 = tpu.memref_squeeze %dma_wait3A_1003 : memref<1x1x1x8x128xf32, #tpu.memory_space<hbm>> -> memref<8x128xf32, #tpu.memory_space<hbm>>
        %dma_wait3A_1005 = arith.constant 0 : i32
        %dma_wait3A_1006 = arith.constant 0 : i32
        %dma_wait3A_1007 = tpu.memref_slice %arg7[%dma_wait3A_989, %dma_wait3A_1005, %dma_wait3A_1006] : memref<2x64x129xf32, #tpu.memory_space<vmem>> -> memref<1x8x128xf32, #tpu.memory_space<vmem>>
        %dma_wait3A_1008 = tpu.memref_squeeze %dma_wait3A_1007 : memref<1x8x128xf32, #tpu.memory_space<vmem>> -> memref<8x128xf32, #tpu.memory_space<vmem>>
        tpu.wait_dma2 semaphore(%arg12 : memref<!tpu.dma_semaphore, #tpu.memory_space<semaphore_mem>>) src(%dma_wait3A_1008 : memref<8x128xf32, #tpu.memory_space<vmem>>) dst(%dma_wait3A_1004 : memref<8x128xf32, #tpu.memory_space<hbm>>)
        %dma_wait3A_1009 = arith.constant 0 : i32
        %dma_wait3A_1010 = arith.constant 0 : i32
        %dma_wait3A_1011 = arith.constant 0 : i32
        %dma_wait3A_1012 = arith.constant 0 : i32
        %dma_wait3A_1013 = arith.constant 0 : i32
        %dma_wait3A_1014 = arith.constant 0 : i32
        %dma_wait3A_1015 = tpu.memref_slice %arg7[%dma_wait3A_1009, %dma_wait3A_1013, %dma_wait3A_1014] : memref<2x64x129xf32, #tpu.memory_space<vmem>> -> memref<1x8x128xf32, #tpu.memory_space<vmem>>
        %dma_wait3A_1016 = tpu.memref_squeeze %dma_wait3A_1015 : memref<1x8x128xf32, #tpu.memory_space<vmem>> -> memref<8x128xf32, #tpu.memory_space<vmem>>
        %dma_wait3A_1017 = arith.constant 0 : i32
        %dma_wait3A_1018 = arith.constant 0 : i32
        %dma_wait3A_1019 = tpu.memref_slice %arg4[%dma_wait3A_1010, %dma_wait3A_1011, %dma_wait3A_1012, %dma_wait3A_1017, %dma_wait3A_1018] : memref<50x8x128x8x128xf32, #tpu.memory_space<hbm>> -> memref<1x1x1x8x128xf32, #tpu.memory_space<hbm>>
        %dma_wait3A_1020 = tpu.memref_squeeze %dma_wait3A_1019 : memref<1x1x1x8x128xf32, #tpu.memory_space<hbm>> -> memref<8x128xf32, #tpu.memory_space<hbm>>
        %dma_wait3A_1021 = arith.constant 0 : i32
        %dma_wait3A_1022 = arith.constant 0 : i32
        %dma_wait3A_1023 = tpu.memref_slice %arg4[%dma_wait3A_1010, %dma_wait3A_1011, %dma_wait3A_1012, %dma_wait3A_1021, %dma_wait3A_1022] : memref<50x8x128x8x128xf32, #tpu.memory_space<hbm>> -> memref<1x1x1x8x128xf32, #tpu.memory_space<hbm>>
        %dma_wait3A_1024 = tpu.memref_squeeze %dma_wait3A_1023 : memref<1x1x1x8x128xf32, #tpu.memory_space<hbm>> -> memref<8x128xf32, #tpu.memory_space<hbm>>
        %dma_wait3A_1025 = arith.constant 0 : i32
        %dma_wait3A_1026 = arith.constant 0 : i32
        %dma_wait3A_1027 = tpu.memref_slice %arg7[%dma_wait3A_1009, %dma_wait3A_1025, %dma_wait3A_1026] : memref<2x64x129xf32, #tpu.memory_space<vmem>> -> memref<1x8x128xf32, #tpu.memory_space<vmem>>
        %dma_wait3A_1028 = tpu.memref_squeeze %dma_wait3A_1027 : memref<1x8x128xf32, #tpu.memory_space<vmem>> -> memref<8x128xf32, #tpu.memory_space<vmem>>
        tpu.wait_dma2 semaphore(%arg12 : memref<!tpu.dma_semaphore, #tpu.memory_space<semaphore_mem>>) src(%dma_wait3A_1028 : memref<8x128xf32, #tpu.memory_space<vmem>>) dst(%dma_wait3A_1024 : memref<8x128xf32, #tpu.memory_space<hbm>>)
        %dma_wait3A_1029 = arith.constant 0 : i32
        %dma_wait3A_1030 = arith.constant 0 : i32
        %dma_wait3A_1031 = arith.constant 0 : i32
        %dma_wait3A_1032 = arith.constant 0 : i32
        %dma_wait3A_1033 = arith.constant 0 : i32
        %dma_wait3A_1034 = arith.constant 0 : i32
        %dma_wait3A_1035 = tpu.memref_slice %arg7[%dma_wait3A_1029, %dma_wait3A_1033, %dma_wait3A_1034] : memref<2x64x129xf32, #tpu.memory_space<vmem>> -> memref<1x8x128xf32, #tpu.memory_space<vmem>>
        %dma_wait3A_1036 = tpu.memref_squeeze %dma_wait3A_1035 : memref<1x8x128xf32, #tpu.memory_space<vmem>> -> memref<8x128xf32, #tpu.memory_space<vmem>>
        %dma_wait3A_1037 = arith.constant 0 : i32
        %dma_wait3A_1038 = arith.constant 0 : i32
        %dma_wait3A_1039 = tpu.memref_slice %arg4[%dma_wait3A_1030, %dma_wait3A_1031, %dma_wait3A_1032, %dma_wait3A_1037, %dma_wait3A_1038] : memref<50x8x128x8x128xf32, #tpu.memory_space<hbm>> -> memref<1x1x1x8x128xf32, #tpu.memory_space<hbm>>
        %dma_wait3A_1040 = tpu.memref_squeeze %dma_wait3A_1039 : memref<1x1x1x8x128xf32, #tpu.memory_space<hbm>> -> memref<8x128xf32, #tpu.memory_space<hbm>>
        %dma_wait3A_1041 = arith.constant 0 : i32
        %dma_wait3A_1042 = arith.constant 0 : i32
        %dma_wait3A_1043 = tpu.memref_slice %arg4[%dma_wait3A_1030, %dma_wait3A_1031, %dma_wait3A_1032, %dma_wait3A_1041, %dma_wait3A_1042] : memref<50x8x128x8x128xf32, #tpu.memory_space<hbm>> -> memref<1x1x1x8x128xf32, #tpu.memory_space<hbm>>
        %dma_wait3A_1044 = tpu.memref_squeeze %dma_wait3A_1043 : memref<1x1x1x8x128xf32, #tpu.memory_space<hbm>> -> memref<8x128xf32, #tpu.memory_space<hbm>>
        %dma_wait3A_1045 = arith.constant 0 : i32
        %dma_wait3A_1046 = arith.constant 0 : i32
        %dma_wait3A_1047 = tpu.memref_slice %arg7[%dma_wait3A_1029, %dma_wait3A_1045, %dma_wait3A_1046] : memref<2x64x129xf32, #tpu.memory_space<vmem>> -> memref<1x8x128xf32, #tpu.memory_space<vmem>>
        %dma_wait3A_1048 = tpu.memref_squeeze %dma_wait3A_1047 : memref<1x8x128xf32, #tpu.memory_space<vmem>> -> memref<8x128xf32, #tpu.memory_space<vmem>>
        tpu.wait_dma2 semaphore(%arg12 : memref<!tpu.dma_semaphore, #tpu.memory_space<semaphore_mem>>) src(%dma_wait3A_1048 : memref<8x128xf32, #tpu.memory_space<vmem>>) dst(%dma_wait3A_1044 : memref<8x128xf32, #tpu.memory_space<hbm>>)
      } else {
      }
      %parallel_loop3A = arith.constant 0 : i32
      %parallel_loop3A_476 = arith.constant 128 : i32
      %parallel_loop3A_477 = arith.constant 1 : i32
      scf.for %parallel_loop3A_889 = %parallel_loop3A to %parallel_loop3A_476 step %parallel_loop3A_477  : i32 {
        %parallel_loop3A_890 = arith.constant 0 : i32
        %parallel_loop3A_891 = vector.broadcast %parallel_loop3A_890 : i32 to vector<16xi32>
        %parallel_loop3A_892 = arith.muli %iota3A, %parallel_loop3A_891 : vector<16xi32>
        %parallel_loop3A_893 = vector.broadcast %parallel_loop3A_889 : i32 to vector<16xi32>
        %parallel_loop3A_894 = arith.addi %parallel_loop3A_892, %parallel_loop3A_893 : vector<16xi32>
        %parallel_loop3A_895 = arith.constant 0 : i32
        %parallel_loop3A_896 = arith.constant 0 : i32
        %parallel_loop3A_897 = tpu.memref_slice %arg6[%parallel_loop3A_895, %parallel_loop3A_889, %parallel_loop3A_896] : memref<2x128x64xf32, #tpu.memory_space<vmem>> -> memref<1x1x64xf32, #tpu.memory_space<vmem>>
        %parallel_loop3A_898 = tpu.memref_squeeze %parallel_loop3A_897 : memref<1x1x64xf32, #tpu.memory_space<vmem>> -> memref<64xf32, #tpu.memory_space<vmem>>
        %parallel_loop3A_899 = tpu.vector_load_idx %parallel_loop3A_898[%add3A_5] : memref<64xf32, #tpu.memory_space<vmem>>[vector<16xi32>], vector<16xf32>,
        %parallel_loop3A_900 = arith.constant 0 : i32
        %parallel_loop3A_901 = arith.constant 0 : i32
        %parallel_loop3A_902 = arith.constant 0 : i32
        %parallel_loop3A_903 = tpu.memref_slice %arg7[%parallel_loop3A_900, %parallel_loop3A_901, %parallel_loop3A_902] : memref<2x64x129xf32, #tpu.memory_space<vmem>> -> memref<1x64x129xf32, #tpu.memory_space<vmem>>
        %parallel_loop3A_904 = tpu.memref_squeeze %parallel_loop3A_903 : memref<1x64x129xf32, #tpu.memory_space<vmem>> -> memref<64x129xf32, #tpu.memory_space<vmem>>
        tpu.vector_store_idx %parallel_loop3A_904[%add3A_5, %parallel_loop3A_894], %parallel_loop3A_899 : memref<64x129xf32, #tpu.memory_space<vmem>>[vector<16xi32>, vector<16xi32>], vector<16xf32>,
        %parallel_loop3A_905 = arith.constant 0 : i32
        %parallel_loop3A_906 = arith.constant 0 : i32
        %parallel_loop3A_907 = tpu.memref_slice %arg6[%parallel_loop3A_905, %parallel_loop3A_889, %parallel_loop3A_906] : memref<2x128x64xf32, #tpu.memory_space<vmem>> -> memref<1x1x64xf32, #tpu.memory_space<vmem>>
        %parallel_loop3A_908 = tpu.memref_squeeze %parallel_loop3A_907 : memref<1x1x64xf32, #tpu.memory_space<vmem>> -> memref<64xf32, #tpu.memory_space<vmem>>
        %parallel_loop3A_909 = tpu.vector_load_idx %parallel_loop3A_908[%add3A_8] : memref<64xf32, #tpu.memory_space<vmem>>[vector<16xi32>], vector<16xf32>,
        %parallel_loop3A_910 = arith.constant 0 : i32
        %parallel_loop3A_911 = arith.constant 0 : i32
        %parallel_loop3A_912 = arith.constant 0 : i32
        %parallel_loop3A_913 = tpu.memref_slice %arg7[%parallel_loop3A_910, %parallel_loop3A_911, %parallel_loop3A_912] : memref<2x64x129xf32, #tpu.memory_space<vmem>> -> memref<1x64x129xf32, #tpu.memory_space<vmem>>
        %parallel_loop3A_914 = tpu.memref_squeeze %parallel_loop3A_913 : memref<1x64x129xf32, #tpu.memory_space<vmem>> -> memref<64x129xf32, #tpu.memory_space<vmem>>
        tpu.vector_store_idx %parallel_loop3A_914[%add3A_8, %parallel_loop3A_894], %parallel_loop3A_909 : memref<64x129xf32, #tpu.memory_space<vmem>>[vector<16xi32>, vector<16xi32>], vector<16xf32>,
        %parallel_loop3A_915 = arith.constant 0 : i32
        %parallel_loop3A_916 = arith.constant 0 : i32
        %parallel_loop3A_917 = tpu.memref_slice %arg6[%parallel_loop3A_915, %parallel_loop3A_889, %parallel_loop3A_916] : memref<2x128x64xf32, #tpu.memory_space<vmem>> -> memref<1x1x64xf32, #tpu.memory_space<vmem>>
        %parallel_loop3A_918 = tpu.memref_squeeze %parallel_loop3A_917 : memref<1x1x64xf32, #tpu.memory_space<vmem>> -> memref<64xf32, #tpu.memory_space<vmem>>
        %parallel_loop3A_919 = tpu.vector_load_idx %parallel_loop3A_918[%add3A_11] : memref<64xf32, #tpu.memory_space<vmem>>[vector<16xi32>], vector<16xf32>,
        %parallel_loop3A_920 = arith.constant 0 : i32
        %parallel_loop3A_921 = arith.constant 0 : i32
        %parallel_loop3A_922 = arith.constant 0 : i32
        %parallel_loop3A_923 = tpu.memref_slice %arg7[%parallel_loop3A_920, %parallel_loop3A_921, %parallel_loop3A_922] : memref<2x64x129xf32, #tpu.memory_space<vmem>> -> memref<1x64x129xf32, #tpu.memory_space<vmem>>
        %parallel_loop3A_924 = tpu.memref_squeeze %parallel_loop3A_923 : memref<1x64x129xf32, #tpu.memory_space<vmem>> -> memref<64x129xf32, #tpu.memory_space<vmem>>
        tpu.vector_store_idx %parallel_loop3A_924[%add3A_11, %parallel_loop3A_894], %parallel_loop3A_919 : memref<64x129xf32, #tpu.memory_space<vmem>>[vector<16xi32>, vector<16xi32>], vector<16xf32>,
        %parallel_loop3A_925 = arith.constant 0 : i32
        %parallel_loop3A_926 = arith.constant 0 : i32
        %parallel_loop3A_927 = tpu.memref_slice %arg6[%parallel_loop3A_925, %parallel_loop3A_889, %parallel_loop3A_926] : memref<2x128x64xf32, #tpu.memory_space<vmem>> -> memref<1x1x64xf32, #tpu.memory_space<vmem>>
        %parallel_loop3A_928 = tpu.memref_squeeze %parallel_loop3A_927 : memref<1x1x64xf32, #tpu.memory_space<vmem>> -> memref<64xf32, #tpu.memory_space<vmem>>
        %parallel_loop3A_929 = tpu.vector_load_idx %parallel_loop3A_928[%add3A_14] : memref<64xf32, #tpu.memory_space<vmem>>[vector<16xi32>], vector<16xf32>,
        %parallel_loop3A_930 = arith.constant 0 : i32
        %parallel_loop3A_931 = arith.constant 0 : i32
        %parallel_loop3A_932 = arith.constant 0 : i32
        %parallel_loop3A_933 = tpu.memref_slice %arg7[%parallel_loop3A_930, %parallel_loop3A_931, %parallel_loop3A_932] : memref<2x64x129xf32, #tpu.memory_space<vmem>> -> memref<1x64x129xf32, #tpu.memory_space<vmem>>
        %parallel_loop3A_934 = tpu.memref_squeeze %parallel_loop3A_933 : memref<1x64x129xf32, #tpu.memory_space<vmem>> -> memref<64x129xf32, #tpu.memory_space<vmem>>
        tpu.vector_store_idx %parallel_loop3A_934[%add3A_14, %parallel_loop3A_894], %parallel_loop3A_929 : memref<64x129xf32, #tpu.memory_space<vmem>>[vector<16xi32>, vector<16xi32>], vector<16xf32>,
      } {sc.loop_unroll_factor = 8 : i64, sc.parallel_access}
      %add3A_478 = arith.addi %mul3A_2, %mul3A_444 : i32
      %jit3A_479 = arith.constant 128 : i32
      %div3A_480 = arith.divsi %add3A_478, %jit3A_479 : i32
      %sign3A_481 = arith.constant 0 : i32
      %sign3A_482 = arith.cmpi sgt, %add3A_478, %sign3A_481 : i32
      %sign3A_483 = arith.extui %sign3A_482 : i1 to i32
      %sign3A_484 = arith.constant 0 : i32
      %sign3A_485 = arith.cmpi slt, %add3A_478, %sign3A_484 : i32
      %sign3A_486 = arith.extui %sign3A_485 : i1 to i32
      %sign3A_487 = arith.subi %sign3A_483, %sign3A_486 : i32
      %sign3A_488 = arith.constant 0 : i32
      %sign3A_489 = arith.cmpi sgt, %jit3A_479, %sign3A_488 : i32
      %sign3A_490 = arith.extui %sign3A_489 : i1 to i32
      %sign3A_491 = arith.constant 0 : i32
      %sign3A_492 = arith.cmpi slt, %jit3A_479, %sign3A_491 : i32
      %sign3A_493 = arith.extui %sign3A_492 : i1 to i32
      %sign3A_494 = arith.subi %sign3A_490, %sign3A_493 : i32
      %ne3A_495 = arith.cmpi ne, %sign3A_487, %sign3A_494 : i32
      %rem3A_496 = arith.remsi %add3A_478, %jit3A_479 : i32
      %ne3A_497 = arith.constant 0 : i32
      %ne3A_498 = arith.cmpi ne, %rem3A_496, %ne3A_497 : i32
      %and3A_499 = arith.andi %ne3A_495, %ne3A_498 : i1
      %sub3A_500 = arith.constant 1 : i32
      %sub3A_501 = arith.subi %div3A_480, %sub3A_500 : i32
      %select_n3A_502 = arith.select %and3A_499, %sub3A_501, %div3A_480 : i32
      %jit3A_503 = arith.constant 128 : i32
      %eq3A_504 = arith.constant 0 : i32
      %eq3A_505 = arith.cmpi eq, %jit3A_503, %eq3A_504 : i32
      %jit3A_506 = arith.constant 1 : i32
      %select_n3A_507 = arith.select %eq3A_505, %jit3A_506, %jit3A_503 : i32
      %rem3A_508 = arith.remsi %add3A_478, %select_n3A_507 : i32
      %ne3A_509 = arith.constant 0 : i32
      %ne3A_510 = arith.cmpi ne, %rem3A_508, %ne3A_509 : i32
      %lt3A_511 = arith.constant 0 : i32
      %lt3A_512 = arith.cmpi slt, %rem3A_508, %lt3A_511 : i32
      %lt3A_513 = arith.constant 0 : i32
      %lt3A_514 = arith.cmpi slt, %select_n3A_507, %lt3A_513 : i32
      %ne3A_515 = arith.xori %lt3A_512, %lt3A_514 : i1
      %and3A_516 = arith.andi %ne3A_515, %ne3A_510 : i1
      %add3A_517 = arith.addi %rem3A_508, %select_n3A_507 : i32
      %select_n3A_518 = arith.select %and3A_516, %add3A_517, %rem3A_508 : i32
      %dma_start3A_519 = arith.constant 0 : i32
      %dma_start3A_520 = arith.constant 0 : i32
      %dma_start3A_521 = arith.constant 0 : i32
      %dma_start3A_522 = arith.constant 0 : i32
      %dma_start3A_523 = tpu.memref_slice %arg7[%dma_start3A_519, %dma_start3A_521, %dma_start3A_522] : memref<2x64x129xf32, #tpu.memory_space<vmem>> -> memref<1x8x128xf32, #tpu.memory_space<vmem>>
      %dma_start3A_524 = tpu.memref_squeeze %dma_start3A_523 : memref<1x8x128xf32, #tpu.memory_space<vmem>> -> memref<8x128xf32, #tpu.memory_space<vmem>>
      %dma_start3A_525 = arith.constant 0 : i32
      %dma_start3A_526 = arith.constant 0 : i32
      %dma_start3A_527 = tpu.memref_slice %arg4[%select_n3A_502, %dma_start3A_520, %select_n3A_518, %dma_start3A_525, %dma_start3A_526] : memref<50x8x128x8x128xf32, #tpu.memory_space<hbm>> -> memref<1x1x1x8x128xf32, #tpu.memory_space<hbm>>
      %dma_start3A_528 = tpu.memref_squeeze %dma_start3A_527 : memref<1x1x1x8x128xf32, #tpu.memory_space<hbm>> -> memref<8x128xf32, #tpu.memory_space<hbm>>
      %dma_start3A_529 = arith.constant 0 : i32
      %dma_start3A_530 = arith.constant 0 : i32
      %dma_start3A_531 = tpu.memref_slice %arg4[%select_n3A_502, %dma_start3A_520, %select_n3A_518, %dma_start3A_529, %dma_start3A_530] : memref<50x8x128x8x128xf32, #tpu.memory_space<hbm>> -> memref<1x1x1x8x128xf32, #tpu.memory_space<hbm>>
      %dma_start3A_532 = tpu.memref_squeeze %dma_start3A_531 : memref<1x1x1x8x128xf32, #tpu.memory_space<hbm>> -> memref<8x128xf32, #tpu.memory_space<hbm>>
      %dma_start3A_533 = arith.constant 0 : i32
      %dma_start3A_534 = arith.constant 0 : i32
      %dma_start3A_535 = tpu.memref_slice %arg7[%dma_start3A_519, %dma_start3A_533, %dma_start3A_534] : memref<2x64x129xf32, #tpu.memory_space<vmem>> -> memref<1x8x128xf32, #tpu.memory_space<vmem>>
      %dma_start3A_536 = tpu.memref_squeeze %dma_start3A_535 : memref<1x8x128xf32, #tpu.memory_space<vmem>> -> memref<8x128xf32, #tpu.memory_space<vmem>>
      tpu.enqueue_dma source(%dma_start3A_536 : memref<8x128xf32, #tpu.memory_space<vmem>>) target(%dma_start3A_532 : memref<8x128xf32, #tpu.memory_space<hbm>>) target_semaphore(%arg12 : memref<!tpu.dma_semaphore, #tpu.memory_space<semaphore_mem>>)
      %dma_start3A_537 = arith.constant 0 : i32
      %dma_start3A_538 = arith.constant 1 : i32
      %dma_start3A_539 = arith.constant 8 : i32
      %dma_start3A_540 = arith.constant 0 : i32
      %dma_start3A_541 = tpu.memref_slice %arg7[%dma_start3A_537, %dma_start3A_539, %dma_start3A_540] : memref<2x64x129xf32, #tpu.memory_space<vmem>> -> memref<1x8x128xf32, #tpu.memory_space<vmem>>
      %dma_start3A_542 = tpu.memref_squeeze %dma_start3A_541 : memref<1x8x128xf32, #tpu.memory_space<vmem>> -> memref<8x128xf32, #tpu.memory_space<vmem>>
      %dma_start3A_543 = arith.constant 0 : i32
      %dma_start3A_544 = arith.constant 0 : i32
      %dma_start3A_545 = tpu.memref_slice %arg4[%select_n3A_502, %dma_start3A_538, %select_n3A_518, %dma_start3A_543, %dma_start3A_544] : memref<50x8x128x8x128xf32, #tpu.memory_space<hbm>> -> memref<1x1x1x8x128xf32, #tpu.memory_space<hbm>>
      %dma_start3A_546 = tpu.memref_squeeze %dma_start3A_545 : memref<1x1x1x8x128xf32, #tpu.memory_space<hbm>> -> memref<8x128xf32, #tpu.memory_space<hbm>>
      %dma_start3A_547 = arith.constant 0 : i32
      %dma_start3A_548 = arith.constant 0 : i32
      %dma_start3A_549 = tpu.memref_slice %arg4[%select_n3A_502, %dma_start3A_538, %select_n3A_518, %dma_start3A_547, %dma_start3A_548] : memref<50x8x128x8x128xf32, #tpu.memory_space<hbm>> -> memref<1x1x1x8x128xf32, #tpu.memory_space<hbm>>
      %dma_start3A_550 = tpu.memref_squeeze %dma_start3A_549 : memref<1x1x1x8x128xf32, #tpu.memory_space<hbm>> -> memref<8x128xf32, #tpu.memory_space<hbm>>
      %dma_start3A_551 = arith.constant 8 : i32
      %dma_start3A_552 = arith.constant 0 : i32
      %dma_start3A_553 = tpu.memref_slice %arg7[%dma_start3A_537, %dma_start3A_551, %dma_start3A_552] : memref<2x64x129xf32, #tpu.memory_space<vmem>> -> memref<1x8x128xf32, #tpu.memory_space<vmem>>
      %dma_start3A_554 = tpu.memref_squeeze %dma_start3A_553 : memref<1x8x128xf32, #tpu.memory_space<vmem>> -> memref<8x128xf32, #tpu.memory_space<vmem>>
      tpu.enqueue_dma source(%dma_start3A_554 : memref<8x128xf32, #tpu.memory_space<vmem>>) target(%dma_start3A_550 : memref<8x128xf32, #tpu.memory_space<hbm>>) target_semaphore(%arg12 : memref<!tpu.dma_semaphore, #tpu.memory_space<semaphore_mem>>)
      %dma_start3A_555 = arith.constant 0 : i32
      %dma_start3A_556 = arith.constant 2 : i32
      %dma_start3A_557 = arith.constant 16 : i32
      %dma_start3A_558 = arith.constant 0 : i32
      %dma_start3A_559 = tpu.memref_slice %arg7[%dma_start3A_555, %dma_start3A_557, %dma_start3A_558] : memref<2x64x129xf32, #tpu.memory_space<vmem>> -> memref<1x8x128xf32, #tpu.memory_space<vmem>>
      %dma_start3A_560 = tpu.memref_squeeze %dma_start3A_559 : memref<1x8x128xf32, #tpu.memory_space<vmem>> -> memref<8x128xf32, #tpu.memory_space<vmem>>
      %dma_start3A_561 = arith.constant 0 : i32
      %dma_start3A_562 = arith.constant 0 : i32
      %dma_start3A_563 = tpu.memref_slice %arg4[%select_n3A_502, %dma_start3A_556, %select_n3A_518, %dma_start3A_561, %dma_start3A_562] : memref<50x8x128x8x128xf32, #tpu.memory_space<hbm>> -> memref<1x1x1x8x128xf32, #tpu.memory_space<hbm>>
      %dma_start3A_564 = tpu.memref_squeeze %dma_start3A_563 : memref<1x1x1x8x128xf32, #tpu.memory_space<hbm>> -> memref<8x128xf32, #tpu.memory_space<hbm>>
      %dma_start3A_565 = arith.constant 0 : i32
      %dma_start3A_566 = arith.constant 0 : i32
      %dma_start3A_567 = tpu.memref_slice %arg4[%select_n3A_502, %dma_start3A_556, %select_n3A_518, %dma_start3A_565, %dma_start3A_566] : memref<50x8x128x8x128xf32, #tpu.memory_space<hbm>> -> memref<1x1x1x8x128xf32, #tpu.memory_space<hbm>>
      %dma_start3A_568 = tpu.memref_squeeze %dma_start3A_567 : memref<1x1x1x8x128xf32, #tpu.memory_space<hbm>> -> memref<8x128xf32, #tpu.memory_space<hbm>>
      %dma_start3A_569 = arith.constant 16 : i32
      %dma_start3A_570 = arith.constant 0 : i32
      %dma_start3A_571 = tpu.memref_slice %arg7[%dma_start3A_555, %dma_start3A_569, %dma_start3A_570] : memref<2x64x129xf32, #tpu.memory_space<vmem>> -> memref<1x8x128xf32, #tpu.memory_space<vmem>>
      %dma_start3A_572 = tpu.memref_squeeze %dma_start3A_571 : memref<1x8x128xf32, #tpu.memory_space<vmem>> -> memref<8x128xf32, #tpu.memory_space<vmem>>
      tpu.enqueue_dma source(%dma_start3A_572 : memref<8x128xf32, #tpu.memory_space<vmem>>) target(%dma_start3A_568 : memref<8x128xf32, #tpu.memory_space<hbm>>) target_semaphore(%arg12 : memref<!tpu.dma_semaphore, #tpu.memory_space<semaphore_mem>>)
      %dma_start3A_573 = arith.constant 0 : i32
      %dma_start3A_574 = arith.constant 3 : i32
      %dma_start3A_575 = arith.constant 24 : i32
      %dma_start3A_576 = arith.constant 0 : i32
      %dma_start3A_577 = tpu.memref_slice %arg7[%dma_start3A_573, %dma_start3A_575, %dma_start3A_576] : memref<2x64x129xf32, #tpu.memory_space<vmem>> -> memref<1x8x128xf32, #tpu.memory_space<vmem>>
      %dma_start3A_578 = tpu.memref_squeeze %dma_start3A_577 : memref<1x8x128xf32, #tpu.memory_space<vmem>> -> memref<8x128xf32, #tpu.memory_space<vmem>>
      %dma_start3A_579 = arith.constant 0 : i32
      %dma_start3A_580 = arith.constant 0 : i32
      %dma_start3A_581 = tpu.memref_slice %arg4[%select_n3A_502, %dma_start3A_574, %select_n3A_518, %dma_start3A_579, %dma_start3A_580] : memref<50x8x128x8x128xf32, #tpu.memory_space<hbm>> -> memref<1x1x1x8x128xf32, #tpu.memory_space<hbm>>
      %dma_start3A_582 = tpu.memref_squeeze %dma_start3A_581 : memref<1x1x1x8x128xf32, #tpu.memory_space<hbm>> -> memref<8x128xf32, #tpu.memory_space<hbm>>
      %dma_start3A_583 = arith.constant 0 : i32
      %dma_start3A_584 = arith.constant 0 : i32
      %dma_start3A_585 = tpu.memref_slice %arg4[%select_n3A_502, %dma_start3A_574, %select_n3A_518, %dma_start3A_583, %dma_start3A_584] : memref<50x8x128x8x128xf32, #tpu.memory_space<hbm>> -> memref<1x1x1x8x128xf32, #tpu.memory_space<hbm>>
      %dma_start3A_586 = tpu.memref_squeeze %dma_start3A_585 : memref<1x1x1x8x128xf32, #tpu.memory_space<hbm>> -> memref<8x128xf32, #tpu.memory_space<hbm>>
      %dma_start3A_587 = arith.constant 24 : i32
      %dma_start3A_588 = arith.constant 0 : i32
      %dma_start3A_589 = tpu.memref_slice %arg7[%dma_start3A_573, %dma_start3A_587, %dma_start3A_588] : memref<2x64x129xf32, #tpu.memory_space<vmem>> -> memref<1x8x128xf32, #tpu.memory_space<vmem>>
      %dma_start3A_590 = tpu.memref_squeeze %dma_start3A_589 : memref<1x8x128xf32, #tpu.memory_space<vmem>> -> memref<8x128xf32, #tpu.memory_space<vmem>>
      tpu.enqueue_dma source(%dma_start3A_590 : memref<8x128xf32, #tpu.memory_space<vmem>>) target(%dma_start3A_586 : memref<8x128xf32, #tpu.memory_space<hbm>>) target_semaphore(%arg12 : memref<!tpu.dma_semaphore, #tpu.memory_space<semaphore_mem>>)
      %dma_start3A_591 = arith.constant 0 : i32
      %dma_start3A_592 = arith.constant 4 : i32
      %dma_start3A_593 = arith.constant 32 : i32
      %dma_start3A_594 = arith.constant 0 : i32
      %dma_start3A_595 = tpu.memref_slice %arg7[%dma_start3A_591, %dma_start3A_593, %dma_start3A_594] : memref<2x64x129xf32, #tpu.memory_space<vmem>> -> memref<1x8x128xf32, #tpu.memory_space<vmem>>
      %dma_start3A_596 = tpu.memref_squeeze %dma_start3A_595 : memref<1x8x128xf32, #tpu.memory_space<vmem>> -> memref<8x128xf32, #tpu.memory_space<vmem>>
      %dma_start3A_597 = arith.constant 0 : i32
      %dma_start3A_598 = arith.constant 0 : i32
      %dma_start3A_599 = tpu.memref_slice %arg4[%select_n3A_502, %dma_start3A_592, %select_n3A_518, %dma_start3A_597, %dma_start3A_598] : memref<50x8x128x8x128xf32, #tpu.memory_space<hbm>> -> memref<1x1x1x8x128xf32, #tpu.memory_space<hbm>>
      %dma_start3A_600 = tpu.memref_squeeze %dma_start3A_599 : memref<1x1x1x8x128xf32, #tpu.memory_space<hbm>> -> memref<8x128xf32, #tpu.memory_space<hbm>>
      %dma_start3A_601 = arith.constant 0 : i32
      %dma_start3A_602 = arith.constant 0 : i32
      %dma_start3A_603 = tpu.memref_slice %arg4[%select_n3A_502, %dma_start3A_592, %select_n3A_518, %dma_start3A_601, %dma_start3A_602] : memref<50x8x128x8x128xf32, #tpu.memory_space<hbm>> -> memref<1x1x1x8x128xf32, #tpu.memory_space<hbm>>
      %dma_start3A_604 = tpu.memref_squeeze %dma_start3A_603 : memref<1x1x1x8x128xf32, #tpu.memory_space<hbm>> -> memref<8x128xf32, #tpu.memory_space<hbm>>
      %dma_start3A_605 = arith.constant 32 : i32
      %dma_start3A_606 = arith.constant 0 : i32
      %dma_start3A_607 = tpu.memref_slice %arg7[%dma_start3A_591, %dma_start3A_605, %dma_start3A_606] : memref<2x64x129xf32, #tpu.memory_space<vmem>> -> memref<1x8x128xf32, #tpu.memory_space<vmem>>
      %dma_start3A_608 = tpu.memref_squeeze %dma_start3A_607 : memref<1x8x128xf32, #tpu.memory_space<vmem>> -> memref<8x128xf32, #tpu.memory_space<vmem>>
      tpu.enqueue_dma source(%dma_start3A_608 : memref<8x128xf32, #tpu.memory_space<vmem>>) target(%dma_start3A_604 : memref<8x128xf32, #tpu.memory_space<hbm>>) target_semaphore(%arg12 : memref<!tpu.dma_semaphore, #tpu.memory_space<semaphore_mem>>)
      %dma_start3A_609 = arith.constant 0 : i32
      %dma_start3A_610 = arith.constant 5 : i32
      %dma_start3A_611 = arith.constant 40 : i32
      %dma_start3A_612 = arith.constant 0 : i32
      %dma_start3A_613 = tpu.memref_slice %arg7[%dma_start3A_609, %dma_start3A_611, %dma_start3A_612] : memref<2x64x129xf32, #tpu.memory_space<vmem>> -> memref<1x8x128xf32, #tpu.memory_space<vmem>>
      %dma_start3A_614 = tpu.memref_squeeze %dma_start3A_613 : memref<1x8x128xf32, #tpu.memory_space<vmem>> -> memref<8x128xf32, #tpu.memory_space<vmem>>
      %dma_start3A_615 = arith.constant 0 : i32
      %dma_start3A_616 = arith.constant 0 : i32
      %dma_start3A_617 = tpu.memref_slice %arg4[%select_n3A_502, %dma_start3A_610, %select_n3A_518, %dma_start3A_615, %dma_start3A_616] : memref<50x8x128x8x128xf32, #tpu.memory_space<hbm>> -> memref<1x1x1x8x128xf32, #tpu.memory_space<hbm>>
      %dma_start3A_618 = tpu.memref_squeeze %dma_start3A_617 : memref<1x1x1x8x128xf32, #tpu.memory_space<hbm>> -> memref<8x128xf32, #tpu.memory_space<hbm>>
      %dma_start3A_619 = arith.constant 0 : i32
      %dma_start3A_620 = arith.constant 0 : i32
      %dma_start3A_621 = tpu.memref_slice %arg4[%select_n3A_502, %dma_start3A_610, %select_n3A_518, %dma_start3A_619, %dma_start3A_620] : memref<50x8x128x8x128xf32, #tpu.memory_space<hbm>> -> memref<1x1x1x8x128xf32, #tpu.memory_space<hbm>>
      %dma_start3A_622 = tpu.memref_squeeze %dma_start3A_621 : memref<1x1x1x8x128xf32, #tpu.memory_space<hbm>> -> memref<8x128xf32, #tpu.memory_space<hbm>>
      %dma_start3A_623 = arith.constant 40 : i32
      %dma_start3A_624 = arith.constant 0 : i32
      %dma_start3A_625 = tpu.memref_slice %arg7[%dma_start3A_609, %dma_start3A_623, %dma_start3A_624] : memref<2x64x129xf32, #tpu.memory_space<vmem>> -> memref<1x8x128xf32, #tpu.memory_space<vmem>>
      %dma_start3A_626 = tpu.memref_squeeze %dma_start3A_625 : memref<1x8x128xf32, #tpu.memory_space<vmem>> -> memref<8x128xf32, #tpu.memory_space<vmem>>
      tpu.enqueue_dma source(%dma_start3A_626 : memref<8x128xf32, #tpu.memory_space<vmem>>) target(%dma_start3A_622 : memref<8x128xf32, #tpu.memory_space<hbm>>) target_semaphore(%arg12 : memref<!tpu.dma_semaphore, #tpu.memory_space<semaphore_mem>>)
      %dma_start3A_627 = arith.constant 0 : i32
      %dma_start3A_628 = arith.constant 6 : i32
      %dma_start3A_629 = arith.constant 48 : i32
      %dma_start3A_630 = arith.constant 0 : i32
      %dma_start3A_631 = tpu.memref_slice %arg7[%dma_start3A_627, %dma_start3A_629, %dma_start3A_630] : memref<2x64x129xf32, #tpu.memory_space<vmem>> -> memref<1x8x128xf32, #tpu.memory_space<vmem>>
      %dma_start3A_632 = tpu.memref_squeeze %dma_start3A_631 : memref<1x8x128xf32, #tpu.memory_space<vmem>> -> memref<8x128xf32, #tpu.memory_space<vmem>>
      %dma_start3A_633 = arith.constant 0 : i32
      %dma_start3A_634 = arith.constant 0 : i32
      %dma_start3A_635 = tpu.memref_slice %arg4[%select_n3A_502, %dma_start3A_628, %select_n3A_518, %dma_start3A_633, %dma_start3A_634] : memref<50x8x128x8x128xf32, #tpu.memory_space<hbm>> -> memref<1x1x1x8x128xf32, #tpu.memory_space<hbm>>
      %dma_start3A_636 = tpu.memref_squeeze %dma_start3A_635 : memref<1x1x1x8x128xf32, #tpu.memory_space<hbm>> -> memref<8x128xf32, #tpu.memory_space<hbm>>
      %dma_start3A_637 = arith.constant 0 : i32
      %dma_start3A_638 = arith.constant 0 : i32
      %dma_start3A_639 = tpu.memref_slice %arg4[%select_n3A_502, %dma_start3A_628, %select_n3A_518, %dma_start3A_637, %dma_start3A_638] : memref<50x8x128x8x128xf32, #tpu.memory_space<hbm>> -> memref<1x1x1x8x128xf32, #tpu.memory_space<hbm>>
      %dma_start3A_640 = tpu.memref_squeeze %dma_start3A_639 : memref<1x1x1x8x128xf32, #tpu.memory_space<hbm>> -> memref<8x128xf32, #tpu.memory_space<hbm>>
      %dma_start3A_641 = arith.constant 48 : i32
      %dma_start3A_642 = arith.constant 0 : i32
      %dma_start3A_643 = tpu.memref_slice %arg7[%dma_start3A_627, %dma_start3A_641, %dma_start3A_642] : memref<2x64x129xf32, #tpu.memory_space<vmem>> -> memref<1x8x128xf32, #tpu.memory_space<vmem>>
      %dma_start3A_644 = tpu.memref_squeeze %dma_start3A_643 : memref<1x8x128xf32, #tpu.memory_space<vmem>> -> memref<8x128xf32, #tpu.memory_space<vmem>>
      tpu.enqueue_dma source(%dma_start3A_644 : memref<8x128xf32, #tpu.memory_space<vmem>>) target(%dma_start3A_640 : memref<8x128xf32, #tpu.memory_space<hbm>>) target_semaphore(%arg12 : memref<!tpu.dma_semaphore, #tpu.memory_space<semaphore_mem>>)
      %dma_start3A_645 = arith.constant 0 : i32
      %dma_start3A_646 = arith.constant 7 : i32
      %dma_start3A_647 = arith.constant 56 : i32
      %dma_start3A_648 = arith.constant 0 : i32
      %dma_start3A_649 = tpu.memref_slice %arg7[%dma_start3A_645, %dma_start3A_647, %dma_start3A_648] : memref<2x64x129xf32, #tpu.memory_space<vmem>> -> memref<1x8x128xf32, #tpu.memory_space<vmem>>
      %dma_start3A_650 = tpu.memref_squeeze %dma_start3A_649 : memref<1x8x128xf32, #tpu.memory_space<vmem>> -> memref<8x128xf32, #tpu.memory_space<vmem>>
      %dma_start3A_651 = arith.constant 0 : i32
      %dma_start3A_652 = arith.constant 0 : i32
      %dma_start3A_653 = tpu.memref_slice %arg4[%select_n3A_502, %dma_start3A_646, %select_n3A_518, %dma_start3A_651, %dma_start3A_652] : memref<50x8x128x8x128xf32, #tpu.memory_space<hbm>> -> memref<1x1x1x8x128xf32, #tpu.memory_space<hbm>>
      %dma_start3A_654 = tpu.memref_squeeze %dma_start3A_653 : memref<1x1x1x8x128xf32, #tpu.memory_space<hbm>> -> memref<8x128xf32, #tpu.memory_space<hbm>>
      %dma_start3A_655 = arith.constant 0 : i32
      %dma_start3A_656 = arith.constant 0 : i32
      %dma_start3A_657 = tpu.memref_slice %arg4[%select_n3A_502, %dma_start3A_646, %select_n3A_518, %dma_start3A_655, %dma_start3A_656] : memref<50x8x128x8x128xf32, #tpu.memory_space<hbm>> -> memref<1x1x1x8x128xf32, #tpu.memory_space<hbm>>
      %dma_start3A_658 = tpu.memref_squeeze %dma_start3A_657 : memref<1x1x1x8x128xf32, #tpu.memory_space<hbm>> -> memref<8x128xf32, #tpu.memory_space<hbm>>
      %dma_start3A_659 = arith.constant 56 : i32
      %dma_start3A_660 = arith.constant 0 : i32
      %dma_start3A_661 = tpu.memref_slice %arg7[%dma_start3A_645, %dma_start3A_659, %dma_start3A_660] : memref<2x64x129xf32, #tpu.memory_space<vmem>> -> memref<1x8x128xf32, #tpu.memory_space<vmem>>
      %dma_start3A_662 = tpu.memref_squeeze %dma_start3A_661 : memref<1x8x128xf32, #tpu.memory_space<vmem>> -> memref<8x128xf32, #tpu.memory_space<vmem>>
      tpu.enqueue_dma source(%dma_start3A_662 : memref<8x128xf32, #tpu.memory_space<vmem>>) target(%dma_start3A_658 : memref<8x128xf32, #tpu.memory_space<hbm>>) target_semaphore(%arg12 : memref<!tpu.dma_semaphore, #tpu.memory_space<semaphore_mem>>)
      %mul3A_663 = arith.constant 2 : i32
      %mul3A_664 = arith.muli %mul3A_663, %add3A_442 : i32
      %add3A_665 = arith.constant 1 : i32
      %add3A_666 = arith.addi %mul3A_664, %add3A_665 : i32
      %add3A_667 = arith.constant 1 : i32
      %add3A_668 = arith.addi %add3A_666, %add3A_667 : i32
      %lt3A_669 = arith.constant 200 : i32
      %lt3A_670 = arith.cmpi slt, %add3A_668, %lt3A_669 : i32
      %convert_element_type3A_671 = arith.extui %lt3A_670 : i1 to i32
      %cond3A_672 = arith.constant 0 : i32
      %cond3A_673 = arith.cmpi ne, %convert_element_type3A_671, %cond3A_672 : i32
      scf.if %cond3A_673 {
        %add3A_889 = arith.constant 0 : i32
        %add3A_890 = arith.addi %mul3A_2, %add3A_889 : i32
        %jit3A_891 = arith.constant 128 : i32
        %div3A_892 = arith.divsi %add3A_890, %jit3A_891 : i32
        %sign3A_893 = arith.constant 0 : i32
        %sign3A_894 = arith.cmpi sgt, %add3A_890, %sign3A_893 : i32
        %sign3A_895 = arith.extui %sign3A_894 : i1 to i32
        %sign3A_896 = arith.constant 0 : i32
        %sign3A_897 = arith.cmpi slt, %add3A_890, %sign3A_896 : i32
        %sign3A_898 = arith.extui %sign3A_897 : i1 to i32
        %sign3A_899 = arith.subi %sign3A_895, %sign3A_898 : i32
        %sign3A_900 = arith.constant 0 : i32
        %sign3A_901 = arith.cmpi sgt, %jit3A_891, %sign3A_900 : i32
        %sign3A_902 = arith.extui %sign3A_901 : i1 to i32
        %sign3A_903 = arith.constant 0 : i32
        %sign3A_904 = arith.cmpi slt, %jit3A_891, %sign3A_903 : i32
        %sign3A_905 = arith.extui %sign3A_904 : i1 to i32
        %sign3A_906 = arith.subi %sign3A_902, %sign3A_905 : i32
        %ne3A_907 = arith.cmpi ne, %sign3A_899, %sign3A_906 : i32
        %rem3A_908 = arith.remsi %add3A_890, %jit3A_891 : i32
        %ne3A_909 = arith.constant 0 : i32
        %ne3A_910 = arith.cmpi ne, %rem3A_908, %ne3A_909 : i32
        %and3A_911 = arith.andi %ne3A_907, %ne3A_910 : i1
        %sub3A_912 = arith.constant 1 : i32
        %sub3A_913 = arith.subi %div3A_892, %sub3A_912 : i32
        %select_n3A_914 = arith.select %and3A_911, %sub3A_913, %div3A_892 : i32
        %jit3A_915 = arith.constant 128 : i32
        %eq3A_916 = arith.constant 0 : i32
        %eq3A_917 = arith.cmpi eq, %jit3A_915, %eq3A_916 : i32
        %jit3A_918 = arith.constant 1 : i32
        %select_n3A_919 = arith.select %eq3A_917, %jit3A_918, %jit3A_915 : i32
        %rem3A_920 = arith.remsi %add3A_890, %select_n3A_919 : i32
        %ne3A_921 = arith.constant 0 : i32
        %ne3A_922 = arith.cmpi ne, %rem3A_920, %ne3A_921 : i32
        %lt3A_923 = arith.constant 0 : i32
        %lt3A_924 = arith.cmpi slt, %rem3A_920, %lt3A_923 : i32
        %lt3A_925 = arith.constant 0 : i32
        %lt3A_926 = arith.cmpi slt, %select_n3A_919, %lt3A_925 : i32
        %ne3A_927 = arith.xori %lt3A_924, %lt3A_926 : i1
        %and3A_928 = arith.andi %ne3A_927, %ne3A_922 : i1
        %add3A_929 = arith.addi %rem3A_920, %select_n3A_919 : i32
        %select_n3A_930 = arith.select %and3A_928, %add3A_929, %rem3A_920 : i32
        %mul3A_931 = arith.constant 128 : i32
        %mul3A_932 = arith.muli %select_n3A_930, %mul3A_931 : i32
        %dma_wait3A_933 = arith.constant 0 : i32
        %dma_wait3A_934 = arith.constant 0 : i32
        %dma_wait3A_935 = tpu.memref_slice %arg5[%dma_wait3A_933, %dma_wait3A_934] : memref<2x128xi32, #tpu.memory_space<vmem>> -> memref<1x128xi32, #tpu.memory_space<vmem>>
        %dma_wait3A_936 = tpu.memref_squeeze %dma_wait3A_935 : memref<1x128xi32, #tpu.memory_space<vmem>> -> memref<128xi32, #tpu.memory_space<vmem>>
        %dma_wait3A_937 = tpu.memref_slice %arg2[%select_n3A_914, %mul3A_932] : memref<50x16384xi32, #tpu.memory_space<hbm>> -> memref<1x128xi32, #tpu.memory_space<hbm>>
        %dma_wait3A_938 = tpu.memref_squeeze %dma_wait3A_937 : memref<1x128xi32, #tpu.memory_space<hbm>> -> memref<128xi32, #tpu.memory_space<hbm>>
        %dma_wait3A_939 = arith.constant 0 : i32
        %dma_wait3A_940 = tpu.memref_slice %arg5[%dma_wait3A_933, %dma_wait3A_939] : memref<2x128xi32, #tpu.memory_space<vmem>> -> memref<1x128xi32, #tpu.memory_space<vmem>>
        %dma_wait3A_941 = tpu.memref_squeeze %dma_wait3A_940 : memref<1x128xi32, #tpu.memory_space<vmem>> -> memref<128xi32, #tpu.memory_space<vmem>>
        %dma_wait3A_942 = tpu.memref_slice %arg2[%select_n3A_914, %mul3A_932] : memref<50x16384xi32, #tpu.memory_space<hbm>> -> memref<1x128xi32, #tpu.memory_space<hbm>>
        %dma_wait3A_943 = tpu.memref_squeeze %dma_wait3A_942 : memref<1x128xi32, #tpu.memory_space<hbm>> -> memref<128xi32, #tpu.memory_space<hbm>>
        tpu.wait_dma2 semaphore(%arg8 : memref<!tpu.dma_semaphore, #tpu.memory_space<semaphore_mem>>) src(%dma_wait3A_943 : memref<128xi32, #tpu.memory_space<hbm>>) dst(%dma_wait3A_941 : memref<128xi32, #tpu.memory_space<vmem>>)
        %dma_start3A_944 = arith.constant 0 : i32
        %dma_start3A_945 = arith.constant 0 : i32
        %dma_start3A_946 = arith.constant 0 : i32
        %dma_start3A_947 = arith.constant 0 : i32
        %dma_start3A_948 = tpu.memref_slice %arg6[%dma_start3A_945, %dma_start3A_946, %dma_start3A_947] : memref<2x128x64xf32, #tpu.memory_space<vmem>> -> memref<1x128x64xf32, #tpu.memory_space<vmem>>
        %dma_start3A_949 = tpu.memref_squeeze %dma_start3A_948 : memref<1x128x64xf32, #tpu.memory_space<vmem>> -> memref<128x64xf32, #tpu.memory_space<vmem>>
        %dma_start3A_950 = arith.constant 0 : i32
        %dma_start3A_951 = tpu.memref_slice %arg5[%dma_start3A_944, %dma_start3A_950] : memref<2x128xi32, #tpu.memory_space<vmem>> -> memref<1x128xi32, #tpu.memory_space<vmem>>
        %dma_start3A_952 = tpu.memref_squeeze %dma_start3A_951 : memref<1x128xi32, #tpu.memory_space<vmem>> -> memref<128xi32, #tpu.memory_space<vmem>>
        %dma_start3A_953 = arith.constant 0 : i32
        %dma_start3A_954 = arith.constant 0 : i32
        %dma_start3A_955 = tpu.memref_slice %arg3[%dma_start3A_953, %dma_start3A_954] : memref<1000000x64xf32, #tpu.memory_space<hbm>> -> memref<1000000x64xf32, #tpu.memory_space<hbm>>
        tpu.enqueue_indirect_dma source(%dma_start3A_955 : memref<1000000x64xf32, #tpu.memory_space<hbm>>) target(%dma_start3A_949 : memref<128x64xf32, #tpu.memory_space<vmem>>) offsets(%dma_start3A_952 : memref<128xi32, #tpu.memory_space<vmem>>) semaphore(%arg10 : memref<!tpu.dma_semaphore, #tpu.memory_space<semaphore_mem>>)
      } else {
      }
      %dma_wait3A_674 = arith.constant 1 : i32
      %dma_wait3A_675 = arith.constant 0 : i32
      %dma_wait3A_676 = arith.constant 0 : i32
      %dma_wait3A_677 = tpu.memref_slice %arg6[%dma_wait3A_674, %dma_wait3A_675, %dma_wait3A_676] : memref<2x128x64xf32, #tpu.memory_space<vmem>> -> memref<1x128x64xf32, #tpu.memory_space<vmem>>
      %dma_wait3A_678 = tpu.memref_squeeze %dma_wait3A_677 : memref<1x128x64xf32, #tpu.memory_space<vmem>> -> memref<128x64xf32, #tpu.memory_space<vmem>>
      %dma_wait3A_679 = arith.constant 0 : i32
      %dma_wait3A_680 = arith.constant 0 : i32
      %dma_wait3A_681 = tpu.memref_slice %arg3[%dma_wait3A_679, %dma_wait3A_680] : memref<1000000x64xf32, #tpu.memory_space<hbm>> -> memref<128x64xf32, #tpu.memory_space<hbm>>
      %dma_wait3A_682 = arith.constant 0 : i32
      %dma_wait3A_683 = arith.constant 0 : i32
      %dma_wait3A_684 = tpu.memref_slice %arg6[%dma_wait3A_674, %dma_wait3A_682, %dma_wait3A_683] : memref<2x128x64xf32, #tpu.memory_space<vmem>> -> memref<1x128x64xf32, #tpu.memory_space<vmem>>
      %dma_wait3A_685 = tpu.memref_squeeze %dma_wait3A_684 : memref<1x128x64xf32, #tpu.memory_space<vmem>> -> memref<128x64xf32, #tpu.memory_space<vmem>>
      %dma_wait3A_686 = arith.constant 0 : i32
      %dma_wait3A_687 = arith.constant 0 : i32
      %dma_wait3A_688 = tpu.memref_slice %arg3[%dma_wait3A_686, %dma_wait3A_687] : memref<1000000x64xf32, #tpu.memory_space<hbm>> -> memref<128x64xf32, #tpu.memory_space<hbm>>
      tpu.wait_dma2 semaphore(%arg11 : memref<!tpu.dma_semaphore, #tpu.memory_space<semaphore_mem>>) src(%dma_wait3A_688 : memref<128x64xf32, #tpu.memory_space<hbm>>) dst(%dma_wait3A_685 : memref<128x64xf32, #tpu.memory_space<vmem>>)
      %add3A_689 = arith.constant 2 : i32
      %add3A_690 = arith.addi %add3A_666, %add3A_689 : i32
      %lt3A_691 = arith.constant 200 : i32
      %lt3A_692 = arith.cmpi slt, %add3A_690, %lt3A_691 : i32
      %convert_element_type3A_693 = arith.extui %lt3A_692 : i1 to i32
      %cond3A_694 = arith.constant 0 : i32
      %cond3A_695 = arith.cmpi ne, %convert_element_type3A_693, %cond3A_694 : i32
      scf.if %cond3A_695 {
        %add3A_889 = arith.constant 2 : i32
        %add3A_890 = arith.addi %add3A_666, %add3A_889 : i32
        %add3A_891 = arith.addi %mul3A_2, %add3A_890 : i32
        %jit3A_892 = arith.constant 128 : i32
        %div3A_893 = arith.divsi %add3A_891, %jit3A_892 : i32
        %sign3A_894 = arith.constant 0 : i32
        %sign3A_895 = arith.cmpi sgt, %add3A_891, %sign3A_894 : i32
        %sign3A_896 = arith.extui %sign3A_895 : i1 to i32
        %sign3A_897 = arith.constant 0 : i32
        %sign3A_898 = arith.cmpi slt, %add3A_891, %sign3A_897 : i32
        %sign3A_899 = arith.extui %sign3A_898 : i1 to i32
        %sign3A_900 = arith.subi %sign3A_896, %sign3A_899 : i32
        %sign3A_901 = arith.constant 0 : i32
        %sign3A_902 = arith.cmpi sgt, %jit3A_892, %sign3A_901 : i32
        %sign3A_903 = arith.extui %sign3A_902 : i1 to i32
        %sign3A_904 = arith.constant 0 : i32
        %sign3A_905 = arith.cmpi slt, %jit3A_892, %sign3A_904 : i32
        %sign3A_906 = arith.extui %sign3A_905 : i1 to i32
        %sign3A_907 = arith.subi %sign3A_903, %sign3A_906 : i32
        %ne3A_908 = arith.cmpi ne, %sign3A_900, %sign3A_907 : i32
        %rem3A_909 = arith.remsi %add3A_891, %jit3A_892 : i32
        %ne3A_910 = arith.constant 0 : i32
        %ne3A_911 = arith.cmpi ne, %rem3A_909, %ne3A_910 : i32
        %and3A_912 = arith.andi %ne3A_908, %ne3A_911 : i1
        %sub3A_913 = arith.constant 1 : i32
        %sub3A_914 = arith.subi %div3A_893, %sub3A_913 : i32
        %select_n3A_915 = arith.select %and3A_912, %sub3A_914, %div3A_893 : i32
        %jit3A_916 = arith.constant 128 : i32
        %eq3A_917 = arith.constant 0 : i32
        %eq3A_918 = arith.cmpi eq, %jit3A_916, %eq3A_917 : i32
        %jit3A_919 = arith.constant 1 : i32
        %select_n3A_920 = arith.select %eq3A_918, %jit3A_919, %jit3A_916 : i32
        %rem3A_921 = arith.remsi %add3A_891, %select_n3A_920 : i32
        %ne3A_922 = arith.constant 0 : i32
        %ne3A_923 = arith.cmpi ne, %rem3A_921, %ne3A_922 : i32
        %lt3A_924 = arith.constant 0 : i32
        %lt3A_925 = arith.cmpi slt, %rem3A_921, %lt3A_924 : i32
        %lt3A_926 = arith.constant 0 : i32
        %lt3A_927 = arith.cmpi slt, %select_n3A_920, %lt3A_926 : i32
        %ne3A_928 = arith.xori %lt3A_925, %lt3A_927 : i1
        %and3A_929 = arith.andi %ne3A_928, %ne3A_923 : i1
        %add3A_930 = arith.addi %rem3A_921, %select_n3A_920 : i32
        %select_n3A_931 = arith.select %and3A_929, %add3A_930, %rem3A_921 : i32
        %mul3A_932 = arith.constant 128 : i32
        %mul3A_933 = arith.muli %select_n3A_931, %mul3A_932 : i32
        %dma_start3A_934 = arith.constant 1 : i32
        %dma_start3A_935 = arith.constant 0 : i32
        %dma_start3A_936 = tpu.memref_slice %arg5[%dma_start3A_934, %dma_start3A_935] : memref<2x128xi32, #tpu.memory_space<vmem>> -> memref<1x128xi32, #tpu.memory_space<vmem>>
        %dma_start3A_937 = tpu.memref_squeeze %dma_start3A_936 : memref<1x128xi32, #tpu.memory_space<vmem>> -> memref<128xi32, #tpu.memory_space<vmem>>
        %dma_start3A_938 = tpu.memref_slice %arg2[%select_n3A_915, %mul3A_933] : memref<50x16384xi32, #tpu.memory_space<hbm>> -> memref<1x128xi32, #tpu.memory_space<hbm>>
        %dma_start3A_939 = tpu.memref_squeeze %dma_start3A_938 : memref<1x128xi32, #tpu.memory_space<hbm>> -> memref<128xi32, #tpu.memory_space<hbm>>
        %dma_start3A_940 = arith.constant 0 : i32
        %dma_start3A_941 = tpu.memref_slice %arg5[%dma_start3A_934, %dma_start3A_940] : memref<2x128xi32, #tpu.memory_space<vmem>> -> memref<1x128xi32, #tpu.memory_space<vmem>>
        %dma_start3A_942 = tpu.memref_squeeze %dma_start3A_941 : memref<1x128xi32, #tpu.memory_space<vmem>> -> memref<128xi32, #tpu.memory_space<vmem>>
        %dma_start3A_943 = tpu.memref_slice %arg2[%select_n3A_915, %mul3A_933] : memref<50x16384xi32, #tpu.memory_space<hbm>> -> memref<1x128xi32, #tpu.memory_space<hbm>>
        %dma_start3A_944 = tpu.memref_squeeze %dma_start3A_943 : memref<1x128xi32, #tpu.memory_space<hbm>> -> memref<128xi32, #tpu.memory_space<hbm>>
        tpu.enqueue_dma source(%dma_start3A_944 : memref<128xi32, #tpu.memory_space<hbm>>) target(%dma_start3A_942 : memref<128xi32, #tpu.memory_space<vmem>>) target_semaphore(%arg9 : memref<!tpu.dma_semaphore, #tpu.memory_space<semaphore_mem>>)
      } else {
      }
      %ge3A_696 = arith.constant 2 : i32
      %ge3A_697 = arith.cmpi sge, %add3A_666, %ge3A_696 : i32
      %convert_element_type3A_698 = arith.extui %ge3A_697 : i1 to i32
      %cond3A_699 = arith.constant 0 : i32
      %cond3A_700 = arith.cmpi ne, %convert_element_type3A_698, %cond3A_699 : i32
      scf.if %cond3A_700 {
        %dma_wait3A_889 = arith.constant 1 : i32
        %dma_wait3A_890 = arith.constant 0 : i32
        %dma_wait3A_891 = arith.constant 0 : i32
        %dma_wait3A_892 = arith.constant 0 : i32
        %dma_wait3A_893 = arith.constant 0 : i32
        %dma_wait3A_894 = arith.constant 0 : i32
        %dma_wait3A_895 = tpu.memref_slice %arg7[%dma_wait3A_889, %dma_wait3A_893, %dma_wait3A_894] : memref<2x64x129xf32, #tpu.memory_space<vmem>> -> memref<1x8x128xf32, #tpu.memory_space<vmem>>
        %dma_wait3A_896 = tpu.memref_squeeze %dma_wait3A_895 : memref<1x8x128xf32, #tpu.memory_space<vmem>> -> memref<8x128xf32, #tpu.memory_space<vmem>>
        %dma_wait3A_897 = arith.constant 0 : i32
        %dma_wait3A_898 = arith.constant 0 : i32
        %dma_wait3A_899 = tpu.memref_slice %arg4[%dma_wait3A_890, %dma_wait3A_891, %dma_wait3A_892, %dma_wait3A_897, %dma_wait3A_898] : memref<50x8x128x8x128xf32, #tpu.memory_space<hbm>> -> memref<1x1x1x8x128xf32, #tpu.memory_space<hbm>>
        %dma_wait3A_900 = tpu.memref_squeeze %dma_wait3A_899 : memref<1x1x1x8x128xf32, #tpu.memory_space<hbm>> -> memref<8x128xf32, #tpu.memory_space<hbm>>
        %dma_wait3A_901 = arith.constant 0 : i32
        %dma_wait3A_902 = arith.constant 0 : i32
        %dma_wait3A_903 = tpu.memref_slice %arg4[%dma_wait3A_890, %dma_wait3A_891, %dma_wait3A_892, %dma_wait3A_901, %dma_wait3A_902] : memref<50x8x128x8x128xf32, #tpu.memory_space<hbm>> -> memref<1x1x1x8x128xf32, #tpu.memory_space<hbm>>
        %dma_wait3A_904 = tpu.memref_squeeze %dma_wait3A_903 : memref<1x1x1x8x128xf32, #tpu.memory_space<hbm>> -> memref<8x128xf32, #tpu.memory_space<hbm>>
        %dma_wait3A_905 = arith.constant 0 : i32
        %dma_wait3A_906 = arith.constant 0 : i32
        %dma_wait3A_907 = tpu.memref_slice %arg7[%dma_wait3A_889, %dma_wait3A_905, %dma_wait3A_906] : memref<2x64x129xf32, #tpu.memory_space<vmem>> -> memref<1x8x128xf32, #tpu.memory_space<vmem>>
        %dma_wait3A_908 = tpu.memref_squeeze %dma_wait3A_907 : memref<1x8x128xf32, #tpu.memory_space<vmem>> -> memref<8x128xf32, #tpu.memory_space<vmem>>
        tpu.wait_dma2 semaphore(%arg13 : memref<!tpu.dma_semaphore, #tpu.memory_space<semaphore_mem>>) src(%dma_wait3A_908 : memref<8x128xf32, #tpu.memory_space<vmem>>) dst(%dma_wait3A_904 : memref<8x128xf32, #tpu.memory_space<hbm>>)
        %dma_wait3A_909 = arith.constant 1 : i32
        %dma_wait3A_910 = arith.constant 0 : i32
        %dma_wait3A_911 = arith.constant 0 : i32
        %dma_wait3A_912 = arith.constant 0 : i32
        %dma_wait3A_913 = arith.constant 0 : i32
        %dma_wait3A_914 = arith.constant 0 : i32
        %dma_wait3A_915 = tpu.memref_slice %arg7[%dma_wait3A_909, %dma_wait3A_913, %dma_wait3A_914] : memref<2x64x129xf32, #tpu.memory_space<vmem>> -> memref<1x8x128xf32, #tpu.memory_space<vmem>>
        %dma_wait3A_916 = tpu.memref_squeeze %dma_wait3A_915 : memref<1x8x128xf32, #tpu.memory_space<vmem>> -> memref<8x128xf32, #tpu.memory_space<vmem>>
        %dma_wait3A_917 = arith.constant 0 : i32
        %dma_wait3A_918 = arith.constant 0 : i32
        %dma_wait3A_919 = tpu.memref_slice %arg4[%dma_wait3A_910, %dma_wait3A_911, %dma_wait3A_912, %dma_wait3A_917, %dma_wait3A_918] : memref<50x8x128x8x128xf32, #tpu.memory_space<hbm>> -> memref<1x1x1x8x128xf32, #tpu.memory_space<hbm>>
        %dma_wait3A_920 = tpu.memref_squeeze %dma_wait3A_919 : memref<1x1x1x8x128xf32, #tpu.memory_space<hbm>> -> memref<8x128xf32, #tpu.memory_space<hbm>>
        %dma_wait3A_921 = arith.constant 0 : i32
        %dma_wait3A_922 = arith.constant 0 : i32
        %dma_wait3A_923 = tpu.memref_slice %arg4[%dma_wait3A_910, %dma_wait3A_911, %dma_wait3A_912, %dma_wait3A_921, %dma_wait3A_922] : memref<50x8x128x8x128xf32, #tpu.memory_space<hbm>> -> memref<1x1x1x8x128xf32, #tpu.memory_space<hbm>>
        %dma_wait3A_924 = tpu.memref_squeeze %dma_wait3A_923 : memref<1x1x1x8x128xf32, #tpu.memory_space<hbm>> -> memref<8x128xf32, #tpu.memory_space<hbm>>
        %dma_wait3A_925 = arith.constant 0 : i32
        %dma_wait3A_926 = arith.constant 0 : i32
        %dma_wait3A_927 = tpu.memref_slice %arg7[%dma_wait3A_909, %dma_wait3A_925, %dma_wait3A_926] : memref<2x64x129xf32, #tpu.memory_space<vmem>> -> memref<1x8x128xf32, #tpu.memory_space<vmem>>
        %dma_wait3A_928 = tpu.memref_squeeze %dma_wait3A_927 : memref<1x8x128xf32, #tpu.memory_space<vmem>> -> memref<8x128xf32, #tpu.memory_space<vmem>>
        tpu.wait_dma2 semaphore(%arg13 : memref<!tpu.dma_semaphore, #tpu.memory_space<semaphore_mem>>) src(%dma_wait3A_928 : memref<8x128xf32, #tpu.memory_space<vmem>>) dst(%dma_wait3A_924 : memref<8x128xf32, #tpu.memory_space<hbm>>)
        %dma_wait3A_929 = arith.constant 1 : i32
        %dma_wait3A_930 = arith.constant 0 : i32
        %dma_wait3A_931 = arith.constant 0 : i32
        %dma_wait3A_932 = arith.constant 0 : i32
        %dma_wait3A_933 = arith.constant 0 : i32
        %dma_wait3A_934 = arith.constant 0 : i32
        %dma_wait3A_935 = tpu.memref_slice %arg7[%dma_wait3A_929, %dma_wait3A_933, %dma_wait3A_934] : memref<2x64x129xf32, #tpu.memory_space<vmem>> -> memref<1x8x128xf32, #tpu.memory_space<vmem>>
        %dma_wait3A_936 = tpu.memref_squeeze %dma_wait3A_935 : memref<1x8x128xf32, #tpu.memory_space<vmem>> -> memref<8x128xf32, #tpu.memory_space<vmem>>
        %dma_wait3A_937 = arith.constant 0 : i32
        %dma_wait3A_938 = arith.constant 0 : i32
        %dma_wait3A_939 = tpu.memref_slice %arg4[%dma_wait3A_930, %dma_wait3A_931, %dma_wait3A_932, %dma_wait3A_937, %dma_wait3A_938] : memref<50x8x128x8x128xf32, #tpu.memory_space<hbm>> -> memref<1x1x1x8x128xf32, #tpu.memory_space<hbm>>
        %dma_wait3A_940 = tpu.memref_squeeze %dma_wait3A_939 : memref<1x1x1x8x128xf32, #tpu.memory_space<hbm>> -> memref<8x128xf32, #tpu.memory_space<hbm>>
        %dma_wait3A_941 = arith.constant 0 : i32
        %dma_wait3A_942 = arith.constant 0 : i32
        %dma_wait3A_943 = tpu.memref_slice %arg4[%dma_wait3A_930, %dma_wait3A_931, %dma_wait3A_932, %dma_wait3A_941, %dma_wait3A_942] : memref<50x8x128x8x128xf32, #tpu.memory_space<hbm>> -> memref<1x1x1x8x128xf32, #tpu.memory_space<hbm>>
        %dma_wait3A_944 = tpu.memref_squeeze %dma_wait3A_943 : memref<1x1x1x8x128xf32, #tpu.memory_space<hbm>> -> memref<8x128xf32, #tpu.memory_space<hbm>>
        %dma_wait3A_945 = arith.constant 0 : i32
        %dma_wait3A_946 = arith.constant 0 : i32
        %dma_wait3A_947 = tpu.memref_slice %arg7[%dma_wait3A_929, %dma_wait3A_945, %dma_wait3A_946] : memref<2x64x129xf32, #tpu.memory_space<vmem>> -> memref<1x8x128xf32, #tpu.memory_space<vmem>>
        %dma_wait3A_948 = tpu.memref_squeeze %dma_wait3A_947 : memref<1x8x128xf32, #tpu.memory_space<vmem>> -> memref<8x128xf32, #tpu.memory_space<vmem>>
        tpu.wait_dma2 semaphore(%arg13 : memref<!tpu.dma_semaphore, #tpu.memory_space<semaphore_mem>>) src(%dma_wait3A_948 : memref<8x128xf32, #tpu.memory_space<vmem>>) dst(%dma_wait3A_944 : memref<8x128xf32, #tpu.memory_space<hbm>>)
        %dma_wait3A_949 = arith.constant 1 : i32
        %dma_wait3A_950 = arith.constant 0 : i32
        %dma_wait3A_951 = arith.constant 0 : i32
        %dma_wait3A_952 = arith.constant 0 : i32
        %dma_wait3A_953 = arith.constant 0 : i32
        %dma_wait3A_954 = arith.constant 0 : i32
        %dma_wait3A_955 = tpu.memref_slice %arg7[%dma_wait3A_949, %dma_wait3A_953, %dma_wait3A_954] : memref<2x64x129xf32, #tpu.memory_space<vmem>> -> memref<1x8x128xf32, #tpu.memory_space<vmem>>
        %dma_wait3A_956 = tpu.memref_squeeze %dma_wait3A_955 : memref<1x8x128xf32, #tpu.memory_space<vmem>> -> memref<8x128xf32, #tpu.memory_space<vmem>>
        %dma_wait3A_957 = arith.constant 0 : i32
        %dma_wait3A_958 = arith.constant 0 : i32
        %dma_wait3A_959 = tpu.memref_slice %arg4[%dma_wait3A_950, %dma_wait3A_951, %dma_wait3A_952, %dma_wait3A_957, %dma_wait3A_958] : memref<50x8x128x8x128xf32, #tpu.memory_space<hbm>> -> memref<1x1x1x8x128xf32, #tpu.memory_space<hbm>>
        %dma_wait3A_960 = tpu.memref_squeeze %dma_wait3A_959 : memref<1x1x1x8x128xf32, #tpu.memory_space<hbm>> -> memref<8x128xf32, #tpu.memory_space<hbm>>
        %dma_wait3A_961 = arith.constant 0 : i32
        %dma_wait3A_962 = arith.constant 0 : i32
        %dma_wait3A_963 = tpu.memref_slice %arg4[%dma_wait3A_950, %dma_wait3A_951, %dma_wait3A_952, %dma_wait3A_961, %dma_wait3A_962] : memref<50x8x128x8x128xf32, #tpu.memory_space<hbm>> -> memref<1x1x1x8x128xf32, #tpu.memory_space<hbm>>
        %dma_wait3A_964 = tpu.memref_squeeze %dma_wait3A_963 : memref<1x1x1x8x128xf32, #tpu.memory_space<hbm>> -> memref<8x128xf32, #tpu.memory_space<hbm>>
        %dma_wait3A_965 = arith.constant 0 : i32
        %dma_wait3A_966 = arith.constant 0 : i32
        %dma_wait3A_967 = tpu.memref_slice %arg7[%dma_wait3A_949, %dma_wait3A_965, %dma_wait3A_966] : memref<2x64x129xf32, #tpu.memory_space<vmem>> -> memref<1x8x128xf32, #tpu.memory_space<vmem>>
        %dma_wait3A_968 = tpu.memref_squeeze %dma_wait3A_967 : memref<1x8x128xf32, #tpu.memory_space<vmem>> -> memref<8x128xf32, #tpu.memory_space<vmem>>
        tpu.wait_dma2 semaphore(%arg13 : memref<!tpu.dma_semaphore, #tpu.memory_space<semaphore_mem>>) src(%dma_wait3A_968 : memref<8x128xf32, #tpu.memory_space<vmem>>) dst(%dma_wait3A_964 : memref<8x128xf32, #tpu.memory_space<hbm>>)
        %dma_wait3A_969 = arith.constant 1 : i32
        %dma_wait3A_970 = arith.constant 0 : i32
        %dma_wait3A_971 = arith.constant 0 : i32
        %dma_wait3A_972 = arith.constant 0 : i32
        %dma_wait3A_973 = arith.constant 0 : i32
        %dma_wait3A_974 = arith.constant 0 : i32
        %dma_wait3A_975 = tpu.memref_slice %arg7[%dma_wait3A_969, %dma_wait3A_973, %dma_wait3A_974] : memref<2x64x129xf32, #tpu.memory_space<vmem>> -> memref<1x8x128xf32, #tpu.memory_space<vmem>>
        %dma_wait3A_976 = tpu.memref_squeeze %dma_wait3A_975 : memref<1x8x128xf32, #tpu.memory_space<vmem>> -> memref<8x128xf32, #tpu.memory_space<vmem>>
        %dma_wait3A_977 = arith.constant 0 : i32
        %dma_wait3A_978 = arith.constant 0 : i32
        %dma_wait3A_979 = tpu.memref_slice %arg4[%dma_wait3A_970, %dma_wait3A_971, %dma_wait3A_972, %dma_wait3A_977, %dma_wait3A_978] : memref<50x8x128x8x128xf32, #tpu.memory_space<hbm>> -> memref<1x1x1x8x128xf32, #tpu.memory_space<hbm>>
        %dma_wait3A_980 = tpu.memref_squeeze %dma_wait3A_979 : memref<1x1x1x8x128xf32, #tpu.memory_space<hbm>> -> memref<8x128xf32, #tpu.memory_space<hbm>>
        %dma_wait3A_981 = arith.constant 0 : i32
        %dma_wait3A_982 = arith.constant 0 : i32
        %dma_wait3A_983 = tpu.memref_slice %arg4[%dma_wait3A_970, %dma_wait3A_971, %dma_wait3A_972, %dma_wait3A_981, %dma_wait3A_982] : memref<50x8x128x8x128xf32, #tpu.memory_space<hbm>> -> memref<1x1x1x8x128xf32, #tpu.memory_space<hbm>>
        %dma_wait3A_984 = tpu.memref_squeeze %dma_wait3A_983 : memref<1x1x1x8x128xf32, #tpu.memory_space<hbm>> -> memref<8x128xf32, #tpu.memory_space<hbm>>
        %dma_wait3A_985 = arith.constant 0 : i32
        %dma_wait3A_986 = arith.constant 0 : i32
        %dma_wait3A_987 = tpu.memref_slice %arg7[%dma_wait3A_969, %dma_wait3A_985, %dma_wait3A_986] : memref<2x64x129xf32, #tpu.memory_space<vmem>> -> memref<1x8x128xf32, #tpu.memory_space<vmem>>
        %dma_wait3A_988 = tpu.memref_squeeze %dma_wait3A_987 : memref<1x8x128xf32, #tpu.memory_space<vmem>> -> memref<8x128xf32, #tpu.memory_space<vmem>>
        tpu.wait_dma2 semaphore(%arg13 : memref<!tpu.dma_semaphore, #tpu.memory_space<semaphore_mem>>) src(%dma_wait3A_988 : memref<8x128xf32, #tpu.memory_space<vmem>>) dst(%dma_wait3A_984 : memref<8x128xf32, #tpu.memory_space<hbm>>)
        %dma_wait3A_989 = arith.constant 1 : i32
        %dma_wait3A_990 = arith.constant 0 : i32
        %dma_wait3A_991 = arith.constant 0 : i32
        %dma_wait3A_992 = arith.constant 0 : i32
        %dma_wait3A_993 = arith.constant 0 : i32
        %dma_wait3A_994 = arith.constant 0 : i32
        %dma_wait3A_995 = tpu.memref_slice %arg7[%dma_wait3A_989, %dma_wait3A_993, %dma_wait3A_994] : memref<2x64x129xf32, #tpu.memory_space<vmem>> -> memref<1x8x128xf32, #tpu.memory_space<vmem>>
        %dma_wait3A_996 = tpu.memref_squeeze %dma_wait3A_995 : memref<1x8x128xf32, #tpu.memory_space<vmem>> -> memref<8x128xf32, #tpu.memory_space<vmem>>
        %dma_wait3A_997 = arith.constant 0 : i32
        %dma_wait3A_998 = arith.constant 0 : i32
        %dma_wait3A_999 = tpu.memref_slice %arg4[%dma_wait3A_990, %dma_wait3A_991, %dma_wait3A_992, %dma_wait3A_997, %dma_wait3A_998] : memref<50x8x128x8x128xf32, #tpu.memory_space<hbm>> -> memref<1x1x1x8x128xf32, #tpu.memory_space<hbm>>
        %dma_wait3A_1000 = tpu.memref_squeeze %dma_wait3A_999 : memref<1x1x1x8x128xf32, #tpu.memory_space<hbm>> -> memref<8x128xf32, #tpu.memory_space<hbm>>
        %dma_wait3A_1001 = arith.constant 0 : i32
        %dma_wait3A_1002 = arith.constant 0 : i32
        %dma_wait3A_1003 = tpu.memref_slice %arg4[%dma_wait3A_990, %dma_wait3A_991, %dma_wait3A_992, %dma_wait3A_1001, %dma_wait3A_1002] : memref<50x8x128x8x128xf32, #tpu.memory_space<hbm>> -> memref<1x1x1x8x128xf32, #tpu.memory_space<hbm>>
        %dma_wait3A_1004 = tpu.memref_squeeze %dma_wait3A_1003 : memref<1x1x1x8x128xf32, #tpu.memory_space<hbm>> -> memref<8x128xf32, #tpu.memory_space<hbm>>
        %dma_wait3A_1005 = arith.constant 0 : i32
        %dma_wait3A_1006 = arith.constant 0 : i32
        %dma_wait3A_1007 = tpu.memref_slice %arg7[%dma_wait3A_989, %dma_wait3A_1005, %dma_wait3A_1006] : memref<2x64x129xf32, #tpu.memory_space<vmem>> -> memref<1x8x128xf32, #tpu.memory_space<vmem>>
        %dma_wait3A_1008 = tpu.memref_squeeze %dma_wait3A_1007 : memref<1x8x128xf32, #tpu.memory_space<vmem>> -> memref<8x128xf32, #tpu.memory_space<vmem>>
        tpu.wait_dma2 semaphore(%arg13 : memref<!tpu.dma_semaphore, #tpu.memory_space<semaphore_mem>>) src(%dma_wait3A_1008 : memref<8x128xf32, #tpu.memory_space<vmem>>) dst(%dma_wait3A_1004 : memref<8x128xf32, #tpu.memory_space<hbm>>)
        %dma_wait3A_1009 = arith.constant 1 : i32
        %dma_wait3A_1010 = arith.constant 0 : i32
        %dma_wait3A_1011 = arith.constant 0 : i32
        %dma_wait3A_1012 = arith.constant 0 : i32
        %dma_wait3A_1013 = arith.constant 0 : i32
        %dma_wait3A_1014 = arith.constant 0 : i32
        %dma_wait3A_1015 = tpu.memref_slice %arg7[%dma_wait3A_1009, %dma_wait3A_1013, %dma_wait3A_1014] : memref<2x64x129xf32, #tpu.memory_space<vmem>> -> memref<1x8x128xf32, #tpu.memory_space<vmem>>
        %dma_wait3A_1016 = tpu.memref_squeeze %dma_wait3A_1015 : memref<1x8x128xf32, #tpu.memory_space<vmem>> -> memref<8x128xf32, #tpu.memory_space<vmem>>
        %dma_wait3A_1017 = arith.constant 0 : i32
        %dma_wait3A_1018 = arith.constant 0 : i32
        %dma_wait3A_1019 = tpu.memref_slice %arg4[%dma_wait3A_1010, %dma_wait3A_1011, %dma_wait3A_1012, %dma_wait3A_1017, %dma_wait3A_1018] : memref<50x8x128x8x128xf32, #tpu.memory_space<hbm>> -> memref<1x1x1x8x128xf32, #tpu.memory_space<hbm>>
        %dma_wait3A_1020 = tpu.memref_squeeze %dma_wait3A_1019 : memref<1x1x1x8x128xf32, #tpu.memory_space<hbm>> -> memref<8x128xf32, #tpu.memory_space<hbm>>
        %dma_wait3A_1021 = arith.constant 0 : i32
        %dma_wait3A_1022 = arith.constant 0 : i32
        %dma_wait3A_1023 = tpu.memref_slice %arg4[%dma_wait3A_1010, %dma_wait3A_1011, %dma_wait3A_1012, %dma_wait3A_1021, %dma_wait3A_1022] : memref<50x8x128x8x128xf32, #tpu.memory_space<hbm>> -> memref<1x1x1x8x128xf32, #tpu.memory_space<hbm>>
        %dma_wait3A_1024 = tpu.memref_squeeze %dma_wait3A_1023 : memref<1x1x1x8x128xf32, #tpu.memory_space<hbm>> -> memref<8x128xf32, #tpu.memory_space<hbm>>
        %dma_wait3A_1025 = arith.constant 0 : i32
        %dma_wait3A_1026 = arith.constant 0 : i32
        %dma_wait3A_1027 = tpu.memref_slice %arg7[%dma_wait3A_1009, %dma_wait3A_1025, %dma_wait3A_1026] : memref<2x64x129xf32, #tpu.memory_space<vmem>> -> memref<1x8x128xf32, #tpu.memory_space<vmem>>
        %dma_wait3A_1028 = tpu.memref_squeeze %dma_wait3A_1027 : memref<1x8x128xf32, #tpu.memory_space<vmem>> -> memref<8x128xf32, #tpu.memory_space<vmem>>
        tpu.wait_dma2 semaphore(%arg13 : memref<!tpu.dma_semaphore, #tpu.memory_space<semaphore_mem>>) src(%dma_wait3A_1028 : memref<8x128xf32, #tpu.memory_space<vmem>>) dst(%dma_wait3A_1024 : memref<8x128xf32, #tpu.memory_space<hbm>>)
        %dma_wait3A_1029 = arith.constant 1 : i32
        %dma_wait3A_1030 = arith.constant 0 : i32
        %dma_wait3A_1031 = arith.constant 0 : i32
        %dma_wait3A_1032 = arith.constant 0 : i32
        %dma_wait3A_1033 = arith.constant 0 : i32
        %dma_wait3A_1034 = arith.constant 0 : i32
        %dma_wait3A_1035 = tpu.memref_slice %arg7[%dma_wait3A_1029, %dma_wait3A_1033, %dma_wait3A_1034] : memref<2x64x129xf32, #tpu.memory_space<vmem>> -> memref<1x8x128xf32, #tpu.memory_space<vmem>>
        %dma_wait3A_1036 = tpu.memref_squeeze %dma_wait3A_1035 : memref<1x8x128xf32, #tpu.memory_space<vmem>> -> memref<8x128xf32, #tpu.memory_space<vmem>>
        %dma_wait3A_1037 = arith.constant 0 : i32
        %dma_wait3A_1038 = arith.constant 0 : i32
        %dma_wait3A_1039 = tpu.memref_slice %arg4[%dma_wait3A_1030, %dma_wait3A_1031, %dma_wait3A_1032, %dma_wait3A_1037, %dma_wait3A_1038] : memref<50x8x128x8x128xf32, #tpu.memory_space<hbm>> -> memref<1x1x1x8x128xf32, #tpu.memory_space<hbm>>
        %dma_wait3A_1040 = tpu.memref_squeeze %dma_wait3A_1039 : memref<1x1x1x8x128xf32, #tpu.memory_space<hbm>> -> memref<8x128xf32, #tpu.memory_space<hbm>>
        %dma_wait3A_1041 = arith.constant 0 : i32
        %dma_wait3A_1042 = arith.constant 0 : i32
        %dma_wait3A_1043 = tpu.memref_slice %arg4[%dma_wait3A_1030, %dma_wait3A_1031, %dma_wait3A_1032, %dma_wait3A_1041, %dma_wait3A_1042] : memref<50x8x128x8x128xf32, #tpu.memory_space<hbm>> -> memref<1x1x1x8x128xf32, #tpu.memory_space<hbm>>
        %dma_wait3A_1044 = tpu.memref_squeeze %dma_wait3A_1043 : memref<1x1x1x8x128xf32, #tpu.memory_space<hbm>> -> memref<8x128xf32, #tpu.memory_space<hbm>>
        %dma_wait3A_1045 = arith.constant 0 : i32
        %dma_wait3A_1046 = arith.constant 0 : i32
        %dma_wait3A_1047 = tpu.memref_slice %arg7[%dma_wait3A_1029, %dma_wait3A_1045, %dma_wait3A_1046] : memref<2x64x129xf32, #tpu.memory_space<vmem>> -> memref<1x8x128xf32, #tpu.memory_space<vmem>>
        %dma_wait3A_1048 = tpu.memref_squeeze %dma_wait3A_1047 : memref<1x8x128xf32, #tpu.memory_space<vmem>> -> memref<8x128xf32, #tpu.memory_space<vmem>>
        tpu.wait_dma2 semaphore(%arg13 : memref<!tpu.dma_semaphore, #tpu.memory_space<semaphore_mem>>) src(%dma_wait3A_1048 : memref<8x128xf32, #tpu.memory_space<vmem>>) dst(%dma_wait3A_1044 : memref<8x128xf32, #tpu.memory_space<hbm>>)
      } else {
      }
      %parallel_loop3A_701 = arith.constant 0 : i32
      %parallel_loop3A_702 = arith.constant 128 : i32
      %parallel_loop3A_703 = arith.constant 1 : i32
      scf.for %parallel_loop3A_889 = %parallel_loop3A_701 to %parallel_loop3A_702 step %parallel_loop3A_703  : i32 {
        %parallel_loop3A_890 = arith.constant 0 : i32
        %parallel_loop3A_891 = vector.broadcast %parallel_loop3A_890 : i32 to vector<16xi32>
        %parallel_loop3A_892 = arith.muli %iota3A, %parallel_loop3A_891 : vector<16xi32>
        %parallel_loop3A_893 = vector.broadcast %parallel_loop3A_889 : i32 to vector<16xi32>
        %parallel_loop3A_894 = arith.addi %parallel_loop3A_892, %parallel_loop3A_893 : vector<16xi32>
        %parallel_loop3A_895 = arith.constant 1 : i32
        %parallel_loop3A_896 = arith.constant 0 : i32
        %parallel_loop3A_897 = tpu.memref_slice %arg6[%parallel_loop3A_895, %parallel_loop3A_889, %parallel_loop3A_896] : memref<2x128x64xf32, #tpu.memory_space<vmem>> -> memref<1x1x64xf32, #tpu.memory_space<vmem>>
        %parallel_loop3A_898 = tpu.memref_squeeze %parallel_loop3A_897 : memref<1x1x64xf32, #tpu.memory_space<vmem>> -> memref<64xf32, #tpu.memory_space<vmem>>
        %parallel_loop3A_899 = tpu.vector_load_idx %parallel_loop3A_898[%add3A_5] : memref<64xf32, #tpu.memory_space<vmem>>[vector<16xi32>], vector<16xf32>,
        %parallel_loop3A_900 = arith.constant 1 : i32
        %parallel_loop3A_901 = arith.constant 0 : i32
        %parallel_loop3A_902 = arith.constant 0 : i32
        %parallel_loop3A_903 = tpu.memref_slice %arg7[%parallel_loop3A_900, %parallel_loop3A_901, %parallel_loop3A_902] : memref<2x64x129xf32, #tpu.memory_space<vmem>> -> memref<1x64x129xf32, #tpu.memory_space<vmem>>
        %parallel_loop3A_904 = tpu.memref_squeeze %parallel_loop3A_903 : memref<1x64x129xf32, #tpu.memory_space<vmem>> -> memref<64x129xf32, #tpu.memory_space<vmem>>
        tpu.vector_store_idx %parallel_loop3A_904[%add3A_5, %parallel_loop3A_894], %parallel_loop3A_899 : memref<64x129xf32, #tpu.memory_space<vmem>>[vector<16xi32>, vector<16xi32>], vector<16xf32>,
        %parallel_loop3A_905 = arith.constant 1 : i32
        %parallel_loop3A_906 = arith.constant 0 : i32
        %parallel_loop3A_907 = tpu.memref_slice %arg6[%parallel_loop3A_905, %parallel_loop3A_889, %parallel_loop3A_906] : memref<2x128x64xf32, #tpu.memory_space<vmem>> -> memref<1x1x64xf32, #tpu.memory_space<vmem>>
        %parallel_loop3A_908 = tpu.memref_squeeze %parallel_loop3A_907 : memref<1x1x64xf32, #tpu.memory_space<vmem>> -> memref<64xf32, #tpu.memory_space<vmem>>
        %parallel_loop3A_909 = tpu.vector_load_idx %parallel_loop3A_908[%add3A_8] : memref<64xf32, #tpu.memory_space<vmem>>[vector<16xi32>], vector<16xf32>,
        %parallel_loop3A_910 = arith.constant 1 : i32
        %parallel_loop3A_911 = arith.constant 0 : i32
        %parallel_loop3A_912 = arith.constant 0 : i32
        %parallel_loop3A_913 = tpu.memref_slice %arg7[%parallel_loop3A_910, %parallel_loop3A_911, %parallel_loop3A_912] : memref<2x64x129xf32, #tpu.memory_space<vmem>> -> memref<1x64x129xf32, #tpu.memory_space<vmem>>
        %parallel_loop3A_914 = tpu.memref_squeeze %parallel_loop3A_913 : memref<1x64x129xf32, #tpu.memory_space<vmem>> -> memref<64x129xf32, #tpu.memory_space<vmem>>
        tpu.vector_store_idx %parallel_loop3A_914[%add3A_8, %parallel_loop3A_894], %parallel_loop3A_909 : memref<64x129xf32, #tpu.memory_space<vmem>>[vector<16xi32>, vector<16xi32>], vector<16xf32>,
        %parallel_loop3A_915 = arith.constant 1 : i32
        %parallel_loop3A_916 = arith.constant 0 : i32
        %parallel_loop3A_917 = tpu.memref_slice %arg6[%parallel_loop3A_915, %parallel_loop3A_889, %parallel_loop3A_916] : memref<2x128x64xf32, #tpu.memory_space<vmem>> -> memref<1x1x64xf32, #tpu.memory_space<vmem>>
        %parallel_loop3A_918 = tpu.memref_squeeze %parallel_loop3A_917 : memref<1x1x64xf32, #tpu.memory_space<vmem>> -> memref<64xf32, #tpu.memory_space<vmem>>
        %parallel_loop3A_919 = tpu.vector_load_idx %parallel_loop3A_918[%add3A_11] : memref<64xf32, #tpu.memory_space<vmem>>[vector<16xi32>], vector<16xf32>,
        %parallel_loop3A_920 = arith.constant 1 : i32
        %parallel_loop3A_921 = arith.constant 0 : i32
        %parallel_loop3A_922 = arith.constant 0 : i32
        %parallel_loop3A_923 = tpu.memref_slice %arg7[%parallel_loop3A_920, %parallel_loop3A_921, %parallel_loop3A_922] : memref<2x64x129xf32, #tpu.memory_space<vmem>> -> memref<1x64x129xf32, #tpu.memory_space<vmem>>
        %parallel_loop3A_924 = tpu.memref_squeeze %parallel_loop3A_923 : memref<1x64x129xf32, #tpu.memory_space<vmem>> -> memref<64x129xf32, #tpu.memory_space<vmem>>
        tpu.vector_store_idx %parallel_loop3A_924[%add3A_11, %parallel_loop3A_894], %parallel_loop3A_919 : memref<64x129xf32, #tpu.memory_space<vmem>>[vector<16xi32>, vector<16xi32>], vector<16xf32>,
        %parallel_loop3A_925 = arith.constant 1 : i32
        %parallel_loop3A_926 = arith.constant 0 : i32
        %parallel_loop3A_927 = tpu.memref_slice %arg6[%parallel_loop3A_925, %parallel_loop3A_889, %parallel_loop3A_926] : memref<2x128x64xf32, #tpu.memory_space<vmem>> -> memref<1x1x64xf32, #tpu.memory_space<vmem>>
        %parallel_loop3A_928 = tpu.memref_squeeze %parallel_loop3A_927 : memref<1x1x64xf32, #tpu.memory_space<vmem>> -> memref<64xf32, #tpu.memory_space<vmem>>
        %parallel_loop3A_929 = tpu.vector_load_idx %parallel_loop3A_928[%add3A_14] : memref<64xf32, #tpu.memory_space<vmem>>[vector<16xi32>], vector<16xf32>,
        %parallel_loop3A_930 = arith.constant 1 : i32
        %parallel_loop3A_931 = arith.constant 0 : i32
        %parallel_loop3A_932 = arith.constant 0 : i32
        %parallel_loop3A_933 = tpu.memref_slice %arg7[%parallel_loop3A_930, %parallel_loop3A_931, %parallel_loop3A_932] : memref<2x64x129xf32, #tpu.memory_space<vmem>> -> memref<1x64x129xf32, #tpu.memory_space<vmem>>
        %parallel_loop3A_934 = tpu.memref_squeeze %parallel_loop3A_933 : memref<1x64x129xf32, #tpu.memory_space<vmem>> -> memref<64x129xf32, #tpu.memory_space<vmem>>
        tpu.vector_store_idx %parallel_loop3A_934[%add3A_14, %parallel_loop3A_894], %parallel_loop3A_929 : memref<64x129xf32, #tpu.memory_space<vmem>>[vector<16xi32>, vector<16xi32>], vector<16xf32>,
      } {sc.loop_unroll_factor = 8 : i64, sc.parallel_access}
      %add3A_704 = arith.addi %mul3A_2, %add3A_666 : i32
      %jit3A_705 = arith.constant 128 : i32
      %div3A_706 = arith.divsi %add3A_704, %jit3A_705 : i32
      %sign3A_707 = arith.constant 0 : i32
      %sign3A_708 = arith.cmpi sgt, %add3A_704, %sign3A_707 : i32
      %sign3A_709 = arith.extui %sign3A_708 : i1 to i32
      %sign3A_710 = arith.constant 0 : i32
      %sign3A_711 = arith.cmpi slt, %add3A_704, %sign3A_710 : i32
      %sign3A_712 = arith.extui %sign3A_711 : i1 to i32
      %sign3A_713 = arith.subi %sign3A_709, %sign3A_712 : i32
      %sign3A_714 = arith.constant 0 : i32
      %sign3A_715 = arith.cmpi sgt, %jit3A_705, %sign3A_714 : i32
      %sign3A_716 = arith.extui %sign3A_715 : i1 to i32
      %sign3A_717 = arith.constant 0 : i32
      %sign3A_718 = arith.cmpi slt, %jit3A_705, %sign3A_717 : i32
      %sign3A_719 = arith.extui %sign3A_718 : i1 to i32
      %sign3A_720 = arith.subi %sign3A_716, %sign3A_719 : i32
      %ne3A_721 = arith.cmpi ne, %sign3A_713, %sign3A_720 : i32
      %rem3A_722 = arith.remsi %add3A_704, %jit3A_705 : i32
      %ne3A_723 = arith.constant 0 : i32
      %ne3A_724 = arith.cmpi ne, %rem3A_722, %ne3A_723 : i32
      %and3A_725 = arith.andi %ne3A_721, %ne3A_724 : i1
      %sub3A_726 = arith.constant 1 : i32
      %sub3A_727 = arith.subi %div3A_706, %sub3A_726 : i32
      %select_n3A_728 = arith.select %and3A_725, %sub3A_727, %div3A_706 : i32
      %jit3A_729 = arith.constant 128 : i32
      %eq3A_730 = arith.constant 0 : i32
      %eq3A_731 = arith.cmpi eq, %jit3A_729, %eq3A_730 : i32
      %jit3A_732 = arith.constant 1 : i32
      %select_n3A_733 = arith.select %eq3A_731, %jit3A_732, %jit3A_729 : i32
      %rem3A_734 = arith.remsi %add3A_704, %select_n3A_733 : i32
      %ne3A_735 = arith.constant 0 : i32
      %ne3A_736 = arith.cmpi ne, %rem3A_734, %ne3A_735 : i32
      %lt3A_737 = arith.constant 0 : i32
      %lt3A_738 = arith.cmpi slt, %rem3A_734, %lt3A_737 : i32
      %lt3A_739 = arith.constant 0 : i32
      %lt3A_740 = arith.cmpi slt, %select_n3A_733, %lt3A_739 : i32
      %ne3A_741 = arith.xori %lt3A_738, %lt3A_740 : i1
      %and3A_742 = arith.andi %ne3A_741, %ne3A_736 : i1
      %add3A_743 = arith.addi %rem3A_734, %select_n3A_733 : i32
      %select_n3A_744 = arith.select %and3A_742, %add3A_743, %rem3A_734 : i32
      %dma_start3A_745 = arith.constant 1 : i32
      %dma_start3A_746 = arith.constant 0 : i32
      %dma_start3A_747 = arith.constant 0 : i32
      %dma_start3A_748 = arith.constant 0 : i32
      %dma_start3A_749 = tpu.memref_slice %arg7[%dma_start3A_745, %dma_start3A_747, %dma_start3A_748] : memref<2x64x129xf32, #tpu.memory_space<vmem>> -> memref<1x8x128xf32, #tpu.memory_space<vmem>>
      %dma_start3A_750 = tpu.memref_squeeze %dma_start3A_749 : memref<1x8x128xf32, #tpu.memory_space<vmem>> -> memref<8x128xf32, #tpu.memory_space<vmem>>
      %dma_start3A_751 = arith.constant 0 : i32
      %dma_start3A_752 = arith.constant 0 : i32
      %dma_start3A_753 = tpu.memref_slice %arg4[%select_n3A_728, %dma_start3A_746, %select_n3A_744, %dma_start3A_751, %dma_start3A_752] : memref<50x8x128x8x128xf32, #tpu.memory_space<hbm>> -> memref<1x1x1x8x128xf32, #tpu.memory_space<hbm>>
      %dma_start3A_754 = tpu.memref_squeeze %dma_start3A_753 : memref<1x1x1x8x128xf32, #tpu.memory_space<hbm>> -> memref<8x128xf32, #tpu.memory_space<hbm>>
      %dma_start3A_755 = arith.constant 0 : i32
      %dma_start3A_756 = arith.constant 0 : i32
      %dma_start3A_757 = tpu.memref_slice %arg4[%select_n3A_728, %dma_start3A_746, %select_n3A_744, %dma_start3A_755, %dma_start3A_756] : memref<50x8x128x8x128xf32, #tpu.memory_space<hbm>> -> memref<1x1x1x8x128xf32, #tpu.memory_space<hbm>>
      %dma_start3A_758 = tpu.memref_squeeze %dma_start3A_757 : memref<1x1x1x8x128xf32, #tpu.memory_space<hbm>> -> memref<8x128xf32, #tpu.memory_space<hbm>>
      %dma_start3A_759 = arith.constant 0 : i32
      %dma_start3A_760 = arith.constant 0 : i32
      %dma_start3A_761 = tpu.memref_slice %arg7[%dma_start3A_745, %dma_start3A_759, %dma_start3A_760] : memref<2x64x129xf32, #tpu.memory_space<vmem>> -> memref<1x8x128xf32, #tpu.memory_space<vmem>>
      %dma_start3A_762 = tpu.memref_squeeze %dma_start3A_761 : memref<1x8x128xf32, #tpu.memory_space<vmem>> -> memref<8x128xf32, #tpu.memory_space<vmem>>
      tpu.enqueue_dma source(%dma_start3A_762 : memref<8x128xf32, #tpu.memory_space<vmem>>) target(%dma_start3A_758 : memref<8x128xf32, #tpu.memory_space<hbm>>) target_semaphore(%arg13 : memref<!tpu.dma_semaphore, #tpu.memory_space<semaphore_mem>>)
      %dma_start3A_763 = arith.constant 1 : i32
      %dma_start3A_764 = arith.constant 1 : i32
      %dma_start3A_765 = arith.constant 8 : i32
      %dma_start3A_766 = arith.constant 0 : i32
      %dma_start3A_767 = tpu.memref_slice %arg7[%dma_start3A_763, %dma_start3A_765, %dma_start3A_766] : memref<2x64x129xf32, #tpu.memory_space<vmem>> -> memref<1x8x128xf32, #tpu.memory_space<vmem>>
      %dma_start3A_768 = tpu.memref_squeeze %dma_start3A_767 : memref<1x8x128xf32, #tpu.memory_space<vmem>> -> memref<8x128xf32, #tpu.memory_space<vmem>>
      %dma_start3A_769 = arith.constant 0 : i32
      %dma_start3A_770 = arith.constant 0 : i32
      %dma_start3A_771 = tpu.memref_slice %arg4[%select_n3A_728, %dma_start3A_764, %select_n3A_744, %dma_start3A_769, %dma_start3A_770] : memref<50x8x128x8x128xf32, #tpu.memory_space<hbm>> -> memref<1x1x1x8x128xf32, #tpu.memory_space<hbm>>
      %dma_start3A_772 = tpu.memref_squeeze %dma_start3A_771 : memref<1x1x1x8x128xf32, #tpu.memory_space<hbm>> -> memref<8x128xf32, #tpu.memory_space<hbm>>
      %dma_start3A_773 = arith.constant 0 : i32
      %dma_start3A_774 = arith.constant 0 : i32
      %dma_start3A_775 = tpu.memref_slice %arg4[%select_n3A_728, %dma_start3A_764, %select_n3A_744, %dma_start3A_773, %dma_start3A_774] : memref<50x8x128x8x128xf32, #tpu.memory_space<hbm>> -> memref<1x1x1x8x128xf32, #tpu.memory_space<hbm>>
      %dma_start3A_776 = tpu.memref_squeeze %dma_start3A_775 : memref<1x1x1x8x128xf32, #tpu.memory_space<hbm>> -> memref<8x128xf32, #tpu.memory_space<hbm>>
      %dma_start3A_777 = arith.constant 8 : i32
      %dma_start3A_778 = arith.constant 0 : i32
      %dma_start3A_779 = tpu.memref_slice %arg7[%dma_start3A_763, %dma_start3A_777, %dma_start3A_778] : memref<2x64x129xf32, #tpu.memory_space<vmem>> -> memref<1x8x128xf32, #tpu.memory_space<vmem>>
      %dma_start3A_780 = tpu.memref_squeeze %dma_start3A_779 : memref<1x8x128xf32, #tpu.memory_space<vmem>> -> memref<8x128xf32, #tpu.memory_space<vmem>>
      tpu.enqueue_dma source(%dma_start3A_780 : memref<8x128xf32, #tpu.memory_space<vmem>>) target(%dma_start3A_776 : memref<8x128xf32, #tpu.memory_space<hbm>>) target_semaphore(%arg13 : memref<!tpu.dma_semaphore, #tpu.memory_space<semaphore_mem>>)
      %dma_start3A_781 = arith.constant 1 : i32
      %dma_start3A_782 = arith.constant 2 : i32
      %dma_start3A_783 = arith.constant 16 : i32
      %dma_start3A_784 = arith.constant 0 : i32
      %dma_start3A_785 = tpu.memref_slice %arg7[%dma_start3A_781, %dma_start3A_783, %dma_start3A_784] : memref<2x64x129xf32, #tpu.memory_space<vmem>> -> memref<1x8x128xf32, #tpu.memory_space<vmem>>
      %dma_start3A_786 = tpu.memref_squeeze %dma_start3A_785 : memref<1x8x128xf32, #tpu.memory_space<vmem>> -> memref<8x128xf32, #tpu.memory_space<vmem>>
      %dma_start3A_787 = arith.constant 0 : i32
      %dma_start3A_788 = arith.constant 0 : i32
      %dma_start3A_789 = tpu.memref_slice %arg4[%select_n3A_728, %dma_start3A_782, %select_n3A_744, %dma_start3A_787, %dma_start3A_788] : memref<50x8x128x8x128xf32, #tpu.memory_space<hbm>> -> memref<1x1x1x8x128xf32, #tpu.memory_space<hbm>>
      %dma_start3A_790 = tpu.memref_squeeze %dma_start3A_789 : memref<1x1x1x8x128xf32, #tpu.memory_space<hbm>> -> memref<8x128xf32, #tpu.memory_space<hbm>>
      %dma_start3A_791 = arith.constant 0 : i32
      %dma_start3A_792 = arith.constant 0 : i32
      %dma_start3A_793 = tpu.memref_slice %arg4[%select_n3A_728, %dma_start3A_782, %select_n3A_744, %dma_start3A_791, %dma_start3A_792] : memref<50x8x128x8x128xf32, #tpu.memory_space<hbm>> -> memref<1x1x1x8x128xf32, #tpu.memory_space<hbm>>
      %dma_start3A_794 = tpu.memref_squeeze %dma_start3A_793 : memref<1x1x1x8x128xf32, #tpu.memory_space<hbm>> -> memref<8x128xf32, #tpu.memory_space<hbm>>
      %dma_start3A_795 = arith.constant 16 : i32
      %dma_start3A_796 = arith.constant 0 : i32
      %dma_start3A_797 = tpu.memref_slice %arg7[%dma_start3A_781, %dma_start3A_795, %dma_start3A_796] : memref<2x64x129xf32, #tpu.memory_space<vmem>> -> memref<1x8x128xf32, #tpu.memory_space<vmem>>
      %dma_start3A_798 = tpu.memref_squeeze %dma_start3A_797 : memref<1x8x128xf32, #tpu.memory_space<vmem>> -> memref<8x128xf32, #tpu.memory_space<vmem>>
      tpu.enqueue_dma source(%dma_start3A_798 : memref<8x128xf32, #tpu.memory_space<vmem>>) target(%dma_start3A_794 : memref<8x128xf32, #tpu.memory_space<hbm>>) target_semaphore(%arg13 : memref<!tpu.dma_semaphore, #tpu.memory_space<semaphore_mem>>)
      %dma_start3A_799 = arith.constant 1 : i32
      %dma_start3A_800 = arith.constant 3 : i32
      %dma_start3A_801 = arith.constant 24 : i32
      %dma_start3A_802 = arith.constant 0 : i32
      %dma_start3A_803 = tpu.memref_slice %arg7[%dma_start3A_799, %dma_start3A_801, %dma_start3A_802] : memref<2x64x129xf32, #tpu.memory_space<vmem>> -> memref<1x8x128xf32, #tpu.memory_space<vmem>>
      %dma_start3A_804 = tpu.memref_squeeze %dma_start3A_803 : memref<1x8x128xf32, #tpu.memory_space<vmem>> -> memref<8x128xf32, #tpu.memory_space<vmem>>
      %dma_start3A_805 = arith.constant 0 : i32
      %dma_start3A_806 = arith.constant 0 : i32
      %dma_start3A_807 = tpu.memref_slice %arg4[%select_n3A_728, %dma_start3A_800, %select_n3A_744, %dma_start3A_805, %dma_start3A_806] : memref<50x8x128x8x128xf32, #tpu.memory_space<hbm>> -> memref<1x1x1x8x128xf32, #tpu.memory_space<hbm>>
      %dma_start3A_808 = tpu.memref_squeeze %dma_start3A_807 : memref<1x1x1x8x128xf32, #tpu.memory_space<hbm>> -> memref<8x128xf32, #tpu.memory_space<hbm>>
      %dma_start3A_809 = arith.constant 0 : i32
      %dma_start3A_810 = arith.constant 0 : i32
      %dma_start3A_811 = tpu.memref_slice %arg4[%select_n3A_728, %dma_start3A_800, %select_n3A_744, %dma_start3A_809, %dma_start3A_810] : memref<50x8x128x8x128xf32, #tpu.memory_space<hbm>> -> memref<1x1x1x8x128xf32, #tpu.memory_space<hbm>>
      %dma_start3A_812 = tpu.memref_squeeze %dma_start3A_811 : memref<1x1x1x8x128xf32, #tpu.memory_space<hbm>> -> memref<8x128xf32, #tpu.memory_space<hbm>>
      %dma_start3A_813 = arith.constant 24 : i32
      %dma_start3A_814 = arith.constant 0 : i32
      %dma_start3A_815 = tpu.memref_slice %arg7[%dma_start3A_799, %dma_start3A_813, %dma_start3A_814] : memref<2x64x129xf32, #tpu.memory_space<vmem>> -> memref<1x8x128xf32, #tpu.memory_space<vmem>>
      %dma_start3A_816 = tpu.memref_squeeze %dma_start3A_815 : memref<1x8x128xf32, #tpu.memory_space<vmem>> -> memref<8x128xf32, #tpu.memory_space<vmem>>
      tpu.enqueue_dma source(%dma_start3A_816 : memref<8x128xf32, #tpu.memory_space<vmem>>) target(%dma_start3A_812 : memref<8x128xf32, #tpu.memory_space<hbm>>) target_semaphore(%arg13 : memref<!tpu.dma_semaphore, #tpu.memory_space<semaphore_mem>>)
      %dma_start3A_817 = arith.constant 1 : i32
      %dma_start3A_818 = arith.constant 4 : i32
      %dma_start3A_819 = arith.constant 32 : i32
      %dma_start3A_820 = arith.constant 0 : i32
      %dma_start3A_821 = tpu.memref_slice %arg7[%dma_start3A_817, %dma_start3A_819, %dma_start3A_820] : memref<2x64x129xf32, #tpu.memory_space<vmem>> -> memref<1x8x128xf32, #tpu.memory_space<vmem>>
      %dma_start3A_822 = tpu.memref_squeeze %dma_start3A_821 : memref<1x8x128xf32, #tpu.memory_space<vmem>> -> memref<8x128xf32, #tpu.memory_space<vmem>>
      %dma_start3A_823 = arith.constant 0 : i32
      %dma_start3A_824 = arith.constant 0 : i32
      %dma_start3A_825 = tpu.memref_slice %arg4[%select_n3A_728, %dma_start3A_818, %select_n3A_744, %dma_start3A_823, %dma_start3A_824] : memref<50x8x128x8x128xf32, #tpu.memory_space<hbm>> -> memref<1x1x1x8x128xf32, #tpu.memory_space<hbm>>
      %dma_start3A_826 = tpu.memref_squeeze %dma_start3A_825 : memref<1x1x1x8x128xf32, #tpu.memory_space<hbm>> -> memref<8x128xf32, #tpu.memory_space<hbm>>
      %dma_start3A_827 = arith.constant 0 : i32
      %dma_start3A_828 = arith.constant 0 : i32
      %dma_start3A_829 = tpu.memref_slice %arg4[%select_n3A_728, %dma_start3A_818, %select_n3A_744, %dma_start3A_827, %dma_start3A_828] : memref<50x8x128x8x128xf32, #tpu.memory_space<hbm>> -> memref<1x1x1x8x128xf32, #tpu.memory_space<hbm>>
      %dma_start3A_830 = tpu.memref_squeeze %dma_start3A_829 : memref<1x1x1x8x128xf32, #tpu.memory_space<hbm>> -> memref<8x128xf32, #tpu.memory_space<hbm>>
      %dma_start3A_831 = arith.constant 32 : i32
      %dma_start3A_832 = arith.constant 0 : i32
      %dma_start3A_833 = tpu.memref_slice %arg7[%dma_start3A_817, %dma_start3A_831, %dma_start3A_832] : memref<2x64x129xf32, #tpu.memory_space<vmem>> -> memref<1x8x128xf32, #tpu.memory_space<vmem>>
      %dma_start3A_834 = tpu.memref_squeeze %dma_start3A_833 : memref<1x8x128xf32, #tpu.memory_space<vmem>> -> memref<8x128xf32, #tpu.memory_space<vmem>>
      tpu.enqueue_dma source(%dma_start3A_834 : memref<8x128xf32, #tpu.memory_space<vmem>>) target(%dma_start3A_830 : memref<8x128xf32, #tpu.memory_space<hbm>>) target_semaphore(%arg13 : memref<!tpu.dma_semaphore, #tpu.memory_space<semaphore_mem>>)
      %dma_start3A_835 = arith.constant 1 : i32
      %dma_start3A_836 = arith.constant 5 : i32
      %dma_start3A_837 = arith.constant 40 : i32
      %dma_start3A_838 = arith.constant 0 : i32
      %dma_start3A_839 = tpu.memref_slice %arg7[%dma_start3A_835, %dma_start3A_837, %dma_start3A_838] : memref<2x64x129xf32, #tpu.memory_space<vmem>> -> memref<1x8x128xf32, #tpu.memory_space<vmem>>
      %dma_start3A_840 = tpu.memref_squeeze %dma_start3A_839 : memref<1x8x128xf32, #tpu.memory_space<vmem>> -> memref<8x128xf32, #tpu.memory_space<vmem>>
      %dma_start3A_841 = arith.constant 0 : i32
      %dma_start3A_842 = arith.constant 0 : i32
      %dma_start3A_843 = tpu.memref_slice %arg4[%select_n3A_728, %dma_start3A_836, %select_n3A_744, %dma_start3A_841, %dma_start3A_842] : memref<50x8x128x8x128xf32, #tpu.memory_space<hbm>> -> memref<1x1x1x8x128xf32, #tpu.memory_space<hbm>>
      %dma_start3A_844 = tpu.memref_squeeze %dma_start3A_843 : memref<1x1x1x8x128xf32, #tpu.memory_space<hbm>> -> memref<8x128xf32, #tpu.memory_space<hbm>>
      %dma_start3A_845 = arith.constant 0 : i32
      %dma_start3A_846 = arith.constant 0 : i32
      %dma_start3A_847 = tpu.memref_slice %arg4[%select_n3A_728, %dma_start3A_836, %select_n3A_744, %dma_start3A_845, %dma_start3A_846] : memref<50x8x128x8x128xf32, #tpu.memory_space<hbm>> -> memref<1x1x1x8x128xf32, #tpu.memory_space<hbm>>
      %dma_start3A_848 = tpu.memref_squeeze %dma_start3A_847 : memref<1x1x1x8x128xf32, #tpu.memory_space<hbm>> -> memref<8x128xf32, #tpu.memory_space<hbm>>
      %dma_start3A_849 = arith.constant 40 : i32
      %dma_start3A_850 = arith.constant 0 : i32
      %dma_start3A_851 = tpu.memref_slice %arg7[%dma_start3A_835, %dma_start3A_849, %dma_start3A_850] : memref<2x64x129xf32, #tpu.memory_space<vmem>> -> memref<1x8x128xf32, #tpu.memory_space<vmem>>
      %dma_start3A_852 = tpu.memref_squeeze %dma_start3A_851 : memref<1x8x128xf32, #tpu.memory_space<vmem>> -> memref<8x128xf32, #tpu.memory_space<vmem>>
      tpu.enqueue_dma source(%dma_start3A_852 : memref<8x128xf32, #tpu.memory_space<vmem>>) target(%dma_start3A_848 : memref<8x128xf32, #tpu.memory_space<hbm>>) target_semaphore(%arg13 : memref<!tpu.dma_semaphore, #tpu.memory_space<semaphore_mem>>)
      %dma_start3A_853 = arith.constant 1 : i32
      %dma_start3A_854 = arith.constant 6 : i32
      %dma_start3A_855 = arith.constant 48 : i32
      %dma_start3A_856 = arith.constant 0 : i32
      %dma_start3A_857 = tpu.memref_slice %arg7[%dma_start3A_853, %dma_start3A_855, %dma_start3A_856] : memref<2x64x129xf32, #tpu.memory_space<vmem>> -> memref<1x8x128xf32, #tpu.memory_space<vmem>>
      %dma_start3A_858 = tpu.memref_squeeze %dma_start3A_857 : memref<1x8x128xf32, #tpu.memory_space<vmem>> -> memref<8x128xf32, #tpu.memory_space<vmem>>
      %dma_start3A_859 = arith.constant 0 : i32
      %dma_start3A_860 = arith.constant 0 : i32
      %dma_start3A_861 = tpu.memref_slice %arg4[%select_n3A_728, %dma_start3A_854, %select_n3A_744, %dma_start3A_859, %dma_start3A_860] : memref<50x8x128x8x128xf32, #tpu.memory_space<hbm>> -> memref<1x1x1x8x128xf32, #tpu.memory_space<hbm>>
      %dma_start3A_862 = tpu.memref_squeeze %dma_start3A_861 : memref<1x1x1x8x128xf32, #tpu.memory_space<hbm>> -> memref<8x128xf32, #tpu.memory_space<hbm>>
      %dma_start3A_863 = arith.constant 0 : i32
      %dma_start3A_864 = arith.constant 0 : i32
      %dma_start3A_865 = tpu.memref_slice %arg4[%select_n3A_728, %dma_start3A_854, %select_n3A_744, %dma_start3A_863, %dma_start3A_864] : memref<50x8x128x8x128xf32, #tpu.memory_space<hbm>> -> memref<1x1x1x8x128xf32, #tpu.memory_space<hbm>>
      %dma_start3A_866 = tpu.memref_squeeze %dma_start3A_865 : memref<1x1x1x8x128xf32, #tpu.memory_space<hbm>> -> memref<8x128xf32, #tpu.memory_space<hbm>>
      %dma_start3A_867 = arith.constant 48 : i32
      %dma_start3A_868 = arith.constant 0 : i32
      %dma_start3A_869 = tpu.memref_slice %arg7[%dma_start3A_853, %dma_start3A_867, %dma_start3A_868] : memref<2x64x129xf32, #tpu.memory_space<vmem>> -> memref<1x8x128xf32, #tpu.memory_space<vmem>>
      %dma_start3A_870 = tpu.memref_squeeze %dma_start3A_869 : memref<1x8x128xf32, #tpu.memory_space<vmem>> -> memref<8x128xf32, #tpu.memory_space<vmem>>
      tpu.enqueue_dma source(%dma_start3A_870 : memref<8x128xf32, #tpu.memory_space<vmem>>) target(%dma_start3A_866 : memref<8x128xf32, #tpu.memory_space<hbm>>) target_semaphore(%arg13 : memref<!tpu.dma_semaphore, #tpu.memory_space<semaphore_mem>>)
      %dma_start3A_871 = arith.constant 1 : i32
      %dma_start3A_872 = arith.constant 7 : i32
      %dma_start3A_873 = arith.constant 56 : i32
      %dma_start3A_874 = arith.constant 0 : i32
      %dma_start3A_875 = tpu.memref_slice %arg7[%dma_start3A_871, %dma_start3A_873, %dma_start3A_874] : memref<2x64x129xf32, #tpu.memory_space<vmem>> -> memref<1x8x128xf32, #tpu.memory_space<vmem>>
      %dma_start3A_876 = tpu.memref_squeeze %dma_start3A_875 : memref<1x8x128xf32, #tpu.memory_space<vmem>> -> memref<8x128xf32, #tpu.memory_space<vmem>>
      %dma_start3A_877 = arith.constant 0 : i32
      %dma_start3A_878 = arith.constant 0 : i32
      %dma_start3A_879 = tpu.memref_slice %arg4[%select_n3A_728, %dma_start3A_872, %select_n3A_744, %dma_start3A_877, %dma_start3A_878] : memref<50x8x128x8x128xf32, #tpu.memory_space<hbm>> -> memref<1x1x1x8x128xf32, #tpu.memory_space<hbm>>
      %dma_start3A_880 = tpu.memref_squeeze %dma_start3A_879 : memref<1x1x1x8x128xf32, #tpu.memory_space<hbm>> -> memref<8x128xf32, #tpu.memory_space<hbm>>
      %dma_start3A_881 = arith.constant 0 : i32
      %dma_start3A_882 = arith.constant 0 : i32
      %dma_start3A_883 = tpu.memref_slice %arg4[%select_n3A_728, %dma_start3A_872, %select_n3A_744, %dma_start3A_881, %dma_start3A_882] : memref<50x8x128x8x128xf32, #tpu.memory_space<hbm>> -> memref<1x1x1x8x128xf32, #tpu.memory_space<hbm>>
      %dma_start3A_884 = tpu.memref_squeeze %dma_start3A_883 : memref<1x1x1x8x128xf32, #tpu.memory_space<hbm>> -> memref<8x128xf32, #tpu.memory_space<hbm>>
      %dma_start3A_885 = arith.constant 56 : i32
      %dma_start3A_886 = arith.constant 0 : i32
      %dma_start3A_887 = tpu.memref_slice %arg7[%dma_start3A_871, %dma_start3A_885, %dma_start3A_886] : memref<2x64x129xf32, #tpu.memory_space<vmem>> -> memref<1x8x128xf32, #tpu.memory_space<vmem>>
      %dma_start3A_888 = tpu.memref_squeeze %dma_start3A_887 : memref<1x8x128xf32, #tpu.memory_space<vmem>> -> memref<8x128xf32, #tpu.memory_space<vmem>>
      tpu.enqueue_dma source(%dma_start3A_888 : memref<8x128xf32, #tpu.memory_space<vmem>>) target(%dma_start3A_884 : memref<8x128xf32, #tpu.memory_space<hbm>>) target_semaphore(%arg13 : memref<!tpu.dma_semaphore, #tpu.memory_space<semaphore_mem>>)
    }
    %scan3A_118 = arith.constant 100 : i32
    %dma_wait3A = arith.constant 0 : i32
    %dma_wait3A_119 = arith.constant 0 : i32
    %dma_wait3A_120 = arith.constant 0 : i32
    %dma_wait3A_121 = arith.constant 0 : i32
    %dma_wait3A_122 = arith.constant 0 : i32
    %dma_wait3A_123 = arith.constant 0 : i32
    %dma_wait3A_124 = tpu.memref_slice %arg7[%dma_wait3A, %dma_wait3A_122, %dma_wait3A_123] : memref<2x64x129xf32, #tpu.memory_space<vmem>> -> memref<1x8x128xf32, #tpu.memory_space<vmem>>
    %dma_wait3A_125 = tpu.memref_squeeze %dma_wait3A_124 : memref<1x8x128xf32, #tpu.memory_space<vmem>> -> memref<8x128xf32, #tpu.memory_space<vmem>>
    %dma_wait3A_126 = arith.constant 0 : i32
    %dma_wait3A_127 = arith.constant 0 : i32
    %dma_wait3A_128 = tpu.memref_slice %arg4[%dma_wait3A_119, %dma_wait3A_120, %dma_wait3A_121, %dma_wait3A_126, %dma_wait3A_127] : memref<50x8x128x8x128xf32, #tpu.memory_space<hbm>> -> memref<1x1x1x8x128xf32, #tpu.memory_space<hbm>>
    %dma_wait3A_129 = tpu.memref_squeeze %dma_wait3A_128 : memref<1x1x1x8x128xf32, #tpu.memory_space<hbm>> -> memref<8x128xf32, #tpu.memory_space<hbm>>
    %dma_wait3A_130 = arith.constant 0 : i32
    %dma_wait3A_131 = arith.constant 0 : i32
    %dma_wait3A_132 = tpu.memref_slice %arg4[%dma_wait3A_119, %dma_wait3A_120, %dma_wait3A_121, %dma_wait3A_130, %dma_wait3A_131] : memref<50x8x128x8x128xf32, #tpu.memory_space<hbm>> -> memref<1x1x1x8x128xf32, #tpu.memory_space<hbm>>
    %dma_wait3A_133 = tpu.memref_squeeze %dma_wait3A_132 : memref<1x1x1x8x128xf32, #tpu.memory_space<hbm>> -> memref<8x128xf32, #tpu.memory_space<hbm>>
    %dma_wait3A_134 = arith.constant 0 : i32
    %dma_wait3A_135 = arith.constant 0 : i32
    %dma_wait3A_136 = tpu.memref_slice %arg7[%dma_wait3A, %dma_wait3A_134, %dma_wait3A_135] : memref<2x64x129xf32, #tpu.memory_space<vmem>> -> memref<1x8x128xf32, #tpu.memory_space<vmem>>
    %dma_wait3A_137 = tpu.memref_squeeze %dma_wait3A_136 : memref<1x8x128xf32, #tpu.memory_space<vmem>> -> memref<8x128xf32, #tpu.memory_space<vmem>>
    tpu.wait_dma2 semaphore(%arg12 : memref<!tpu.dma_semaphore, #tpu.memory_space<semaphore_mem>>) src(%dma_wait3A_137 : memref<8x128xf32, #tpu.memory_space<vmem>>) dst(%dma_wait3A_133 : memref<8x128xf32, #tpu.memory_space<hbm>>)
    %dma_wait3A_138 = arith.constant 0 : i32
    %dma_wait3A_139 = arith.constant 0 : i32
    %dma_wait3A_140 = arith.constant 0 : i32
    %dma_wait3A_141 = arith.constant 0 : i32
    %dma_wait3A_142 = arith.constant 0 : i32
    %dma_wait3A_143 = arith.constant 0 : i32
    %dma_wait3A_144 = tpu.memref_slice %arg7[%dma_wait3A_138, %dma_wait3A_142, %dma_wait3A_143] : memref<2x64x129xf32, #tpu.memory_space<vmem>> -> memref<1x8x128xf32, #tpu.memory_space<vmem>>
    %dma_wait3A_145 = tpu.memref_squeeze %dma_wait3A_144 : memref<1x8x128xf32, #tpu.memory_space<vmem>> -> memref<8x128xf32, #tpu.memory_space<vmem>>
    %dma_wait3A_146 = arith.constant 0 : i32
    %dma_wait3A_147 = arith.constant 0 : i32
    %dma_wait3A_148 = tpu.memref_slice %arg4[%dma_wait3A_139, %dma_wait3A_140, %dma_wait3A_141, %dma_wait3A_146, %dma_wait3A_147] : memref<50x8x128x8x128xf32, #tpu.memory_space<hbm>> -> memref<1x1x1x8x128xf32, #tpu.memory_space<hbm>>
    %dma_wait3A_149 = tpu.memref_squeeze %dma_wait3A_148 : memref<1x1x1x8x128xf32, #tpu.memory_space<hbm>> -> memref<8x128xf32, #tpu.memory_space<hbm>>
    %dma_wait3A_150 = arith.constant 0 : i32
    %dma_wait3A_151 = arith.constant 0 : i32
    %dma_wait3A_152 = tpu.memref_slice %arg4[%dma_wait3A_139, %dma_wait3A_140, %dma_wait3A_141, %dma_wait3A_150, %dma_wait3A_151] : memref<50x8x128x8x128xf32, #tpu.memory_space<hbm>> -> memref<1x1x1x8x128xf32, #tpu.memory_space<hbm>>
    %dma_wait3A_153 = tpu.memref_squeeze %dma_wait3A_152 : memref<1x1x1x8x128xf32, #tpu.memory_space<hbm>> -> memref<8x128xf32, #tpu.memory_space<hbm>>
    %dma_wait3A_154 = arith.constant 0 : i32
    %dma_wait3A_155 = arith.constant 0 : i32
    %dma_wait3A_156 = tpu.memref_slice %arg7[%dma_wait3A_138, %dma_wait3A_154, %dma_wait3A_155] : memref<2x64x129xf32, #tpu.memory_space<vmem>> -> memref<1x8x128xf32, #tpu.memory_space<vmem>>
    %dma_wait3A_157 = tpu.memref_squeeze %dma_wait3A_156 : memref<1x8x128xf32, #tpu.memory_space<vmem>> -> memref<8x128xf32, #tpu.memory_space<vmem>>
    tpu.wait_dma2 semaphore(%arg12 : memref<!tpu.dma_semaphore, #tpu.memory_space<semaphore_mem>>) src(%dma_wait3A_157 : memref<8x128xf32, #tpu.memory_space<vmem>>) dst(%dma_wait3A_153 : memref<8x128xf32, #tpu.memory_space<hbm>>)
    %dma_wait3A_158 = arith.constant 0 : i32
    %dma_wait3A_159 = arith.constant 0 : i32
    %dma_wait3A_160 = arith.constant 0 : i32
    %dma_wait3A_161 = arith.constant 0 : i32
    %dma_wait3A_162 = arith.constant 0 : i32
    %dma_wait3A_163 = arith.constant 0 : i32
    %dma_wait3A_164 = tpu.memref_slice %arg7[%dma_wait3A_158, %dma_wait3A_162, %dma_wait3A_163] : memref<2x64x129xf32, #tpu.memory_space<vmem>> -> memref<1x8x128xf32, #tpu.memory_space<vmem>>
    %dma_wait3A_165 = tpu.memref_squeeze %dma_wait3A_164 : memref<1x8x128xf32, #tpu.memory_space<vmem>> -> memref<8x128xf32, #tpu.memory_space<vmem>>
    %dma_wait3A_166 = arith.constant 0 : i32
    %dma_wait3A_167 = arith.constant 0 : i32
    %dma_wait3A_168 = tpu.memref_slice %arg4[%dma_wait3A_159, %dma_wait3A_160, %dma_wait3A_161, %dma_wait3A_166, %dma_wait3A_167] : memref<50x8x128x8x128xf32, #tpu.memory_space<hbm>> -> memref<1x1x1x8x128xf32, #tpu.memory_space<hbm>>
    %dma_wait3A_169 = tpu.memref_squeeze %dma_wait3A_168 : memref<1x1x1x8x128xf32, #tpu.memory_space<hbm>> -> memref<8x128xf32, #tpu.memory_space<hbm>>
    %dma_wait3A_170 = arith.constant 0 : i32
    %dma_wait3A_171 = arith.constant 0 : i32
    %dma_wait3A_172 = tpu.memref_slice %arg4[%dma_wait3A_159, %dma_wait3A_160, %dma_wait3A_161, %dma_wait3A_170, %dma_wait3A_171] : memref<50x8x128x8x128xf32, #tpu.memory_space<hbm>> -> memref<1x1x1x8x128xf32, #tpu.memory_space<hbm>>
    %dma_wait3A_173 = tpu.memref_squeeze %dma_wait3A_172 : memref<1x1x1x8x128xf32, #tpu.memory_space<hbm>> -> memref<8x128xf32, #tpu.memory_space<hbm>>
    %dma_wait3A_174 = arith.constant 0 : i32
    %dma_wait3A_175 = arith.constant 0 : i32
    %dma_wait3A_176 = tpu.memref_slice %arg7[%dma_wait3A_158, %dma_wait3A_174, %dma_wait3A_175] : memref<2x64x129xf32, #tpu.memory_space<vmem>> -> memref<1x8x128xf32, #tpu.memory_space<vmem>>
    %dma_wait3A_177 = tpu.memref_squeeze %dma_wait3A_176 : memref<1x8x128xf32, #tpu.memory_space<vmem>> -> memref<8x128xf32, #tpu.memory_space<vmem>>
    tpu.wait_dma2 semaphore(%arg12 : memref<!tpu.dma_semaphore, #tpu.memory_space<semaphore_mem>>) src(%dma_wait3A_177 : memref<8x128xf32, #tpu.memory_space<vmem>>) dst(%dma_wait3A_173 : memref<8x128xf32, #tpu.memory_space<hbm>>)
    %dma_wait3A_178 = arith.constant 0 : i32
    %dma_wait3A_179 = arith.constant 0 : i32
    %dma_wait3A_180 = arith.constant 0 : i32
    %dma_wait3A_181 = arith.constant 0 : i32
    %dma_wait3A_182 = arith.constant 0 : i32
    %dma_wait3A_183 = arith.constant 0 : i32
    %dma_wait3A_184 = tpu.memref_slice %arg7[%dma_wait3A_178, %dma_wait3A_182, %dma_wait3A_183] : memref<2x64x129xf32, #tpu.memory_space<vmem>> -> memref<1x8x128xf32, #tpu.memory_space<vmem>>
    %dma_wait3A_185 = tpu.memref_squeeze %dma_wait3A_184 : memref<1x8x128xf32, #tpu.memory_space<vmem>> -> memref<8x128xf32, #tpu.memory_space<vmem>>
    %dma_wait3A_186 = arith.constant 0 : i32
    %dma_wait3A_187 = arith.constant 0 : i32
    %dma_wait3A_188 = tpu.memref_slice %arg4[%dma_wait3A_179, %dma_wait3A_180, %dma_wait3A_181, %dma_wait3A_186, %dma_wait3A_187] : memref<50x8x128x8x128xf32, #tpu.memory_space<hbm>> -> memref<1x1x1x8x128xf32, #tpu.memory_space<hbm>>
    %dma_wait3A_189 = tpu.memref_squeeze %dma_wait3A_188 : memref<1x1x1x8x128xf32, #tpu.memory_space<hbm>> -> memref<8x128xf32, #tpu.memory_space<hbm>>
    %dma_wait3A_190 = arith.constant 0 : i32
    %dma_wait3A_191 = arith.constant 0 : i32
    %dma_wait3A_192 = tpu.memref_slice %arg4[%dma_wait3A_179, %dma_wait3A_180, %dma_wait3A_181, %dma_wait3A_190, %dma_wait3A_191] : memref<50x8x128x8x128xf32, #tpu.memory_space<hbm>> -> memref<1x1x1x8x128xf32, #tpu.memory_space<hbm>>
    %dma_wait3A_193 = tpu.memref_squeeze %dma_wait3A_192 : memref<1x1x1x8x128xf32, #tpu.memory_space<hbm>> -> memref<8x128xf32, #tpu.memory_space<hbm>>
    %dma_wait3A_194 = arith.constant 0 : i32
    %dma_wait3A_195 = arith.constant 0 : i32
    %dma_wait3A_196 = tpu.memref_slice %arg7[%dma_wait3A_178, %dma_wait3A_194, %dma_wait3A_195] : memref<2x64x129xf32, #tpu.memory_space<vmem>> -> memref<1x8x128xf32, #tpu.memory_space<vmem>>
    %dma_wait3A_197 = tpu.memref_squeeze %dma_wait3A_196 : memref<1x8x128xf32, #tpu.memory_space<vmem>> -> memref<8x128xf32, #tpu.memory_space<vmem>>
    tpu.wait_dma2 semaphore(%arg12 : memref<!tpu.dma_semaphore, #tpu.memory_space<semaphore_mem>>) src(%dma_wait3A_197 : memref<8x128xf32, #tpu.memory_space<vmem>>) dst(%dma_wait3A_193 : memref<8x128xf32, #tpu.memory_space<hbm>>)
    %dma_wait3A_198 = arith.constant 0 : i32
    %dma_wait3A_199 = arith.constant 0 : i32
    %dma_wait3A_200 = arith.constant 0 : i32
    %dma_wait3A_201 = arith.constant 0 : i32
    %dma_wait3A_202 = arith.constant 0 : i32
    %dma_wait3A_203 = arith.constant 0 : i32
    %dma_wait3A_204 = tpu.memref_slice %arg7[%dma_wait3A_198, %dma_wait3A_202, %dma_wait3A_203] : memref<2x64x129xf32, #tpu.memory_space<vmem>> -> memref<1x8x128xf32, #tpu.memory_space<vmem>>
    %dma_wait3A_205 = tpu.memref_squeeze %dma_wait3A_204 : memref<1x8x128xf32, #tpu.memory_space<vmem>> -> memref<8x128xf32, #tpu.memory_space<vmem>>
    %dma_wait3A_206 = arith.constant 0 : i32
    %dma_wait3A_207 = arith.constant 0 : i32
    %dma_wait3A_208 = tpu.memref_slice %arg4[%dma_wait3A_199, %dma_wait3A_200, %dma_wait3A_201, %dma_wait3A_206, %dma_wait3A_207] : memref<50x8x128x8x128xf32, #tpu.memory_space<hbm>> -> memref<1x1x1x8x128xf32, #tpu.memory_space<hbm>>
    %dma_wait3A_209 = tpu.memref_squeeze %dma_wait3A_208 : memref<1x1x1x8x128xf32, #tpu.memory_space<hbm>> -> memref<8x128xf32, #tpu.memory_space<hbm>>
    %dma_wait3A_210 = arith.constant 0 : i32
    %dma_wait3A_211 = arith.constant 0 : i32
    %dma_wait3A_212 = tpu.memref_slice %arg4[%dma_wait3A_199, %dma_wait3A_200, %dma_wait3A_201, %dma_wait3A_210, %dma_wait3A_211] : memref<50x8x128x8x128xf32, #tpu.memory_space<hbm>> -> memref<1x1x1x8x128xf32, #tpu.memory_space<hbm>>
    %dma_wait3A_213 = tpu.memref_squeeze %dma_wait3A_212 : memref<1x1x1x8x128xf32, #tpu.memory_space<hbm>> -> memref<8x128xf32, #tpu.memory_space<hbm>>
    %dma_wait3A_214 = arith.constant 0 : i32
    %dma_wait3A_215 = arith.constant 0 : i32
    %dma_wait3A_216 = tpu.memref_slice %arg7[%dma_wait3A_198, %dma_wait3A_214, %dma_wait3A_215] : memref<2x64x129xf32, #tpu.memory_space<vmem>> -> memref<1x8x128xf32, #tpu.memory_space<vmem>>
    %dma_wait3A_217 = tpu.memref_squeeze %dma_wait3A_216 : memref<1x8x128xf32, #tpu.memory_space<vmem>> -> memref<8x128xf32, #tpu.memory_space<vmem>>
    tpu.wait_dma2 semaphore(%arg12 : memref<!tpu.dma_semaphore, #tpu.memory_space<semaphore_mem>>) src(%dma_wait3A_217 : memref<8x128xf32, #tpu.memory_space<vmem>>) dst(%dma_wait3A_213 : memref<8x128xf32, #tpu.memory_space<hbm>>)
    %dma_wait3A_218 = arith.constant 0 : i32
    %dma_wait3A_219 = arith.constant 0 : i32
    %dma_wait3A_220 = arith.constant 0 : i32
    %dma_wait3A_221 = arith.constant 0 : i32
    %dma_wait3A_222 = arith.constant 0 : i32
    %dma_wait3A_223 = arith.constant 0 : i32
    %dma_wait3A_224 = tpu.memref_slice %arg7[%dma_wait3A_218, %dma_wait3A_222, %dma_wait3A_223] : memref<2x64x129xf32, #tpu.memory_space<vmem>> -> memref<1x8x128xf32, #tpu.memory_space<vmem>>
    %dma_wait3A_225 = tpu.memref_squeeze %dma_wait3A_224 : memref<1x8x128xf32, #tpu.memory_space<vmem>> -> memref<8x128xf32, #tpu.memory_space<vmem>>
    %dma_wait3A_226 = arith.constant 0 : i32
    %dma_wait3A_227 = arith.constant 0 : i32
    %dma_wait3A_228 = tpu.memref_slice %arg4[%dma_wait3A_219, %dma_wait3A_220, %dma_wait3A_221, %dma_wait3A_226, %dma_wait3A_227] : memref<50x8x128x8x128xf32, #tpu.memory_space<hbm>> -> memref<1x1x1x8x128xf32, #tpu.memory_space<hbm>>
    %dma_wait3A_229 = tpu.memref_squeeze %dma_wait3A_228 : memref<1x1x1x8x128xf32, #tpu.memory_space<hbm>> -> memref<8x128xf32, #tpu.memory_space<hbm>>
    %dma_wait3A_230 = arith.constant 0 : i32
    %dma_wait3A_231 = arith.constant 0 : i32
    %dma_wait3A_232 = tpu.memref_slice %arg4[%dma_wait3A_219, %dma_wait3A_220, %dma_wait3A_221, %dma_wait3A_230, %dma_wait3A_231] : memref<50x8x128x8x128xf32, #tpu.memory_space<hbm>> -> memref<1x1x1x8x128xf32, #tpu.memory_space<hbm>>
    %dma_wait3A_233 = tpu.memref_squeeze %dma_wait3A_232 : memref<1x1x1x8x128xf32, #tpu.memory_space<hbm>> -> memref<8x128xf32, #tpu.memory_space<hbm>>
    %dma_wait3A_234 = arith.constant 0 : i32
    %dma_wait3A_235 = arith.constant 0 : i32
    %dma_wait3A_236 = tpu.memref_slice %arg7[%dma_wait3A_218, %dma_wait3A_234, %dma_wait3A_235] : memref<2x64x129xf32, #tpu.memory_space<vmem>> -> memref<1x8x128xf32, #tpu.memory_space<vmem>>
    %dma_wait3A_237 = tpu.memref_squeeze %dma_wait3A_236 : memref<1x8x128xf32, #tpu.memory_space<vmem>> -> memref<8x128xf32, #tpu.memory_space<vmem>>
    tpu.wait_dma2 semaphore(%arg12 : memref<!tpu.dma_semaphore, #tpu.memory_space<semaphore_mem>>) src(%dma_wait3A_237 : memref<8x128xf32, #tpu.memory_space<vmem>>) dst(%dma_wait3A_233 : memref<8x128xf32, #tpu.memory_space<hbm>>)
    %dma_wait3A_238 = arith.constant 0 : i32
    %dma_wait3A_239 = arith.constant 0 : i32
    %dma_wait3A_240 = arith.constant 0 : i32
    %dma_wait3A_241 = arith.constant 0 : i32
    %dma_wait3A_242 = arith.constant 0 : i32
    %dma_wait3A_243 = arith.constant 0 : i32
    %dma_wait3A_244 = tpu.memref_slice %arg7[%dma_wait3A_238, %dma_wait3A_242, %dma_wait3A_243] : memref<2x64x129xf32, #tpu.memory_space<vmem>> -> memref<1x8x128xf32, #tpu.memory_space<vmem>>
    %dma_wait3A_245 = tpu.memref_squeeze %dma_wait3A_244 : memref<1x8x128xf32, #tpu.memory_space<vmem>> -> memref<8x128xf32, #tpu.memory_space<vmem>>
    %dma_wait3A_246 = arith.constant 0 : i32
    %dma_wait3A_247 = arith.constant 0 : i32
    %dma_wait3A_248 = tpu.memref_slice %arg4[%dma_wait3A_239, %dma_wait3A_240, %dma_wait3A_241, %dma_wait3A_246, %dma_wait3A_247] : memref<50x8x128x8x128xf32, #tpu.memory_space<hbm>> -> memref<1x1x1x8x128xf32, #tpu.memory_space<hbm>>
    %dma_wait3A_249 = tpu.memref_squeeze %dma_wait3A_248 : memref<1x1x1x8x128xf32, #tpu.memory_space<hbm>> -> memref<8x128xf32, #tpu.memory_space<hbm>>
    %dma_wait3A_250 = arith.constant 0 : i32
    %dma_wait3A_251 = arith.constant 0 : i32
    %dma_wait3A_252 = tpu.memref_slice %arg4[%dma_wait3A_239, %dma_wait3A_240, %dma_wait3A_241, %dma_wait3A_250, %dma_wait3A_251] : memref<50x8x128x8x128xf32, #tpu.memory_space<hbm>> -> memref<1x1x1x8x128xf32, #tpu.memory_space<hbm>>
    %dma_wait3A_253 = tpu.memref_squeeze %dma_wait3A_252 : memref<1x1x1x8x128xf32, #tpu.memory_space<hbm>> -> memref<8x128xf32, #tpu.memory_space<hbm>>
    %dma_wait3A_254 = arith.constant 0 : i32
    %dma_wait3A_255 = arith.constant 0 : i32
    %dma_wait3A_256 = tpu.memref_slice %arg7[%dma_wait3A_238, %dma_wait3A_254, %dma_wait3A_255] : memref<2x64x129xf32, #tpu.memory_space<vmem>> -> memref<1x8x128xf32, #tpu.memory_space<vmem>>
    %dma_wait3A_257 = tpu.memref_squeeze %dma_wait3A_256 : memref<1x8x128xf32, #tpu.memory_space<vmem>> -> memref<8x128xf32, #tpu.memory_space<vmem>>
    tpu.wait_dma2 semaphore(%arg12 : memref<!tpu.dma_semaphore, #tpu.memory_space<semaphore_mem>>) src(%dma_wait3A_257 : memref<8x128xf32, #tpu.memory_space<vmem>>) dst(%dma_wait3A_253 : memref<8x128xf32, #tpu.memory_space<hbm>>)
    %dma_wait3A_258 = arith.constant 0 : i32
    %dma_wait3A_259 = arith.constant 0 : i32
    %dma_wait3A_260 = arith.constant 0 : i32
    %dma_wait3A_261 = arith.constant 0 : i32
    %dma_wait3A_262 = arith.constant 0 : i32
    %dma_wait3A_263 = arith.constant 0 : i32
    %dma_wait3A_264 = tpu.memref_slice %arg7[%dma_wait3A_258, %dma_wait3A_262, %dma_wait3A_263] : memref<2x64x129xf32, #tpu.memory_space<vmem>> -> memref<1x8x128xf32, #tpu.memory_space<vmem>>
    %dma_wait3A_265 = tpu.memref_squeeze %dma_wait3A_264 : memref<1x8x128xf32, #tpu.memory_space<vmem>> -> memref<8x128xf32, #tpu.memory_space<vmem>>
    %dma_wait3A_266 = arith.constant 0 : i32
    %dma_wait3A_267 = arith.constant 0 : i32
    %dma_wait3A_268 = tpu.memref_slice %arg4[%dma_wait3A_259, %dma_wait3A_260, %dma_wait3A_261, %dma_wait3A_266, %dma_wait3A_267] : memref<50x8x128x8x128xf32, #tpu.memory_space<hbm>> -> memref<1x1x1x8x128xf32, #tpu.memory_space<hbm>>
    %dma_wait3A_269 = tpu.memref_squeeze %dma_wait3A_268 : memref<1x1x1x8x128xf32, #tpu.memory_space<hbm>> -> memref<8x128xf32, #tpu.memory_space<hbm>>
    %dma_wait3A_270 = arith.constant 0 : i32
    %dma_wait3A_271 = arith.constant 0 : i32
    %dma_wait3A_272 = tpu.memref_slice %arg4[%dma_wait3A_259, %dma_wait3A_260, %dma_wait3A_261, %dma_wait3A_270, %dma_wait3A_271] : memref<50x8x128x8x128xf32, #tpu.memory_space<hbm>> -> memref<1x1x1x8x128xf32, #tpu.memory_space<hbm>>
    %dma_wait3A_273 = tpu.memref_squeeze %dma_wait3A_272 : memref<1x1x1x8x128xf32, #tpu.memory_space<hbm>> -> memref<8x128xf32, #tpu.memory_space<hbm>>
    %dma_wait3A_274 = arith.constant 0 : i32
    %dma_wait3A_275 = arith.constant 0 : i32
    %dma_wait3A_276 = tpu.memref_slice %arg7[%dma_wait3A_258, %dma_wait3A_274, %dma_wait3A_275] : memref<2x64x129xf32, #tpu.memory_space<vmem>> -> memref<1x8x128xf32, #tpu.memory_space<vmem>>
    %dma_wait3A_277 = tpu.memref_squeeze %dma_wait3A_276 : memref<1x8x128xf32, #tpu.memory_space<vmem>> -> memref<8x128xf32, #tpu.memory_space<vmem>>
    tpu.wait_dma2 semaphore(%arg12 : memref<!tpu.dma_semaphore, #tpu.memory_space<semaphore_mem>>) src(%dma_wait3A_277 : memref<8x128xf32, #tpu.memory_space<vmem>>) dst(%dma_wait3A_273 : memref<8x128xf32, #tpu.memory_space<hbm>>)
    %dma_wait3A_278 = arith.constant 1 : i32
    %dma_wait3A_279 = arith.constant 0 : i32
    %dma_wait3A_280 = arith.constant 0 : i32
    %dma_wait3A_281 = arith.constant 0 : i32
    %dma_wait3A_282 = arith.constant 0 : i32
    %dma_wait3A_283 = arith.constant 0 : i32
    %dma_wait3A_284 = tpu.memref_slice %arg7[%dma_wait3A_278, %dma_wait3A_282, %dma_wait3A_283] : memref<2x64x129xf32, #tpu.memory_space<vmem>> -> memref<1x8x128xf32, #tpu.memory_space<vmem>>
    %dma_wait3A_285 = tpu.memref_squeeze %dma_wait3A_284 : memref<1x8x128xf32, #tpu.memory_space<vmem>> -> memref<8x128xf32, #tpu.memory_space<vmem>>
    %dma_wait3A_286 = arith.constant 0 : i32
    %dma_wait3A_287 = arith.constant 0 : i32
    %dma_wait3A_288 = tpu.memref_slice %arg4[%dma_wait3A_279, %dma_wait3A_280, %dma_wait3A_281, %dma_wait3A_286, %dma_wait3A_287] : memref<50x8x128x8x128xf32, #tpu.memory_space<hbm>> -> memref<1x1x1x8x128xf32, #tpu.memory_space<hbm>>
    %dma_wait3A_289 = tpu.memref_squeeze %dma_wait3A_288 : memref<1x1x1x8x128xf32, #tpu.memory_space<hbm>> -> memref<8x128xf32, #tpu.memory_space<hbm>>
    %dma_wait3A_290 = arith.constant 0 : i32
    %dma_wait3A_291 = arith.constant 0 : i32
    %dma_wait3A_292 = tpu.memref_slice %arg4[%dma_wait3A_279, %dma_wait3A_280, %dma_wait3A_281, %dma_wait3A_290, %dma_wait3A_291] : memref<50x8x128x8x128xf32, #tpu.memory_space<hbm>> -> memref<1x1x1x8x128xf32, #tpu.memory_space<hbm>>
    %dma_wait3A_293 = tpu.memref_squeeze %dma_wait3A_292 : memref<1x1x1x8x128xf32, #tpu.memory_space<hbm>> -> memref<8x128xf32, #tpu.memory_space<hbm>>
    %dma_wait3A_294 = arith.constant 0 : i32
    %dma_wait3A_295 = arith.constant 0 : i32
    %dma_wait3A_296 = tpu.memref_slice %arg7[%dma_wait3A_278, %dma_wait3A_294, %dma_wait3A_295] : memref<2x64x129xf32, #tpu.memory_space<vmem>> -> memref<1x8x128xf32, #tpu.memory_space<vmem>>
    %dma_wait3A_297 = tpu.memref_squeeze %dma_wait3A_296 : memref<1x8x128xf32, #tpu.memory_space<vmem>> -> memref<8x128xf32, #tpu.memory_space<vmem>>
    tpu.wait_dma2 semaphore(%arg13 : memref<!tpu.dma_semaphore, #tpu.memory_space<semaphore_mem>>) src(%dma_wait3A_297 : memref<8x128xf32, #tpu.memory_space<vmem>>) dst(%dma_wait3A_293 : memref<8x128xf32, #tpu.memory_space<hbm>>)
    %dma_wait3A_298 = arith.constant 1 : i32
    %dma_wait3A_299 = arith.constant 0 : i32
    %dma_wait3A_300 = arith.constant 0 : i32
    %dma_wait3A_301 = arith.constant 0 : i32
    %dma_wait3A_302 = arith.constant 0 : i32
    %dma_wait3A_303 = arith.constant 0 : i32
    %dma_wait3A_304 = tpu.memref_slice %arg7[%dma_wait3A_298, %dma_wait3A_302, %dma_wait3A_303] : memref<2x64x129xf32, #tpu.memory_space<vmem>> -> memref<1x8x128xf32, #tpu.memory_space<vmem>>
    %dma_wait3A_305 = tpu.memref_squeeze %dma_wait3A_304 : memref<1x8x128xf32, #tpu.memory_space<vmem>> -> memref<8x128xf32, #tpu.memory_space<vmem>>
    %dma_wait3A_306 = arith.constant 0 : i32
    %dma_wait3A_307 = arith.constant 0 : i32
    %dma_wait3A_308 = tpu.memref_slice %arg4[%dma_wait3A_299, %dma_wait3A_300, %dma_wait3A_301, %dma_wait3A_306, %dma_wait3A_307] : memref<50x8x128x8x128xf32, #tpu.memory_space<hbm>> -> memref<1x1x1x8x128xf32, #tpu.memory_space<hbm>>
    %dma_wait3A_309 = tpu.memref_squeeze %dma_wait3A_308 : memref<1x1x1x8x128xf32, #tpu.memory_space<hbm>> -> memref<8x128xf32, #tpu.memory_space<hbm>>
    %dma_wait3A_310 = arith.constant 0 : i32
    %dma_wait3A_311 = arith.constant 0 : i32
    %dma_wait3A_312 = tpu.memref_slice %arg4[%dma_wait3A_299, %dma_wait3A_300, %dma_wait3A_301, %dma_wait3A_310, %dma_wait3A_311] : memref<50x8x128x8x128xf32, #tpu.memory_space<hbm>> -> memref<1x1x1x8x128xf32, #tpu.memory_space<hbm>>
    %dma_wait3A_313 = tpu.memref_squeeze %dma_wait3A_312 : memref<1x1x1x8x128xf32, #tpu.memory_space<hbm>> -> memref<8x128xf32, #tpu.memory_space<hbm>>
    %dma_wait3A_314 = arith.constant 0 : i32
    %dma_wait3A_315 = arith.constant 0 : i32
    %dma_wait3A_316 = tpu.memref_slice %arg7[%dma_wait3A_298, %dma_wait3A_314, %dma_wait3A_315] : memref<2x64x129xf32, #tpu.memory_space<vmem>> -> memref<1x8x128xf32, #tpu.memory_space<vmem>>
    %dma_wait3A_317 = tpu.memref_squeeze %dma_wait3A_316 : memref<1x8x128xf32, #tpu.memory_space<vmem>> -> memref<8x128xf32, #tpu.memory_space<vmem>>
    tpu.wait_dma2 semaphore(%arg13 : memref<!tpu.dma_semaphore, #tpu.memory_space<semaphore_mem>>) src(%dma_wait3A_317 : memref<8x128xf32, #tpu.memory_space<vmem>>) dst(%dma_wait3A_313 : memref<8x128xf32, #tpu.memory_space<hbm>>)
    %dma_wait3A_318 = arith.constant 1 : i32
    %dma_wait3A_319 = arith.constant 0 : i32
    %dma_wait3A_320 = arith.constant 0 : i32
    %dma_wait3A_321 = arith.constant 0 : i32
    %dma_wait3A_322 = arith.constant 0 : i32
    %dma_wait3A_323 = arith.constant 0 : i32
    %dma_wait3A_324 = tpu.memref_slice %arg7[%dma_wait3A_318, %dma_wait3A_322, %dma_wait3A_323] : memref<2x64x129xf32, #tpu.memory_space<vmem>> -> memref<1x8x128xf32, #tpu.memory_space<vmem>>
    %dma_wait3A_325 = tpu.memref_squeeze %dma_wait3A_324 : memref<1x8x128xf32, #tpu.memory_space<vmem>> -> memref<8x128xf32, #tpu.memory_space<vmem>>
    %dma_wait3A_326 = arith.constant 0 : i32
    %dma_wait3A_327 = arith.constant 0 : i32
    %dma_wait3A_328 = tpu.memref_slice %arg4[%dma_wait3A_319, %dma_wait3A_320, %dma_wait3A_321, %dma_wait3A_326, %dma_wait3A_327] : memref<50x8x128x8x128xf32, #tpu.memory_space<hbm>> -> memref<1x1x1x8x128xf32, #tpu.memory_space<hbm>>
    %dma_wait3A_329 = tpu.memref_squeeze %dma_wait3A_328 : memref<1x1x1x8x128xf32, #tpu.memory_space<hbm>> -> memref<8x128xf32, #tpu.memory_space<hbm>>
    %dma_wait3A_330 = arith.constant 0 : i32
    %dma_wait3A_331 = arith.constant 0 : i32
    %dma_wait3A_332 = tpu.memref_slice %arg4[%dma_wait3A_319, %dma_wait3A_320, %dma_wait3A_321, %dma_wait3A_330, %dma_wait3A_331] : memref<50x8x128x8x128xf32, #tpu.memory_space<hbm>> -> memref<1x1x1x8x128xf32, #tpu.memory_space<hbm>>
    %dma_wait3A_333 = tpu.memref_squeeze %dma_wait3A_332 : memref<1x1x1x8x128xf32, #tpu.memory_space<hbm>> -> memref<8x128xf32, #tpu.memory_space<hbm>>
    %dma_wait3A_334 = arith.constant 0 : i32
    %dma_wait3A_335 = arith.constant 0 : i32
    %dma_wait3A_336 = tpu.memref_slice %arg7[%dma_wait3A_318, %dma_wait3A_334, %dma_wait3A_335] : memref<2x64x129xf32, #tpu.memory_space<vmem>> -> memref<1x8x128xf32, #tpu.memory_space<vmem>>
    %dma_wait3A_337 = tpu.memref_squeeze %dma_wait3A_336 : memref<1x8x128xf32, #tpu.memory_space<vmem>> -> memref<8x128xf32, #tpu.memory_space<vmem>>
    tpu.wait_dma2 semaphore(%arg13 : memref<!tpu.dma_semaphore, #tpu.memory_space<semaphore_mem>>) src(%dma_wait3A_337 : memref<8x128xf32, #tpu.memory_space<vmem>>) dst(%dma_wait3A_333 : memref<8x128xf32, #tpu.memory_space<hbm>>)
    %dma_wait3A_338 = arith.constant 1 : i32
    %dma_wait3A_339 = arith.constant 0 : i32
    %dma_wait3A_340 = arith.constant 0 : i32
    %dma_wait3A_341 = arith.constant 0 : i32
    %dma_wait3A_342 = arith.constant 0 : i32
    %dma_wait3A_343 = arith.constant 0 : i32
    %dma_wait3A_344 = tpu.memref_slice %arg7[%dma_wait3A_338, %dma_wait3A_342, %dma_wait3A_343] : memref<2x64x129xf32, #tpu.memory_space<vmem>> -> memref<1x8x128xf32, #tpu.memory_space<vmem>>
    %dma_wait3A_345 = tpu.memref_squeeze %dma_wait3A_344 : memref<1x8x128xf32, #tpu.memory_space<vmem>> -> memref<8x128xf32, #tpu.memory_space<vmem>>
    %dma_wait3A_346 = arith.constant 0 : i32
    %dma_wait3A_347 = arith.constant 0 : i32
    %dma_wait3A_348 = tpu.memref_slice %arg4[%dma_wait3A_339, %dma_wait3A_340, %dma_wait3A_341, %dma_wait3A_346, %dma_wait3A_347] : memref<50x8x128x8x128xf32, #tpu.memory_space<hbm>> -> memref<1x1x1x8x128xf32, #tpu.memory_space<hbm>>
    %dma_wait3A_349 = tpu.memref_squeeze %dma_wait3A_348 : memref<1x1x1x8x128xf32, #tpu.memory_space<hbm>> -> memref<8x128xf32, #tpu.memory_space<hbm>>
    %dma_wait3A_350 = arith.constant 0 : i32
    %dma_wait3A_351 = arith.constant 0 : i32
    %dma_wait3A_352 = tpu.memref_slice %arg4[%dma_wait3A_339, %dma_wait3A_340, %dma_wait3A_341, %dma_wait3A_350, %dma_wait3A_351] : memref<50x8x128x8x128xf32, #tpu.memory_space<hbm>> -> memref<1x1x1x8x128xf32, #tpu.memory_space<hbm>>
    %dma_wait3A_353 = tpu.memref_squeeze %dma_wait3A_352 : memref<1x1x1x8x128xf32, #tpu.memory_space<hbm>> -> memref<8x128xf32, #tpu.memory_space<hbm>>
    %dma_wait3A_354 = arith.constant 0 : i32
    %dma_wait3A_355 = arith.constant 0 : i32
    %dma_wait3A_356 = tpu.memref_slice %arg7[%dma_wait3A_338, %dma_wait3A_354, %dma_wait3A_355] : memref<2x64x129xf32, #tpu.memory_space<vmem>> -> memref<1x8x128xf32, #tpu.memory_space<vmem>>
    %dma_wait3A_357 = tpu.memref_squeeze %dma_wait3A_356 : memref<1x8x128xf32, #tpu.memory_space<vmem>> -> memref<8x128xf32, #tpu.memory_space<vmem>>
    tpu.wait_dma2 semaphore(%arg13 : memref<!tpu.dma_semaphore, #tpu.memory_space<semaphore_mem>>) src(%dma_wait3A_357 : memref<8x128xf32, #tpu.memory_space<vmem>>) dst(%dma_wait3A_353 : memref<8x128xf32, #tpu.memory_space<hbm>>)
    %dma_wait3A_358 = arith.constant 1 : i32
    %dma_wait3A_359 = arith.constant 0 : i32
    %dma_wait3A_360 = arith.constant 0 : i32
    %dma_wait3A_361 = arith.constant 0 : i32
    %dma_wait3A_362 = arith.constant 0 : i32
    %dma_wait3A_363 = arith.constant 0 : i32
    %dma_wait3A_364 = tpu.memref_slice %arg7[%dma_wait3A_358, %dma_wait3A_362, %dma_wait3A_363] : memref<2x64x129xf32, #tpu.memory_space<vmem>> -> memref<1x8x128xf32, #tpu.memory_space<vmem>>
    %dma_wait3A_365 = tpu.memref_squeeze %dma_wait3A_364 : memref<1x8x128xf32, #tpu.memory_space<vmem>> -> memref<8x128xf32, #tpu.memory_space<vmem>>
    %dma_wait3A_366 = arith.constant 0 : i32
    %dma_wait3A_367 = arith.constant 0 : i32
    %dma_wait3A_368 = tpu.memref_slice %arg4[%dma_wait3A_359, %dma_wait3A_360, %dma_wait3A_361, %dma_wait3A_366, %dma_wait3A_367] : memref<50x8x128x8x128xf32, #tpu.memory_space<hbm>> -> memref<1x1x1x8x128xf32, #tpu.memory_space<hbm>>
    %dma_wait3A_369 = tpu.memref_squeeze %dma_wait3A_368 : memref<1x1x1x8x128xf32, #tpu.memory_space<hbm>> -> memref<8x128xf32, #tpu.memory_space<hbm>>
    %dma_wait3A_370 = arith.constant 0 : i32
    %dma_wait3A_371 = arith.constant 0 : i32
    %dma_wait3A_372 = tpu.memref_slice %arg4[%dma_wait3A_359, %dma_wait3A_360, %dma_wait3A_361, %dma_wait3A_370, %dma_wait3A_371] : memref<50x8x128x8x128xf32, #tpu.memory_space<hbm>> -> memref<1x1x1x8x128xf32, #tpu.memory_space<hbm>>
    %dma_wait3A_373 = tpu.memref_squeeze %dma_wait3A_372 : memref<1x1x1x8x128xf32, #tpu.memory_space<hbm>> -> memref<8x128xf32, #tpu.memory_space<hbm>>
    %dma_wait3A_374 = arith.constant 0 : i32
    %dma_wait3A_375 = arith.constant 0 : i32
    %dma_wait3A_376 = tpu.memref_slice %arg7[%dma_wait3A_358, %dma_wait3A_374, %dma_wait3A_375] : memref<2x64x129xf32, #tpu.memory_space<vmem>> -> memref<1x8x128xf32, #tpu.memory_space<vmem>>
    %dma_wait3A_377 = tpu.memref_squeeze %dma_wait3A_376 : memref<1x8x128xf32, #tpu.memory_space<vmem>> -> memref<8x128xf32, #tpu.memory_space<vmem>>
    tpu.wait_dma2 semaphore(%arg13 : memref<!tpu.dma_semaphore, #tpu.memory_space<semaphore_mem>>) src(%dma_wait3A_377 : memref<8x128xf32, #tpu.memory_space<vmem>>) dst(%dma_wait3A_373 : memref<8x128xf32, #tpu.memory_space<hbm>>)
    %dma_wait3A_378 = arith.constant 1 : i32
    %dma_wait3A_379 = arith.constant 0 : i32
    %dma_wait3A_380 = arith.constant 0 : i32
    %dma_wait3A_381 = arith.constant 0 : i32
    %dma_wait3A_382 = arith.constant 0 : i32
    %dma_wait3A_383 = arith.constant 0 : i32
    %dma_wait3A_384 = tpu.memref_slice %arg7[%dma_wait3A_378, %dma_wait3A_382, %dma_wait3A_383] : memref<2x64x129xf32, #tpu.memory_space<vmem>> -> memref<1x8x128xf32, #tpu.memory_space<vmem>>
    %dma_wait3A_385 = tpu.memref_squeeze %dma_wait3A_384 : memref<1x8x128xf32, #tpu.memory_space<vmem>> -> memref<8x128xf32, #tpu.memory_space<vmem>>
    %dma_wait3A_386 = arith.constant 0 : i32
    %dma_wait3A_387 = arith.constant 0 : i32
    %dma_wait3A_388 = tpu.memref_slice %arg4[%dma_wait3A_379, %dma_wait3A_380, %dma_wait3A_381, %dma_wait3A_386, %dma_wait3A_387] : memref<50x8x128x8x128xf32, #tpu.memory_space<hbm>> -> memref<1x1x1x8x128xf32, #tpu.memory_space<hbm>>
    %dma_wait3A_389 = tpu.memref_squeeze %dma_wait3A_388 : memref<1x1x1x8x128xf32, #tpu.memory_space<hbm>> -> memref<8x128xf32, #tpu.memory_space<hbm>>
    %dma_wait3A_390 = arith.constant 0 : i32
    %dma_wait3A_391 = arith.constant 0 : i32
    %dma_wait3A_392 = tpu.memref_slice %arg4[%dma_wait3A_379, %dma_wait3A_380, %dma_wait3A_381, %dma_wait3A_390, %dma_wait3A_391] : memref<50x8x128x8x128xf32, #tpu.memory_space<hbm>> -> memref<1x1x1x8x128xf32, #tpu.memory_space<hbm>>
    %dma_wait3A_393 = tpu.memref_squeeze %dma_wait3A_392 : memref<1x1x1x8x128xf32, #tpu.memory_space<hbm>> -> memref<8x128xf32, #tpu.memory_space<hbm>>
    %dma_wait3A_394 = arith.constant 0 : i32
    %dma_wait3A_395 = arith.constant 0 : i32
    %dma_wait3A_396 = tpu.memref_slice %arg7[%dma_wait3A_378, %dma_wait3A_394, %dma_wait3A_395] : memref<2x64x129xf32, #tpu.memory_space<vmem>> -> memref<1x8x128xf32, #tpu.memory_space<vmem>>
    %dma_wait3A_397 = tpu.memref_squeeze %dma_wait3A_396 : memref<1x8x128xf32, #tpu.memory_space<vmem>> -> memref<8x128xf32, #tpu.memory_space<vmem>>
    tpu.wait_dma2 semaphore(%arg13 : memref<!tpu.dma_semaphore, #tpu.memory_space<semaphore_mem>>) src(%dma_wait3A_397 : memref<8x128xf32, #tpu.memory_space<vmem>>) dst(%dma_wait3A_393 : memref<8x128xf32, #tpu.memory_space<hbm>>)
    %dma_wait3A_398 = arith.constant 1 : i32
    %dma_wait3A_399 = arith.constant 0 : i32
    %dma_wait3A_400 = arith.constant 0 : i32
    %dma_wait3A_401 = arith.constant 0 : i32
    %dma_wait3A_402 = arith.constant 0 : i32
    %dma_wait3A_403 = arith.constant 0 : i32
    %dma_wait3A_404 = tpu.memref_slice %arg7[%dma_wait3A_398, %dma_wait3A_402, %dma_wait3A_403] : memref<2x64x129xf32, #tpu.memory_space<vmem>> -> memref<1x8x128xf32, #tpu.memory_space<vmem>>
    %dma_wait3A_405 = tpu.memref_squeeze %dma_wait3A_404 : memref<1x8x128xf32, #tpu.memory_space<vmem>> -> memref<8x128xf32, #tpu.memory_space<vmem>>
    %dma_wait3A_406 = arith.constant 0 : i32
    %dma_wait3A_407 = arith.constant 0 : i32
    %dma_wait3A_408 = tpu.memref_slice %arg4[%dma_wait3A_399, %dma_wait3A_400, %dma_wait3A_401, %dma_wait3A_406, %dma_wait3A_407] : memref<50x8x128x8x128xf32, #tpu.memory_space<hbm>> -> memref<1x1x1x8x128xf32, #tpu.memory_space<hbm>>
    %dma_wait3A_409 = tpu.memref_squeeze %dma_wait3A_408 : memref<1x1x1x8x128xf32, #tpu.memory_space<hbm>> -> memref<8x128xf32, #tpu.memory_space<hbm>>
    %dma_wait3A_410 = arith.constant 0 : i32
    %dma_wait3A_411 = arith.constant 0 : i32
    %dma_wait3A_412 = tpu.memref_slice %arg4[%dma_wait3A_399, %dma_wait3A_400, %dma_wait3A_401, %dma_wait3A_410, %dma_wait3A_411] : memref<50x8x128x8x128xf32, #tpu.memory_space<hbm>> -> memref<1x1x1x8x128xf32, #tpu.memory_space<hbm>>
    %dma_wait3A_413 = tpu.memref_squeeze %dma_wait3A_412 : memref<1x1x1x8x128xf32, #tpu.memory_space<hbm>> -> memref<8x128xf32, #tpu.memory_space<hbm>>
    %dma_wait3A_414 = arith.constant 0 : i32
    %dma_wait3A_415 = arith.constant 0 : i32
    %dma_wait3A_416 = tpu.memref_slice %arg7[%dma_wait3A_398, %dma_wait3A_414, %dma_wait3A_415] : memref<2x64x129xf32, #tpu.memory_space<vmem>> -> memref<1x8x128xf32, #tpu.memory_space<vmem>>
    %dma_wait3A_417 = tpu.memref_squeeze %dma_wait3A_416 : memref<1x8x128xf32, #tpu.memory_space<vmem>> -> memref<8x128xf32, #tpu.memory_space<vmem>>
    tpu.wait_dma2 semaphore(%arg13 : memref<!tpu.dma_semaphore, #tpu.memory_space<semaphore_mem>>) src(%dma_wait3A_417 : memref<8x128xf32, #tpu.memory_space<vmem>>) dst(%dma_wait3A_413 : memref<8x128xf32, #tpu.memory_space<hbm>>)
    %dma_wait3A_418 = arith.constant 1 : i32
    %dma_wait3A_419 = arith.constant 0 : i32
    %dma_wait3A_420 = arith.constant 0 : i32
    %dma_wait3A_421 = arith.constant 0 : i32
    %dma_wait3A_422 = arith.constant 0 : i32
    %dma_wait3A_423 = arith.constant 0 : i32
    %dma_wait3A_424 = tpu.memref_slice %arg7[%dma_wait3A_418, %dma_wait3A_422, %dma_wait3A_423] : memref<2x64x129xf32, #tpu.memory_space<vmem>> -> memref<1x8x128xf32, #tpu.memory_space<vmem>>
    %dma_wait3A_425 = tpu.memref_squeeze %dma_wait3A_424 : memref<1x8x128xf32, #tpu.memory_space<vmem>> -> memref<8x128xf32, #tpu.memory_space<vmem>>
    %dma_wait3A_426 = arith.constant 0 : i32
    %dma_wait3A_427 = arith.constant 0 : i32
    %dma_wait3A_428 = tpu.memref_slice %arg4[%dma_wait3A_419, %dma_wait3A_420, %dma_wait3A_421, %dma_wait3A_426, %dma_wait3A_427] : memref<50x8x128x8x128xf32, #tpu.memory_space<hbm>> -> memref<1x1x1x8x128xf32, #tpu.memory_space<hbm>>
    %dma_wait3A_429 = tpu.memref_squeeze %dma_wait3A_428 : memref<1x1x1x8x128xf32, #tpu.memory_space<hbm>> -> memref<8x128xf32, #tpu.memory_space<hbm>>
    %dma_wait3A_430 = arith.constant 0 : i32
    %dma_wait3A_431 = arith.constant 0 : i32
    %dma_wait3A_432 = tpu.memref_slice %arg4[%dma_wait3A_419, %dma_wait3A_420, %dma_wait3A_421, %dma_wait3A_430, %dma_wait3A_431] : memref<50x8x128x8x128xf32, #tpu.memory_space<hbm>> -> memref<1x1x1x8x128xf32, #tpu.memory_space<hbm>>
    %dma_wait3A_433 = tpu.memref_squeeze %dma_wait3A_432 : memref<1x1x1x8x128xf32, #tpu.memory_space<hbm>> -> memref<8x128xf32, #tpu.memory_space<hbm>>
    %dma_wait3A_434 = arith.constant 0 : i32
    %dma_wait3A_435 = arith.constant 0 : i32
    %dma_wait3A_436 = tpu.memref_slice %arg7[%dma_wait3A_418, %dma_wait3A_434, %dma_wait3A_435] : memref<2x64x129xf32, #tpu.memory_space<vmem>> -> memref<1x8x128xf32, #tpu.memory_space<vmem>>
    %dma_wait3A_437 = tpu.memref_squeeze %dma_wait3A_436 : memref<1x8x128xf32, #tpu.memory_space<vmem>> -> memref<8x128xf32, #tpu.memory_space<vmem>>
    tpu.wait_dma2 semaphore(%arg13 : memref<!tpu.dma_semaphore, #tpu.memory_space<semaphore_mem>>) src(%dma_wait3A_437 : memref<8x128xf32, #tpu.memory_space<vmem>>) dst(%dma_wait3A_433 : memref<8x128xf32, #tpu.memory_space<hbm>>)
    return
  }
}

</mosaic_0001>

<sc_bundles>
// kernel: kernel.3.cloned.1.call-start
scs
__scs_entry_jumppad:
0x0: {  	(pc) =	sbr.rel $0x88, $3  }
0x1: {  	(tag) =	ssettag $0x0;
	lr =	simm.s32 $0x1  }
0x2: {  	[smem:$0x3F9F] =	sst lr;
	_ =	strace $0xD0000000  }
0x3: {  	_ = 	snop  }
0x4: {  	_ = 	snop  }
0x5: {  	_ = 	snop  }
0x6: {  	_ = 	snop  }
0x7: {  	_ = 	snop  }
__scs_overlays_trampoline_lowered:
0x8: {  	[smem:$0x3FAE] =	sst s0  }
0x9: {  	[smem:$0x3FAF] =	sst s1  }
0xa: {  	[smem:$0x3FB0] =	sst s2  }
0xb: {  	[smem:$0x3FB1] =	sst s3  }
0xc: {  	[smem:$0x3FB2] =	sst s4  }
0xd: {  	[smem:$0x3FB3] =	sst s5  }
0xe: {  	[smem:$0x3FB4] =	sst s6  }
0xf: {  	[smem:$0x3FB5] =	sst s7  }
0x10: {  	[smem:$0x3FB6] =	sst s8  }
0x11: {  	[smem:$0x3FB7] =	sst s9;
	s0 =	simm.s32 @!p0 $0x0  }
0x12: {  	s1 =	sld [smem:$0x3F9D];
	s0 =	simm.s32 @p0 $0x1  }
0x13: {  	[smem:$0x3FB8] =	sst s0;
	s0 =	simm.s32 @!p1 $0x0  }
0x14: {  	s2 =	sld [smem:$0x3F9C];
	s0 =	simm.s32 @p1 $0x1  }
0x15: {  	[smem:$0x3FB9] =	sst s0;
	s0 =	simm.s32 @!p2 $0x0  }
0x16: {  	s3 =	sld [smem:$0x3FDB];
	s0 =	simm.s32 @p2 $0x1  }
0x17: {  	s4 =	simm.s32 $0x1BF5;
	[smem:$0x3FBB] =	sst s0  }
0x18: {  	s0 =	sld [smem:$0x3F9E];
	_ =	swait.ge [sflag:s4], $0x0  }
0x19: {  	s7 =	sld [smem:$0x3F9F]  }
0x1a: {  	s8 =	sadd.s32 $0xFFFFE003, lr  }
0x1b: {  	s9 =	sadd.s32 $0xFFFFFEF7, lr;
	s5 =	simm.s32 $0xFFFFFFFF;
	p2 =	slt.u32 s8, $0xFFFFF086  }
0x1c: {  	p1 =	slt.u32 s9, $0xF7A;
	s5 =	simm.s32 @!p2 $0x0  }
0x1d: {  	s5 =	simm.s32 @p1 $0x1;
	p0 =	seq.s32 s7, s2  }
0x1e: {  	s7 =	smul.u32 @!p0 $0xF7A, s2;
	p2 =	seq.s32 @!p0 s5, $0x0  }
0x1f: {  	s9 =	smul.u32 $0xF7A, s1;
	s8 =	simm.s32 @!p0 $0x1BF5;
	p2 =	por !p2, p0  }
0x20: {  	[sflag:s8] =	ssyncset.s32 @!p0 $0xFFFFF086;
	s6 =	sadd.s32 @!p0 s3, s7;
	s7 =	simm.s32 @!p0 $0x108  }
0x21: {  	s3 =	sadd.s32 s3, s9;
	s6 =	sadd.s32 @!p0 $0x88, s6;
	s7 =	simm.s32 @p2 $0x1082  }
0x22: {  	[simem:s7], [sflag:s8] =	dma.local @!p0 [hbm:s6], $0xF7A  }
0x23: {  	s9 =	sor.u32 $0xD0000000, s2;
	s6 =	simm.s32 $0x108;
	_ =	swait.ge @!p0 [sflag:s8], $0x0  }
0x24: {  	s3 =	sadd.s32 $0x88, s3;
	s6 =	simm.s32 @!p1 $0x1082;
	[sflag:s4] =	ssyncset.s32 $0xFFFFF086  }
0x25: {  	[simem:s6], [sflag:s4] =	dma.local [hbm:s3], $0xF7A  }
0x26: {  	[smem:$0x3F9F] =	sst s1;
	(tag) =	ssettag s2;
	_ =	strace s9  }
0x27: {  	s1 =	sld [smem:$0x3FAF]  }
0x28: {  	s2 =	sld [smem:$0x3FB0]  }
0x29: {  	s4 =	sld [smem:$0x3FB2]  }
0x2a: {  	p0 =	seq.s32 s5, $0x0;
	s5 =	sld [smem:$0x3FB3]  }
0x2b: {  	s6 =	sld [smem:$0x3FB4]  }
0x2c: {  	s7 =	sld [smem:$0x3FB5]  }
0x2d: {  	s3 =	simm.s32 $0x108;
	s8 =	sld [smem:$0x3FB6]  }
0x2e: {  	s3 =	simm.s32 @!p0 $0x1082;
	s9 =	sld [smem:$0x3FB7]  }
0x2f: {  	lr =	sadd.s32 s0, s3;
	s0 =	sld [smem:$0x3FAE]  }
0x30: {  	s3 =	sld [smem:$0x3FB1]  }
0x31: {  	[smem:$0x3FBA] =	sst s10  }
0x32: {  	s10 =	sld [smem:$0x3FB8];
	_ =	sdelay $0x3  }
0x33: {  	p0 =	seq.s32 s10, $0x1;
	s10 =	sld [smem:$0x3FBA];
	_ =	sdelay $0x3  }
0x34: {  	[smem:$0x3FBA] =	sst s10  }
0x35: {  	s10 =	sld [smem:$0x3FB9];
	_ =	sdelay $0x3  }
0x36: {  	p1 =	seq.s32 s10, $0x1;
	s10 =	sld [smem:$0x3FBA];
	_ =	sdelay $0x3  }
0x37: {  	[smem:$0x3FBA] =	sst s10  }
0x38: {  	s10 =	sld [smem:$0x3FBB]  }
0x39: {  	_ = 	snop;
	(pc) =	sbr.ind lr, $3  }
0x3a: {  	_ = 	snop  }
0x3b: {  	_ = 	snop  }
0x3c: {  	p2 =	seq.s32 s10, $0x1;
	s10 =	sld [smem:$0x3FBA]  }
0x3d: {  	_ =	shalt  }
0x3e: {  	_ =	shalt  }
0x3f: {  	_ =	shalt  }
0x40: {  	_ =	shalt  }
0x41: {  	_ =	shalt  }
0x42: {  	_ =	shalt  }
0x43: {  	_ =	shalt  }
0x44: {  	_ =	shalt  }
0x45: {  	_ =	shalt  }
0x46: {  	_ =	shalt  }
0x47: {  	_ =	shalt  }
0x48: {  	_ =	shalt  }
0x49: {  	_ =	shalt  }
0x4a: {  	_ =	shalt  }
0x4b: {  	_ =	shalt  }
0x4c: {  	_ =	shalt  }
0x4d: {  	_ =	shalt  }
0x4e: {  	_ =	shalt  }
0x4f: {  	_ =	shalt  }
0x50: {  	_ =	shalt  }
0x51: {  	_ =	shalt  }
0x52: {  	_ =	shalt  }
0x53: {  	_ =	shalt  }
0x54: {  	_ =	shalt  }
0x55: {  	_ =	shalt  }
0x56: {  	_ =	shalt  }
0x57: {  	_ =	shalt  }
0x58: {  	_ =	shalt  }
0x59: {  	_ =	shalt  }
0x5a: {  	_ =	shalt  }
0x5b: {  	_ =	shalt  }
0x5c: {  	_ =	shalt  }
0x5d: {  	_ =	shalt  }
0x5e: {  	_ =	shalt  }
0x5f: {  	_ =	shalt  }
0x60: {  	_ =	shalt  }
0x61: {  	_ =	shalt  }
0x62: {  	_ =	shalt  }
0x63: {  	_ =	shalt  }
0x64: {  	_ =	shalt  }
0x65: {  	_ =	shalt  }
0x66: {  	_ =	shalt  }
0x67: {  	_ =	shalt  }
0x68: {  	_ =	shalt  }
0x69: {  	_ =	shalt  }
0x6a: {  	_ =	shalt  }
0x6b: {  	_ =	shalt  }
0x6c: {  	_ =	shalt  }
0x6d: {  	_ =	shalt  }
0x6e: {  	_ =	shalt  }
0x6f: {  	_ =	shalt  }
0x70: {  	_ =	shalt  }
0x71: {  	_ =	shalt  }
0x72: {  	_ =	shalt  }
0x73: {  	_ =	shalt  }
0x74: {  	_ =	shalt  }
0x75: {  	_ =	shalt  }
0x76: {  	_ =	shalt  }
0x77: {  	_ =	shalt  }
0x78: {  	_ =	shalt  }
0x79: {  	_ =	shalt  }
0x7a: {  	_ =	shalt  }
0x7b: {  	_ =	shalt  }
0x7c: {  	_ =	shalt  }
0x7d: {  	_ =	shalt  }
0x7e: {  	_ =	shalt  }
0x7f: {  	_ =	shalt  }
0x80: {  	_ =	shalt  }
0x81: {  	_ =	shalt  }
0x82: {  	_ =	shalt  }
0x83: {  	_ =	shalt  }
0x84: {  	_ =	shalt  }
0x85: {  	_ =	shalt  }
0x86: {  	_ =	shalt  }
0x87: {  	_ =	shalt  }
.Lfunc_end0:
.L_simem_size_0:
called_computation_lowered:
.L_overlay_start_0:
0x88: {  	s2 =	sld [smem:$0x3FD9]  }
0x89: {  	s3 =	sld [smem:$0x3FFE];
	_ =	sdelay $0x1  }
0x8a: {  	s1 =	srdreg.scid  }
0x8b: {  	s0 =	sand.u32 $0x1, s1  }
0x8c: {  	s17 =	sshll.u32 s0, $0xA;
	s2 =	sadd.s32 s3, s2  }
0x8d: {  	s2 =	sadd.s32 s2, s17  }
0x8e: {  	[smem:$0x3FC6] =	sst s2  }
0x8f: {  	_ = 	snop  }
0x90: {  	s2 =	sld [smem:$0x3FD0];
	(tm) =	ssettm $0x1  }
0x91: {  	s18 =	sld [smem:$0x3FFB];
	_ =	sdelay $0x3  }
0x92: {  	_ =	strace s18  }
0x93: {  	s3 =	sld [smem:$0x3FFC];
	_ =	sdelay $0x3  }
0x94: {  	_ =	strace s3  }
0x95: {  	s3 =	sld [smem:$0x3FFD];
	_ =	sdelay $0x3  }
0x96: {  	_ =	strace s3  }
0x97: {  	_ =	strace $0x8FFFFFFF  }
0x98: {  	s19 =	sld [smem:$0x3FDB];
	_ =	sdelay $0x1  }
0x99: {  	s4 =	simm.s32 $_scs_section_size  }
0x9a: {  	s5 =	simm.s32 $_size__tile_overlayer_lowered;
	s6 =	simm.s32 $_tile_overlayer_lowered  }
0x9b: {  	s22 =	simm.s32 $0x1BFF;
	s21 =	sshll.u32 s6, $0x1;
	s3 =	sadd.s32 s4, s19  }
0x9c: {  	s7 =	simm.s32 $0x0;
	s20 =	sshll.u32 s5, $0x1;
	s5 =	sadd.s32 s21, s3  }
0x9d: {  	[timem:s7], [sflag:s22] =	dma.local [hbm:s5], s20  }
0x9e: {  	_ =	swait.ge [sflag:s22], s20  }
0x9f: {  	s4 =	ssub.s32 $0x0, s20;
	[sflag:s22] =	ssyncset.done $0x0  }
0xa0: {  	[sflag:s22] =	ssyncadd.s32 s4;
	_ =	sdelay $0x1  }
0xa1: {  	s23 =	simm.s32 $0x1B8B  }
0xa2: {  	_ =	swait.ge [sflag:s23], $0x1  }
0xa3: {  	[sflag:s23] =	ssyncset.done $0x0  }
0xa4: {  	s25 =	simm.s32 $0x1B8E;
	s24 =	sld [smem:$0x3FFE];
	[sflag:s23] =	ssyncadd.s32 $0xFFFFFFFF  }
0xa5: {  	s26 =	simm.s32 $execute0_lowered;
	[smem:$0x3FD2] =	sst s25  }
0xa6: {  	s5 =	sshll.u32 s26, $0x1;
	_ =	strace $0x80000046;
	[dreg:$0x1] =	wrdreg $0xFFFFFFFF  }
0xa7: {  	s28 =	simm.s32 $_size_execute0_lowered;
	s3 =	sadd.s32 s3, s5;
	[dreg:$0x0] =	wrdreg $0x0  }
0xa8: {  	s5 =	sshll.u32 s28, $0x1;
	[dreg:$0x2] =	wrdreg s3  }
0xa9: {  	[dreg:$0x3] =	wrdreg s5  }
0xaa: {  	[dreg:$0x4] =	wrdreg $0xC0  }
0xab: {  	_ =	task [dreg:s7], $0x5FFFF  }
0xac: {  	[dreg:$0x1] =	wrdreg $0xFFFFFFFF  }
0xad: {  	[dreg:$0x0] =	wrdreg $0x60  }
0xae: {  	[dreg:$0x2] =	wrdreg s24  }
0xaf: {  	[dreg:$0x3] =	wrdreg s2  }
0xb0: {  	[dreg:$0x4] =	wrdreg $0x9  }
0xb1: {  	_ =	task.clear_ibuf [dreg:s7], $0x5FFFF;
	_ =	strace $0x90000046  }
0xb2: {  	s29 =	simm.s32 $0x9;
	_ =	strace $0x80000048  }
0xb3: {  	_ =	swait.ge [sflag:s29], $0x1  }
0xb4: {  	[sflag:s29] =	ssyncadd.s32 $0xFFFFFFFF  }
0xb5: {  	_ =	strace $0x90000048  }
0xb6: {  	_ =	sfence  }
0xb7: {  	s30 =	sld [smem:$0x0];
	_ =	sdelay $0x2  }
0xb8: {  	s31 =	sshll.u32 s1, $0xD;
	s1 =	sshrl.u32 s1, $0x2  }
0xb9: {  	s3 =	sand.u32 $0x4000, s31;
	s1 =	sadd.s32 s1, s30  }
0xba: {  	s0 =	sor.u32 s3, s0;
	s1 =	sshll.u32 s1, $0x11  }
0xbb: {  	s0 =	sor.u32 s1, s0  }
0xbc: {  	s0 =	sadd.s32 $0x8F2B, s0  }
0xbd: {  	[sflag:s0] =	ssyncadd.remote.s32 $0x1  }
0xbe: {  	_ =	sfence.sel $0xFFFF  }
0xbf: {  	[dreg:$0x0] =	wrdreg $0xFFFFFFFF;
	(pc) =	sbr.abs _section_cstart, $3  }
0xc0: {  	[dreg:$0x1] =	wrdreg $0xFFFFFFFF  }
0xc1: {  	_ =	task.clear_ibuf [dreg:s7], $0x2FFFF;
	_ =	strace $0x9FFFFFFF  }
0xc2: {  	(tm) =	ssettm $0x7FFFFFFF  }
0xc3: {  	_ =	shalt  }
tec
execute0_lowered:
.L_overlay_start_1:
0x0: {  	(tag) =	ssettag $0x1  }
0x1: {  	s0 =	srdreg.scid;
	s6 =	rddreg [dreg:$0x0]  }
0x2: {  	s1 =	stileid.u32;
	s2 =	rddreg [dreg:$0x1]  }
0x3: {  	s3 =	simm.s32 $0x0;
	s20 =	simm.s32 $0x80;
	s22 =	simm.s32 $0x2;
	v0 =	vlaneseq.u32  }
0x4: {  	s24 =	simm.s32 $0x3;
	s25 =	simm.s32 $0x4100;
	s18 =	simm.s32 $0x6;
	v6 =	vmul.u32 $0x88, v0  }
0x5: {  	v2 =	vimm.s32 $0x0;
	vm0 =	vcmask $0x300;
	s30 =	simm.s32 $0x8478;
	s31 =	simm.s32 $0x5;
	s0 =	sand.u32 $0x1, s0  }
0x6: {  	s1 =	sshll.u32 s1, $0x1;
	[smem:$0x7FF] =	sst s3;
	s10 =	sadd.s32 $0x4000, s2;
	v2 =	vsel vm0, $0x3, v2;
	v1 =	vadd.s32 $0x1100, v6  }
0x7: {  	s11 =	sadd.s32 $0x8000, s2;
	v3 =	vor.u32 $0x10, v0;
	v5 =	vor.u32 $0x20, v0;
	s1 =	sor.u32 s0, s1;
	_ =	strace $0x80000047;
	[tilespmem:$0x1FF50] =	vst v1;
	v1 =	vadd.s32 $0x1980, v6  }
0x8: {  	s17 =	simm.s32 $0x0;
	s12 =	sadd.s32 $0xC000, s2;
	v7 =	vor.u32 $0x30, v0;
	s4 =	smul.u32 $0x6400, s1;
	v8 =	vadd.s32 $0x880, v6;
	[tilespmem:$0x1FF60] =	vst v1;
	v1 =	vadd.s32 $0x1981, v6  }
0x9: {  	s13 =	sadd.s32 $0x10000, s2;
	s14 =	sadd.s32 $0x14000, s2;
	s5 =	smul.u32 $0x2400, s1;
	v11 =	vor.u32 $0x1, v6;
	v12 =	vadd.s32 $0x881, v6;
	[tilespmem:$0x1FF70] =	vst v1;
	v1 =	vadd.s32 $0x1982, v6  }
0xa: {  	s15 =	sadd.s32 $0x18000, s2;
	s16 =	sadd.s32 $0x1C000, s2;
	s0 =	ssub.s32 $0x2, s0;
	v13 =	vadd.s32 $0x1101, v6;
	v15 =	vor.u32 $0x2, v6;
	[tilespmem:$0x1FF80] =	vst v1;
	v1 =	vadd.s32 $0x1983, v6  }
0xb: {  	s8 =	sshrl.u32 s0, $0x1;
	v16 =	vadd.s32 $0x882, v6;
	v17 =	vadd.s32 $0x1102, v6;
	s7 =	sand.u32 $0xFC000, s4;
	s5 =	sand.u32 $0x3C00, s5;
	[tilespmem:$0x1FF90] =	vst v1;
	v1 =	vadd.s32 $0x1984, v6  }
0xc: {  	v19 =	vor.u32 $0x3, v6;
	v20 =	vadd.s32 $0x883, v6;
	s0 =	ssub.s32 s0, s8;
	s4 =	sadd.s32 $0x600, s6;
	s7 =	sor.u32 s5, s7;
	[tilespmem:$0x1FFA0] =	vst v1;
	v1 =	vadd.s32 $0x1105, v6  }
0xd: {  	v21 =	vadd.s32 $0x1103, v6;
	v23 =	vor.u32 $0x4, v6;
	s0 =	smax.u32 s0, $0x1;
	s5 =	smul.u32 $0xC8, s1;
	s28 =	sshrl.u32 s7, $0x3;
	[tilespmem:$0x1FFB0] =	vst v1;
	v1 =	vadd.s32 $0x1985, v6  }
0xe: {  	v24 =	vadd.s32 $0x884, v6;
	v25 =	vadd.s32 $0x1104, v6;
	s8 =	simm.s32 $0x4;
	[dreg:$0x6] =	wrdreg s0;
	s1 =	sadd.s32 s4, s28;
	[tilespmem:$0x1FFC0] =	vst v1;
	v1 =	vadd.s32 $0x1106, v6  }
0xf: {  	v27 =	vor.u32 $0x5, v6;
	v28 =	vadd.s32 $0x885, v6;
	s6 =	sadd.s32 $0xF42A00, s6;
	s29 =	sor.u32 $0x3, s5;
	[dreg:$0x3] =	wrdreg s1;
	[tilespmem:$0x1FFD0] =	vst v1;
	v1 =	vadd.s32 $0x1986, v6  }
0x10: {  	v31 =	vor.u32 $0x6, v6;
	v32 =	vadd.s32 $0x886, v6;
	s7 =	simm.s32 $0x6300;
	s1 =	sadd.s32 $0x10, s1;
	[dreg:$0x5] =	wrdreg s29;
	[tilespmem:$0x1FFE0] =	vst v1;
	v1 =	vadd.s32 $0x1987, v6  }
0x11: {  	v35 =	vor.u32 $0x7, v6;
	v36 =	vadd.s32 $0x887, v6;
	v14 =	vadd.s32 $0x1107, v6;
	s9 =	sor.u32 $0x2, s5;
	[dreg:$0x4] =	wrdreg s1;
	s1 =	simm.s32 $0x1;
	[tilespmem:$0x1FFF0] =	vst v1  }
.LBB2_1:
0x12: {  	[dreg:$0x7] =	wrdreg s17  }
0x13: {  	s0 =	rddreg [dreg:$0x3];
	s26 =	simm.s32 $0x7  }
0x14: {  	[tilespmem:s3], [sflag:$0x7] =	stream.linear.gather [hbm4b:s0+s3], $0x80, $0x38;
	[tilespmem:$0x8500] =	vst v63  }
0x15: {  	_ =	swait.ge [sflag:s26], $0x80  }
0x16: {  	[sflag:s26] =	ssyncset.done $0x0  }
0x17: {  	s28 =	simm.s32 $0x100;
	[sflag:s26] =	ssyncadd.s32 $0xFFFFFF80  }
0x18: {  	[tilespmem:s28], [sflag:$0x3] =	stream.indirect.gather [hbm4b:s6+s20], $0x40, s3, s20, $0xb8;
	[tilespmem:$0x8500] =	vst v63  }
0x19: {  	s0 =	simm.s32 $0x0;
	s29 =	rddreg [dreg:$0x4]  }
0x1a: {  	[tilespmem:s20], [sflag:$0x2] =	stream.linear.gather [hbm4b:s29+s3], $0x80, $0x38;
	[tilespmem:$0x8500] =	vst v63  }
.LBB2_2:
0x1b: {  	_ =	swait.ge [sflag:s22], $0x80;
	p0 =	seq.s32 s0, $0x63  }
0x1c: {  	s17 =	simm.s32 $0x2100;
	[sflag:s22] =	ssyncset.done $0x0;
	p1 =	seq.s32 @!p0 s0, $0x0  }
0x1d: {  	s21 =	sshll.u32 s0, $0x1;
	[sflag:s22] =	ssyncadd.s32 $0xFFFFFF80;
	p1 =	por p0, !p1  }
0x1e: {  	[tilespmem:s17], [sflag:$0x4] =	stream.indirect.gather [hbm4b:s6+s20], $0x40, s20, s20, $0xb8;
	[tilespmem:$0x8500] =	vst v63  }
.Ltmp0:
0x1f: {  	s17 =	sadd.s32 @!p0 s21, s9;
	(pc) =	sbr.rel @!p1 .LBB2_3-.Ltmp0, $4  }
0x20: {  	_ =	swait.ge [sflag:s24], $0x2000;
	s17 =	sshll.u32 @!p0 s17, $0x4  }
0x21: {  	[sflag:s24] =	ssyncset.done $0x0;
	s17 =	sand.u32 @!p0 $0xFFFFFE0, s17  }
0x22: {  	s19 =	simm.s32 @!p0 $0x0;
	[sflag:s24] =	ssyncadd.s32 $0xFFFFE000;
	s17 =	sadd.s32 @!p0 s4, s17  }
0x23: {  	[tilespmem:s19], [sflag:$0x1] =	stream.linear.gather @!p0 [hbm4b:s17+s19], $0x80, $0x38;
	[tilespmem:$0x8500] =	vst v63  }
0x24: {  	_ =	swait.ge [sflag:s31], $0x400  }
0x25: {  	[sflag:s31] =	ssyncset.done $0x0  }
0x26: {  	[sflag:s31] =	ssyncadd.s32 $0xFFFFFC00  }
0x27: {  	_ =	swait.ge [sflag:s31], $0x400  }
0x28: {  	[sflag:s31] =	ssyncset.done $0x0  }
0x29: {  	[sflag:s31] =	ssyncadd.s32 $0xFFFFFC00  }
0x2a: {  	_ =	swait.ge [sflag:s31], $0x400  }
0x2b: {  	[sflag:s31] =	ssyncset.done $0x0  }
0x2c: {  	[sflag:s31] =	ssyncadd.s32 $0xFFFFFC00  }
0x2d: {  	_ =	swait.ge [sflag:s31], $0x400  }
0x2e: {  	[sflag:s31] =	ssyncset.done $0x0  }
0x2f: {  	[sflag:s31] =	ssyncadd.s32 $0xFFFFFC00  }
0x30: {  	_ =	swait.ge [sflag:s31], $0x400  }
0x31: {  	[sflag:s31] =	ssyncset.done $0x0  }
0x32: {  	[sflag:s31] =	ssyncadd.s32 $0xFFFFFC00  }
0x33: {  	_ =	swait.ge [sflag:s31], $0x400  }
0x34: {  	[sflag:s31] =	ssyncset.done $0x0  }
0x35: {  	[sflag:s31] =	ssyncadd.s32 $0xFFFFFC00  }
0x36: {  	_ =	swait.ge [sflag:s31], $0x400  }
.Ltmp1:
0x37: {  	[sflag:s31] =	ssyncset.done $0x0;
	(pc) =	sbr.rel .LBB2_5-.Ltmp1, $4  }
0x38: {  	[sflag:s31] =	ssyncadd.s32 $0xFFFFFC00  }
0x39: {  	_ =	swait.ge [sflag:s31], $0x400  }
0x3a: {  	[sflag:s31] =	ssyncset.done $0x0  }
0x3b: {  	p0 =	por $0x0, $0x0;
	[sflag:s31] =	ssyncadd.s32 $0xFFFFFC00  }
.LBB2_3:
0x3c: {  	p0 =	por @!p0 $0x1, $0x1  }
.LBB2_5:
0x3d: {  	s17 =	simm.s32 $0x0;
	s29 =	simm.s32 $0x1;
	s19 =	simm.s32 $0x2  }
0x3e: {  	s23 =	simm.s32 $0x3;
	s26 =	simm.s32 $0x7;
	v37 =	vmov s17;
	v38 =	vmov s29;
	v39 =	vmov s19  }
0x3f: {  	v40 =	vmov s23;
	s23 =	simm.s32 $0x4;
	v42 =	vmov s26;
	v37 =	vshrl.u32 v37, $0x3  }
0x40: {  	s29 =	simm.s32 $0x5;
	v41 =	vmov s23;
	v38 =	vshrl.u32 v38, $0x3;
	v39 =	vshrl.u32 v39, $0x3  }
0x41: {  	v42 =	vshrl.u32 v42, $0x3;
	v40 =	vshrl.u32 v40, $0x3;
	v43 =	vmov s29  }
0x42: {  	v37 =	vshll.u32 v37, v2;
	v41 =	vshrl.u32 v41, $0x3;
	v42 =	vshll.u32 v42, v2  }
0x43: {  	s17 =	simm.s32 $0x2C0;
	v38 =	vshll.u32 v38, v2;
	v39 =	vshll.u32 v39, v2;
	v42 =	vbroadcast v42, $0x0  }
0x44: {  	v44 =	vld.idx.msk [tilespmem:v0+s17+$0x0], $0xffff;
	s23 =	simm.s32 $0x6;
	v40 =	vshll.u32 v40, v2;
	v33 =	vshrl.u32 v43, $0x3;
	v37 =	vbroadcast v37, $0x0  }
0x45: {  	v45 =	vld.idx.msk [tilespmem:v0+s17+$0xFFFFFE40], $0xffff;
	v59 =	vmov s23;
	v47 =	vbroadcast v38, $0x0;
	v46 =	vadd.s32 v35, v42  }
0x46: {  	v48 =	vld.idx.msk [tilespmem:v0+s17+$0xFFFFFE80], $0xffff;
	v41 =	vshll.u32 v41, v2;
	v56 =	vbroadcast v39, $0x0;
	v34 =	vadd.s32 v6, v37  }
0x47: {  	v50 =	vld.idx.msk [tilespmem:v0+s17+$0xFFFFFEC0], $0xffff;
	v38 =	vshll.u32 v33, v2;
	v39 =	vbroadcast v40, $0x0;
	v49 =	vadd.s32 v11, v47  }
0x48: {  	v52 =	vld.idx.msk [tilespmem:v0+s17+$0xFFFFFF00], $0xffff;
	v40 =	vbroadcast v41, $0x0;
	v41 =	vshrl.u32 v59, $0x3;
	v51 =	vadd.s32 v15, v56  }
0x49: {  	v54 =	vld.idx.msk [tilespmem:v0+s17+$0xFFFFFF40], $0xffff;
	v38 =	vbroadcast v38, $0x0;
	v53 =	vadd.s32 v19, v39;
	v41 =	vshll.u32 v41, v2  }
0x4a: {  	v57 =	vld.idx.msk [tilespmem:v0+s17+$0xFFFFFF80], $0xffff;
	v55 =	vadd.s32 v23, v40;
	v41 =	vbroadcast v41, $0x0;
	[tilespmem:v46+s25+$0x0] =	vst.idx.msk $0xffff, v44  }
0x4b: {  	v60 =	vadd.s32 v27, v38;
	[tilespmem:v34+s25+$0x0] =	vst.idx.msk $0xffff, v45;
	v45 =	vld.idx.msk [tilespmem:v0+s17+$0xFFFFFFC0], $0xffff  }
0x4c: {  	v62 =	vadd.s32 v31, v41;
	[tilespmem:v49+s25+$0x0] =	vst.idx.msk $0xffff, v48;
	v44 =	vld.idx.msk [tilespmem:v3+s17+$0x0], $0xffff  }
0x4d: {  	v61 =	vadd.s32 v36, v42;
	[tilespmem:v51+s25+$0x0] =	vst.idx.msk $0xffff, v50;
	v48 =	vld.idx.msk [tilespmem:v3+s17+$0xFFFFFE80], $0xffff  }
0x4e: {  	[tilespmem:v53+s25+$0x0] =	vst.idx.msk $0xffff, v52;
	v34 =	vadd.s32 v16, v56;
	v51 =	vld.idx.msk [tilespmem:v3+s17+$0xFFFFFEC0], $0xffff  }
0x4f: {  	v33 =	vadd.s32 v12, v47;
	v53 =	vld.idx.msk [tilespmem:v3+s17+$0xFFFFFF00], $0xffff;
	[tilespmem:v55+s25+$0x0] =	vst.idx.msk $0xffff, v54  }
0x50: {  	v63 =	vadd.s32 v20, v39;
	[tilespmem:v60+s25+$0x0] =	vst.idx.msk $0xffff, v57;
	v49 =	vld.idx.msk [tilespmem:v3+s17+$0xFFFFFE40], $0xffff  }
0x51: {  	v60 =	vadd.s32 v24, v40;
	v55 =	vld.idx.msk [tilespmem:v3+s17+$0xFFFFFF40], $0xffff;
	[tilespmem:v62+s25+$0x0] =	vst.idx.msk $0xffff, v45  }
0x52: {  	v57 =	vld.idx.msk [tilespmem:v3+s17+$0xFFFFFF80], $0xffff;
	[tilespmem:v61+s25+$0x0] =	vst.idx.msk $0xffff, v44;
	v61 =	vadd.s32 v28, v38  }
0x53: {  	v46 =	vld.idx.msk [tilespmem:v3+s17+$0xFFFFFFC0], $0xffff;
	[tilespmem:v34+s25+$0x0] =	vst.idx.msk $0xffff, v51;
	v34 =	vadd.s32 v32, v41  }
0x54: {  	[tilespmem:v33+s25+$0x0] =	vst.idx.msk $0xffff, v48;
	v51 =	vadd.s32 v8, v37;
	v62 =	vld.idx.msk [tilespmem:v5+s17+$0x0], $0xffff  }
0x55: {  	v33 =	vadd.s32 v14, v42;
	[tilespmem:v63+s25+$0x0] =	vst.idx.msk $0xffff, v53;
	v52 =	vld.idx.msk [tilespmem:v5+s17+$0xFFFFFE80], $0xffff  }
0x56: {  	v54 =	vld.idx.msk [tilespmem:v5+s17+$0xFFFFFEC0], $0xffff;
	[tilespmem:v60+s25+$0x0] =	vst.idx.msk $0xffff, v55  }
0x57: {  	v53 =	vadd.s32 v13, v47;
	v1 =	vld.idx.msk [tilespmem:v5+s17+$0xFFFFFF00], $0xffff;
	[tilespmem:v61+s25+$0x0] =	vst.idx.msk $0xffff, v57  }
0x58: {  	v55 =	vadd.s32 v17, v56;
	v58 =	vld.idx.msk [tilespmem:v5+s17+$0xFFFFFF40], $0xffff;
	[tilespmem:v34+s25+$0x0] =	vst.idx.msk $0xffff, v46  }
0x59: {  	[tilespmem:v51+s25+$0x0] =	vst.idx.msk $0xffff, v49;
	v48 =	vld.idx.msk [tilespmem:v5+s17+$0xFFFFFF80], $0xffff  }
0x5a: {  	s23 =	simm.s32 $0x8;
	v59 =	vadd.s32 v21, v39;
	[tilespmem:v33+s25+$0x0] =	vst.idx.msk $0xffff, v62;
	v49 =	vld.idx.msk [tilespmem:v5+s17+$0xFFFFFFC0], $0xffff  }
0x5b: {  	v63 =	vmov s23;
	v18 =	vld [tilespmem:$0x1FFF0]  }
0x5c: {  	s29 =	simm.s32 $0xA;
	v43 =	vshrl.u32 v63, $0x3;
	v63 =	vld.idx.msk [tilespmem:v7+s17+$0x0], $0xffff;
	[tilespmem:v53+s25+$0x0] =	vst.idx.msk $0xffff, v52  }
0x5d: {  	v33 =	vmov s29;
	v29 =	vld [tilespmem:$0x1FFB0];
	[tilespmem:v55+s25+$0x0] =	vst.idx.msk $0xffff, v54  }
0x5e: {  	v45 =	vshrl.u32 v33, $0x3;
	v33 =	vld [tilespmem:$0x1FFD0]  }
0x5f: {  	v62 =	vadd.s32 v25, v40;
	v9 =	vld [tilespmem:$0x1FF50];
	[tilespmem:v59+s25+$0x0] =	vst.idx.msk $0xffff, v1  }
0x60: {  	v1 =	vld [tilespmem:$0x1FF70];
	v60 =	vadd.s32 v18, v42  }
0x61: {  	s26 =	simm.s32 $0x9;
	v51 =	vld.idx.msk [tilespmem:v5+s17+$0xFFFFFE40], $0xffff  }
0x62: {  	v57 =	vmov s26;
	v50 =	vld.idx.msk [tilespmem:v7+s17+$0xFFFFFE80], $0xffff  }
0x63: {  	v44 =	vshll.u32 v43, v2;
	v43 =	vld.idx.msk [tilespmem:v7+s17+$0xFFFFFEC0], $0xffff;
	v42 =	vshrl.u32 v57, $0x3  }
0x64: {  	[tilespmem:v62+s25+$0x0] =	vst.idx.msk $0xffff, v58;
	v46 =	vshll.u32 v42, v2;
	v42 =	vld.idx.msk [tilespmem:v7+s17+$0xFFFFFF00], $0xffff  }
0x65: {  	v53 =	vadd.s32 v1, v47;
	v1 =	vld [tilespmem:$0x1FF80];
	[tilespmem:v60+s25+$0x0] =	vst.idx.msk $0xffff, v63  }
0x66: {  	s26 =	simm.s32 $0xB;
	v22 =	vld [tilespmem:$0x1FF90]  }
0x67: {  	v61 =	vmov s26;
	s26 =	simm.s32 $0xC;
	v52 =	vadd.s32 v29, v38;
	v26 =	vld [tilespmem:$0x1FFA0]  }
0x68: {  	s29 =	simm.s32 $0xD;
	v34 =	vmov s26;
	v61 =	vshrl.u32 v61, $0x3;
	v55 =	vadd.s32 v33, v41;
	v30 =	vld [tilespmem:$0x1FFC0]  }
0x69: {  	v45 =	vshll.u32 v45, v2;
	v58 =	vmov s29;
	v54 =	vadd.s32 v9, v37;
	v10 =	vld [tilespmem:$0x1FF60]  }
0x6a: {  	s28 =	simm.s32 $0xF;
	s19 =	sshllo.u32 s0, $0x1;
	s26 =	simm.s32 $0x10;
	v57 =	vshrl.u32 v34, $0x3;
	v47 =	vshll.u32 v61, v2;
	v34 =	vld [tilespmem:$0x1FFE0];
	v56 =	vadd.s32 v1, v56  }
.LBB2_6:
0x6b: {  	v57 =	vshll.u32 v57, v2  }
0x6c: {  	v59 =	vmov s28;
	v39 =	vadd.s32 v22, v39;
	v60 =	vld.idx.msk [tilespmem:v7+s17+$0xFFFFFF40], $0xffff;
	v40 =	vadd.s32 v26, v40;
	[tilespmem:v52+s25+$0x0] =	vst.idx.msk $0xffff, v48  }
0x6d: {  	v38 =	vadd.s32 v30, v38;
	v62 =	vshrl.u32 v59, $0x3;
	[tilespmem:v55+s25+$0x0] =	vst.idx.msk $0xffff, v49;
	v63 =	vld.idx.msk [tilespmem:v7+s17+$0xFFFFFF80], $0xffff  }
0x6e: {  	v44 =	vbroadcast v44, $0x0;
	v59 =	vshll.u32 v62, v2;
	[tilespmem:v54+s25+$0x0] =	vst.idx.msk $0xffff, v51;
	v61 =	vld.idx.msk [tilespmem:v7+s17+$0xFFFFFFC0], $0xffff  }
0x6f: {  	v41 =	vadd.s32 v34, v41;
	v49 =	vbroadcast v59, $0x0;
	[tilespmem:v53+s25+$0x0] =	vst.idx.msk $0xffff, v50;
	v52 =	vld.idx.msk [tilespmem:v7+s17+$0xFFFFFE40], $0xffff;
	s17 =	sadd.s32 $0x200, s17  }
0x70: {  	v62 =	vadd.s32 v10, v37;
	v37 =	vmov v44;
	[tilespmem:v56+s25+$0x0] =	vst.idx.msk $0xffff, v43;
	v43 =	vbroadcast v46, $0x0;
	v50 =	vld.idx.msk [tilespmem:v0+s17+$0x0], $0xffff  }
0x71: {  	v44 =	vadd.s32 v6, v37;
	[tilespmem:v39+s25+$0x0] =	vst.idx.msk $0xffff, v42;
	v54 =	vld.idx.msk [tilespmem:v0+s17+$0xFFFFFE40], $0xffff;
	v46 =	vadd.s32 v35, v49  }
0x72: {  	v48 =	vshrl.u32 v58, $0x3;
	v42 =	vbroadcast v45, $0x0;
	[tilespmem:v40+s25+$0x0] =	vst.idx.msk $0xffff, v60;
	v55 =	vld.idx.msk [tilespmem:v0+s17+$0xFFFFFE80], $0xffff;
	v45 =	vadd.s32 v11, v43  }
0x73: {  	v48 =	vshll.u32 v48, v2;
	v39 =	vbroadcast v47, $0x0;
	v56 =	vld.idx.msk [tilespmem:v0+s17+$0xFFFFFEC0], $0xffff;
	[tilespmem:v38+s25+$0x0] =	vst.idx.msk $0xffff, v63  }
0x74: {  	v40 =	vbroadcast v57, $0x0;
	v58 =	vld.idx.msk [tilespmem:v0+s17+$0xFFFFFF00], $0xffff;
	v47 =	vadd.s32 v15, v42;
	[tilespmem:v41+s25+$0x0] =	vst.idx.msk $0xffff, v61  }
0x75: {  	s28 =	sadd.s32 $0x6, s23;
	v59 =	vld.idx.msk [tilespmem:v0+s17+$0xFFFFFF40], $0xffff;
	v60 =	vadd.s32 v19, v39;
	v38 =	vbroadcast v48, $0x0;
	[tilespmem:v62+s25+$0x0] =	vst.idx.msk $0xffff, v52  }
0x76: {  	v63 =	vmov s28;
	v62 =	vadd.s32 v23, v40;
	v52 =	vld.idx.msk [tilespmem:v0+s17+$0xFFFFFF80], $0xffff;
	[tilespmem:v46+s25+$0x0] =	vst.idx.msk $0xffff, v50  }
0x77: {  	v61 =	vshrl.u32 v63, $0x3;
	[tilespmem:v45+s25+$0x0] =	vst.idx.msk $0xffff, v55;
	v45 =	vld.idx.msk [tilespmem:v0+s17+$0xFFFFFFC0], $0xffff;
	v63 =	vadd.s32 v27, v38  }
0x78: {  	[tilespmem:v44+s25+$0x0] =	vst.idx.msk $0xffff, v54;
	v54 =	vadd.s32 v12, v43;
	v53 =	vld.idx.msk [tilespmem:v3+s17+$0xFFFFFE80], $0xffff  }
0x79: {  	v50 =	vadd.s32 v36, v49;
	v46 =	vld.idx.msk [tilespmem:v3+s17+$0x0], $0xffff;
	[tilespmem:v47+s25+$0x0] =	vst.idx.msk $0xffff, v56  }
0x7a: {  	v51 =	vadd.s32 v16, v42;
	v41 =	vshll.u32 v61, v2;
	[tilespmem:v60+s25+$0x0] =	vst.idx.msk $0xffff, v58;
	v55 =	vld.idx.msk [tilespmem:v3+s17+$0xFFFFFEC0], $0xffff  }
0x7b: {  	v61 =	vadd.s32 v20, v39;
	v41 =	vbroadcast v41, $0x0;
	v60 =	vld.idx.msk [tilespmem:v3+s17+$0xFFFFFF00], $0xffff;
	[tilespmem:v62+s25+$0x0] =	vst.idx.msk $0xffff, v59  }
0x7c: {  	v62 =	vld.idx.msk [tilespmem:v3+s17+$0xFFFFFF40], $0xffff;
	[tilespmem:v63+s25+$0x0] =	vst.idx.msk $0xffff, v52  }
0x7d: {  	v47 =	vadd.s32 v31, v41;
	[tilespmem:v54+s25+$0x0] =	vst.idx.msk $0xffff, v53;
	v53 =	vld.idx.msk [tilespmem:v3+s17+$0xFFFFFE40], $0xffff  }
0x7e: {  	v63 =	vadd.s32 v24, v40;
	[tilespmem:v50+s25+$0x0] =	vst.idx.msk $0xffff, v46;
	v52 =	vld.idx.msk [tilespmem:v3+s17+$0xFFFFFF80], $0xffff  }
0x7f: {  	v46 =	vadd.s32 v28, v38;
	[tilespmem:v51+s25+$0x0] =	vst.idx.msk $0xffff, v55;
	v55 =	vld.idx.msk [tilespmem:v5+s17+$0xFFFFFE80], $0xffff  }
0x80: {  	v59 =	vadd.s32 v17, v42;
	[tilespmem:v61+s25+$0x0] =	vst.idx.msk $0xffff, v60;
	v58 =	vld.idx.msk [tilespmem:v5+s17+$0xFFFFFEC0], $0xffff  }
0x81: {  	v61 =	vadd.s32 v21, v39;
	v60 =	vld.idx.msk [tilespmem:v5+s17+$0xFFFFFF00], $0xffff  }
0x82: {  	v50 =	vadd.s32 v14, v49;
	[tilespmem:v47+s25+$0x0] =	vst.idx.msk $0xffff, v45;
	v45 =	vld.idx.msk [tilespmem:v5+s17+$0x0], $0xffff  }
0x83: {  	v56 =	vadd.s32 v13, v43;
	v47 =	vld.idx.msk [tilespmem:v3+s17+$0xFFFFFFC0], $0xffff;
	[tilespmem:v63+s25+$0x0] =	vst.idx.msk $0xffff, v62  }
0x84: {  	v48 =	vmov s26;
	v54 =	vadd.s32 v8, v37;
	[tilespmem:v46+s25+$0x0] =	vst.idx.msk $0xffff, v52;
	v62 =	vld.idx.msk [tilespmem:v5+s17+$0xFFFFFF40], $0xffff  }
0x85: {  	v44 =	vshrl.u32 v48, $0x3;
	v51 =	vadd.s32 v32, v41;
	v48 =	vld.idx.msk [tilespmem:v5+s17+$0xFFFFFF80], $0xffff;
	[tilespmem:v59+s25+$0x0] =	vst.idx.msk $0xffff, v58  }
0x86: {  	s29 =	sadd.s32 $0x3, s26;
	v59 =	vld [tilespmem:$0x1FF70];
	[tilespmem:v61+s25+$0x0] =	vst.idx.msk $0xffff, v60  }
0x87: {  	v57 =	vmov s29;
	s28 =	sadd.s32 $0x1, s26;
	v63 =	vadd.s32 v25, v40;
	v60 =	vld [tilespmem:$0x1FF80];
	[tilespmem:v50+s25+$0x0] =	vst.idx.msk $0xffff, v45  }
0x88: {  	p1 =	slt.u32 s26, $0x78;
	v4 =	vadd.s32 v18, v49;
	v44 =	vshll.u32 v44, v2;
	v46 =	vmov s28;
	s28 =	sadd.s32 $0x2, s26;
	[tilespmem:v56+s25+$0x0] =	vst.idx.msk $0xffff, v55;
	v1 =	vld.idx.msk [tilespmem:v7+s17+$0x0], $0xffff  }
.Ltmp2:
0x89: {  	[tilespmem:v54+s25+$0x0] =	vst.idx.msk $0xffff, v53;
	v54 =	vadd.s32 v9, v37;
	v55 =	vadd.s32 v33, v41;
	v52 =	vmov s28;
	v50 =	vld.idx.msk [tilespmem:v7+s17+$0xFFFFFE80], $0xffff;
	(pc) =	sbr.rel @p1 .LBB2_6-.Ltmp2, $4  }
0x8a: {  	s28 =	sadd.s32 $0x4, s26;
	v46 =	vshrl.u32 v46, $0x3;
	v45 =	vshrl.u32 v52, $0x3;
	v52 =	vadd.s32 v29, v38;
	[tilespmem:v51+s25+$0x0] =	vst.idx.msk $0xffff, v47;
	v51 =	vld.idx.msk [tilespmem:v5+s17+$0xFFFFFE40], $0xffff  }
0x8b: {  	v46 =	vshll.u32 v46, v2;
	v47 =	vmov s28;
	v45 =	vshll.u32 v45, v2;
	v49 =	vld.idx.msk [tilespmem:v5+s17+$0xFFFFFFC0], $0xffff  }
0x8c: {  	s23 =	smov.u32 s26;
	v56 =	vshrl.u32 v57, $0x3;
	s28 =	sadd.s32 $0x5, s26;
	v57 =	vshrl.u32 v47, $0x3;
	[tilespmem:v63+s25+$0x0] =	vst.idx.msk $0xffff, v62;
	v53 =	vadd.s32 v59, v43;
	v43 =	vld.idx.msk [tilespmem:v7+s17+$0xFFFFFEC0], $0xffff  }
0x8d: {  	s26 =	sadd.s32 $0x8, s26;
	v47 =	vshll.u32 v56, v2;
	v58 =	vmov s28;
	s28 =	sadd.s32 $0x7, s23;
	v56 =	vadd.s32 v60, v42;
	v42 =	vld.idx.msk [tilespmem:v7+s17+$0xFFFFFF00], $0xffff;
	[tilespmem:v4+s25+$0x0] =	vst.idx.msk $0xffff, v1  }
0x8e: {  	_ =	sdelay $0x3  }
0x8f: {  	v1 =	vshll.u32 v57, v2;
	v4 =	vmov s28;
	v39 =	vadd.s32 v22, v39;
	[tilespmem:v52+s25+$0x0] =	vst.idx.msk $0xffff, v48  }
0x90: {  	v63 =	vld.idx.msk [tilespmem:v7+s17+$0xFFFFFF40], $0xffff;
	v57 =	vshrl.u32 v58, $0x3;
	v40 =	vadd.s32 v26, v40;
	[tilespmem:v53+s25+$0x0] =	vst.idx.msk $0xffff, v50;
	v4 =	vshrl.u32 v4, $0x3  }
0x91: {  	v38 =	vadd.s32 v30, v38;
	v58 =	vld.idx.msk [tilespmem:v7+s17+$0xFFFFFF80], $0xffff;
	[tilespmem:v54+s25+$0x0] =	vst.idx.msk $0xffff, v51;
	v4 =	vshll.u32 v4, v2  }
0x92: {  	v37 =	vadd.s32 v10, v37;
	[tilespmem:v55+s25+$0x0] =	vst.idx.msk $0xffff, v49;
	v62 =	vld.idx.msk [tilespmem:v7+s17+$0xFFFFFE40], $0xffff;
	v4 =	vbroadcast v4, $0x0  }
0x93: {  	v44 =	vbroadcast v44, $0x0;
	v41 =	vadd.s32 v34, v41;
	s29 =	sadd.s32 $0x200, s17;
	v61 =	vld.idx.msk [tilespmem:v7+s17+$0xFFFFFFC0], $0xffff;
	[tilespmem:v56+s25+$0x0] =	vst.idx.msk $0xffff, v43  }
0x94: {  	v46 =	vbroadcast v46, $0x0;
	v43 =	vld.idx.msk [tilespmem:v0+s29+$0x0], $0xffff;
	v53 =	vadd.s32 v35, v4;
	[tilespmem:v39+s25+$0x0] =	vst.idx.msk $0xffff, v42  }
0x95: {  	v45 =	vbroadcast v45, $0x0;
	v47 =	vbroadcast v47, $0x0;
	v39 =	vld.idx.msk [tilespmem:v0+s29+$0xFFFFFE40], $0xffff;
	v42 =	vadd.s32 v6, v44;
	[tilespmem:v40+s25+$0x0] =	vst.idx.msk $0xffff, v63  }
0x96: {  	v52 =	vshll.u32 v57, v2;
	v48 =	vadd.s32 v11, v46;
	v40 =	vld.idx.msk [tilespmem:v0+s29+$0xFFFFFE80], $0xffff;
	[tilespmem:v38+s25+$0x0] =	vst.idx.msk $0xffff, v58  }
0x97: {  	s23 =	sadd.s32 $0x6, s23;
	v1 =	vbroadcast v1, $0x0;
	v49 =	vadd.s32 v15, v45;
	v38 =	vld.idx.msk [tilespmem:v0+s29+$0xFFFFFEC0], $0xffff;
	[tilespmem:v37+s25+$0x0] =	vst.idx.msk $0xffff, v62  }
0x98: {  	v57 =	vld.idx.msk [tilespmem:v0+s29+$0xFFFFFF00], $0xffff;
	v52 =	vbroadcast v52, $0x0;
	v63 =	vmov s23;
	v58 =	vadd.s32 v19, v47;
	[tilespmem:v41+s25+$0x0] =	vst.idx.msk $0xffff, v61  }
0x99: {  	v54 =	vshrl.u32 v63, $0x3;
	v62 =	vadd.s32 v23, v1;
	v61 =	vld.idx.msk [tilespmem:v0+s29+$0xFFFFFF40], $0xffff;
	[tilespmem:v53+s25+$0x0] =	vst.idx.msk $0xffff, v43  }
0x9a: {  	v63 =	vadd.s32 v27, v52;
	v54 =	vshll.u32 v54, v2;
	v43 =	vld.idx.msk [tilespmem:v0+s29+$0xFFFFFF80], $0xffff;
	[tilespmem:v42+s25+$0x0] =	vst.idx.msk $0xffff, v39  }
0x9b: {  	v42 =	vbroadcast v54, $0x0;
	[tilespmem:v48+s25+$0x0] =	vst.idx.msk $0xffff, v40;
	v40 =	vadd.s32 v36, v4;
	v53 =	vld.idx.msk [tilespmem:v3+s29+$0x0], $0xffff  }
0x9c: {  	v54 =	vadd.s32 v12, v46;
	[tilespmem:v49+s25+$0x0] =	vst.idx.msk $0xffff, v38;
	v49 =	vld.idx.msk [tilespmem:v3+s29+$0xFFFFFE80], $0xffff  }
0x9d: {  	v48 =	vld.idx.msk [tilespmem:v0+s29+$0xFFFFFFC0], $0xffff;
	[tilespmem:v58+s25+$0x0] =	vst.idx.msk $0xffff, v57;
	v38 =	vadd.s32 v31, v42  }
0x9e: {  	v58 =	vadd.s32 v16, v45;
	v57 =	vld.idx.msk [tilespmem:v3+s29+$0xFFFFFEC0], $0xffff;
	[tilespmem:v62+s25+$0x0] =	vst.idx.msk $0xffff, v61  }
0x9f: {  	v61 =	vld.idx.msk [tilespmem:v3+s29+$0xFFFFFF00], $0xffff;
	v62 =	vadd.s32 v20, v47;
	[tilespmem:v63+s25+$0x0] =	vst.idx.msk $0xffff, v43  }
0xa0: {  	v39 =	vld.idx.msk [tilespmem:v3+s29+$0xFFFFFF40], $0xffff;
	v63 =	vadd.s32 v24, v1;
	[tilespmem:v40+s25+$0x0] =	vst.idx.msk $0xffff, v53  }
0xa1: {  	v40 =	vld.idx.msk [tilespmem:v3+s29+$0xFFFFFF80], $0xffff;
	v53 =	vadd.s32 v28, v52;
	[tilespmem:v54+s25+$0x0] =	vst.idx.msk $0xffff, v49  }
0xa2: {  	[tilespmem:v38+s25+$0x0] =	vst.idx.msk $0xffff, v48;
	v38 =	vld.idx.msk [tilespmem:v5+s29+$0x0], $0xffff;
	v48 =	vadd.s32 v14, v4  }
0xa3: {  	v51 =	vld.idx.msk [tilespmem:v3+s29+$0xFFFFFE40], $0xffff;
	[tilespmem:v58+s25+$0x0] =	vst.idx.msk $0xffff, v57;
	v58 =	vadd.s32 v8, v44  }
0xa4: {  	v57 =	vadd.s32 v32, v42;
	v49 =	vld.idx.msk [tilespmem:v3+s29+$0xFFFFFFC0], $0xffff;
	[tilespmem:v62+s25+$0x0] =	vst.idx.msk $0xffff, v61  }
0xa5: {  	v61 =	vld.idx.msk [tilespmem:v5+s29+$0xFFFFFE80], $0xffff;
	v62 =	vadd.s32 v13, v46;
	[tilespmem:v63+s25+$0x0] =	vst.idx.msk $0xffff, v39  }
0xa6: {  	v39 =	vld.idx.msk [tilespmem:v5+s29+$0xFFFFFEC0], $0xffff;
	v63 =	vadd.s32 v17, v45;
	[tilespmem:v53+s25+$0x0] =	vst.idx.msk $0xffff, v40  }
0xa7: {  	v40 =	vld.idx.msk [tilespmem:v5+s29+$0xFFFFFF00], $0xffff;
	v53 =	vadd.s32 v21, v47;
	[tilespmem:v48+s25+$0x0] =	vst.idx.msk $0xffff, v38  }
0xa8: {  	v56 =	vadd.s32 v25, v1;
	v38 =	vld.idx.msk [tilespmem:v5+s29+$0xFFFFFF40], $0xffff;
	[tilespmem:v58+s25+$0x0] =	vst.idx.msk $0xffff, v51  }
0xa9: {  	v4 =	vadd.s32 v18, v4;
	[tilespmem:v57+s25+$0x0] =	vst.idx.msk $0xffff, v49;
	v57 =	vld.idx.msk [tilespmem:v7+s29+$0x0], $0xffff  }
0xaa: {  	v58 =	vld.idx.msk [tilespmem:v5+s29+$0xFFFFFF80], $0xffff;
	[tilespmem:v62+s25+$0x0] =	vst.idx.msk $0xffff, v61;
	v61 =	vadd.s32 v29, v52  }
0xab: {  	v46 =	vadd.s32 v59, v46;
	v55 =	vld.idx.msk [tilespmem:v7+s29+$0xFFFFFE80], $0xffff;
	[tilespmem:v63+s25+$0x0] =	vst.idx.msk $0xffff, v39  }
0xac: {  	v62 =	vld.idx.msk [tilespmem:v5+s29+$0xFFFFFFC0], $0xffff;
	v63 =	vadd.s32 v33, v42;
	[tilespmem:v53+s25+$0x0] =	vst.idx.msk $0xffff, v40  }
0xad: {  	v54 =	vadd.s32 v9, v44;
	v33 =	vld.idx.msk [tilespmem:v5+s29+$0xFFFFFE40], $0xffff;
	[tilespmem:v56+s25+$0x0] =	vst.idx.msk $0xffff, v38  }
0xae: {  	v45 =	vadd.s32 v60, v45;
	v56 =	vld.idx.msk [tilespmem:v7+s29+$0xFFFFFEC0], $0xffff;
	[tilespmem:v4+s25+$0x0] =	vst.idx.msk $0xffff, v57  }
0xaf: {  	v4 =	vld.idx.msk [tilespmem:v7+s29+$0xFFFFFF00], $0xffff;
	v57 =	vadd.s32 v22, v47;
	[tilespmem:v61+s25+$0x0] =	vst.idx.msk $0xffff, v58  }
0xb0: {  	v1 =	vadd.s32 v26, v1;
	v58 =	vld.idx.msk [tilespmem:v7+s29+$0xFFFFFF40], $0xffff;
	[tilespmem:v46+s25+$0x0] =	vst.idx.msk $0xffff, v55  }
0xb1: {  	v60 =	vadd.s32 v30, v52;
	v59 =	vld.idx.msk [tilespmem:v7+s29+$0xFFFFFF80], $0xffff;
	[tilespmem:v63+s25+$0x0] =	vst.idx.msk $0xffff, v62  }
0xb2: {  	[tilespmem:v54+s25+$0x0] =	vst.idx.msk $0xffff, v33;
	v62 =	vadd.s32 v34, v42;
	v61 =	vld.idx.msk [tilespmem:v7+s29+$0xFFFFFFC0], $0xffff  }
0xb3: {  	v44 =	vadd.s32 v10, v44;
	v63 =	vld.idx.msk [tilespmem:v7+s29+$0xFFFFFE40], $0xffff;
	[tilespmem:v45+s25+$0x0] =	vst.idx.msk $0xffff, v56  }
0xb4: {  	s26 =	sadd.s32 s5, s21;
	[tilespmem:v57+s25+$0x0] =	vst.idx.msk $0xffff, v4  }
0xb5: {  	s28 =	sshll.u32 s26, $0xA;
	s17 =	sshll.u32 s26, $0x7;
	[tilespmem:v1+s25+$0x0] =	vst.idx.msk $0xffff, v58  }
0xb6: {  	s17 =	sand.u32 $0x3F00, s17;
	s23 =	sand.u32 $0xFFE0000, s28;
	[tilespmem:v60+s25+$0x0] =	vst.idx.msk $0xffff, v59  }
0xb7: {  	s17 =	sor.u32 s17, s23;
	[tilespmem:v62+s25+$0x0] =	vst.idx.msk $0xffff, v61  }
0xb8: {  	s23 =	sadd.s32 s2, s17;
	[tilespmem:v44+s25+$0x0] =	vst.idx.msk $0xffff, v63  }
0xb9: {  	[hbm4b:s23+s3] =	stream.linear.scatter [tilespmem:s25], [sflag:$0x5], $0x80, $0x38;
	[tilespmem:$0x8500] =	vst v63  }
0xba: {  	s26 =	sadd.s32 $0x10, s23;
	s29 =	simm.s32 $0x4188  }
0xbb: {  	[hbm4b:s26+s3] =	stream.linear.scatter [tilespmem:s29], [sflag:$0x5], $0x80, $0x38;
	[tilespmem:$0x8500] =	vst v63  }
0xbc: {  	s26 =	sadd.s32 $0x20, s23;
	s29 =	simm.s32 $0x4210  }
0xbd: {  	[hbm4b:s26+s3] =	stream.linear.scatter [tilespmem:s29], [sflag:$0x5], $0x80, $0x38;
	[tilespmem:$0x8500] =	vst v63  }
0xbe: {  	s26 =	sadd.s32 $0x30, s23;
	s29 =	simm.s32 $0x4298  }
0xbf: {  	[hbm4b:s26+s3] =	stream.linear.scatter [tilespmem:s29], [sflag:$0x5], $0x80, $0x38;
	[tilespmem:$0x8500] =	vst v63  }
0xc0: {  	s26 =	sadd.s32 $0x40, s23;
	s29 =	simm.s32 $0x4320  }
0xc1: {  	[hbm4b:s26+s3] =	stream.linear.scatter [tilespmem:s29], [sflag:$0x5], $0x80, $0x38;
	[tilespmem:$0x8500] =	vst v63  }
0xc2: {  	s26 =	sadd.s32 $0x50, s23;
	s29 =	simm.s32 $0x43A8  }
0xc3: {  	[hbm4b:s26+s3] =	stream.linear.scatter [tilespmem:s29], [sflag:$0x5], $0x80, $0x38;
	[tilespmem:$0x8500] =	vst v63  }
0xc4: {  	s26 =	sadd.s32 $0x60, s23;
	s29 =	simm.s32 $0x4430  }
0xc5: {  	[hbm4b:s26+s3] =	stream.linear.scatter [tilespmem:s29], [sflag:$0x5], $0x80, $0x38;
	[tilespmem:$0x8500] =	vst v63  }
0xc6: {  	s23 =	sadd.s32 $0x70, s23;
	s29 =	simm.s32 $0x44B8  }
0xc7: {  	[hbm4b:s23+s3] =	stream.linear.scatter [tilespmem:s29], [sflag:$0x5], $0x80, $0x38;
	[tilespmem:$0x8500] =	vst v63  }
0xc8: {  	s28 =	simm.s32 $0x4540;
	s23 =	sadd.s32 s17, s10  }
0xc9: {  	[hbm4b:s23+s3] =	stream.linear.scatter [tilespmem:s28], [sflag:$0x5], $0x80, $0x38;
	[tilespmem:$0x8500] =	vst v63  }
0xca: {  	s29 =	simm.s32 $0x45C8;
	s26 =	sadd.s32 $0x10, s23  }
0xcb: {  	[hbm4b:s26+s3] =	stream.linear.scatter [tilespmem:s29], [sflag:$0x5], $0x80, $0x38;
	[tilespmem:$0x8500] =	vst v63  }
0xcc: {  	s26 =	sadd.s32 $0x20, s23;
	s29 =	simm.s32 $0x4650  }
0xcd: {  	[hbm4b:s26+s3] =	stream.linear.scatter [tilespmem:s29], [sflag:$0x5], $0x80, $0x38;
	[tilespmem:$0x8500] =	vst v63  }
0xce: {  	s26 =	sadd.s32 $0x30, s23;
	s29 =	simm.s32 $0x46D8  }
0xcf: {  	[hbm4b:s26+s3] =	stream.linear.scatter [tilespmem:s29], [sflag:$0x5], $0x80, $0x38;
	[tilespmem:$0x8500] =	vst v63  }
0xd0: {  	s26 =	sadd.s32 $0x40, s23;
	s29 =	simm.s32 $0x4760  }
0xd1: {  	[hbm4b:s26+s3] =	stream.linear.scatter [tilespmem:s29], [sflag:$0x5], $0x80, $0x38;
	[tilespmem:$0x8500] =	vst v63  }
0xd2: {  	s26 =	sadd.s32 $0x50, s23;
	s29 =	simm.s32 $0x47E8  }
0xd3: {  	[hbm4b:s26+s3] =	stream.linear.scatter [tilespmem:s29], [sflag:$0x5], $0x80, $0x38;
	[tilespmem:$0x8500] =	vst v63  }
0xd4: {  	s26 =	sadd.s32 $0x60, s23;
	s29 =	simm.s32 $0x4870  }
0xd5: {  	[hbm4b:s26+s3] =	stream.linear.scatter [tilespmem:s29], [sflag:$0x5], $0x80, $0x38;
	[tilespmem:$0x8500] =	vst v63  }
0xd6: {  	s23 =	sadd.s32 $0x70, s23;
	s29 =	simm.s32 $0x48F8  }
0xd7: {  	[hbm4b:s23+s3] =	stream.linear.scatter [tilespmem:s29], [sflag:$0x5], $0x80, $0x38;
	[tilespmem:$0x8500] =	vst v63  }
0xd8: {  	s28 =	simm.s32 $0x4980;
	s23 =	sadd.s32 s17, s11  }
0xd9: {  	[hbm4b:s23+s3] =	stream.linear.scatter [tilespmem:s28], [sflag:$0x5], $0x80, $0x38;
	[tilespmem:$0x8500] =	vst v63  }
0xda: {  	s29 =	simm.s32 $0x4A08;
	s26 =	sadd.s32 $0x10, s23  }
0xdb: {  	[hbm4b:s26+s3] =	stream.linear.scatter [tilespmem:s29], [sflag:$0x5], $0x80, $0x38;
	[tilespmem:$0x8500] =	vst v63  }
0xdc: {  	s26 =	sadd.s32 $0x20, s23;
	s29 =	simm.s32 $0x4A90  }
0xdd: {  	[hbm4b:s26+s3] =	stream.linear.scatter [tilespmem:s29], [sflag:$0x5], $0x80, $0x38;
	[tilespmem:$0x8500] =	vst v63  }
0xde: {  	s26 =	sadd.s32 $0x30, s23;
	s29 =	simm.s32 $0x4B18  }
0xdf: {  	[hbm4b:s26+s3] =	stream.linear.scatter [tilespmem:s29], [sflag:$0x5], $0x80, $0x38;
	[tilespmem:$0x8500] =	vst v63  }
0xe0: {  	s26 =	sadd.s32 $0x40, s23;
	s29 =	simm.s32 $0x4BA0  }
0xe1: {  	[hbm4b:s26+s3] =	stream.linear.scatter [tilespmem:s29], [sflag:$0x5], $0x80, $0x38;
	[tilespmem:$0x8500] =	vst v63  }
0xe2: {  	s26 =	sadd.s32 $0x50, s23;
	s29 =	simm.s32 $0x4C28  }
0xe3: {  	[hbm4b:s26+s3] =	stream.linear.scatter [tilespmem:s29], [sflag:$0x5], $0x80, $0x38;
	[tilespmem:$0x8500] =	vst v63  }
0xe4: {  	s26 =	sadd.s32 $0x60, s23;
	s29 =	simm.s32 $0x4CB0  }
0xe5: {  	[hbm4b:s26+s3] =	stream.linear.scatter [tilespmem:s29], [sflag:$0x5], $0x80, $0x38;
	[tilespmem:$0x8500] =	vst v63  }
0xe6: {  	s23 =	sadd.s32 $0x70, s23;
	s29 =	simm.s32 $0x4D38  }
0xe7: {  	[hbm4b:s23+s3] =	stream.linear.scatter [tilespmem:s29], [sflag:$0x5], $0x80, $0x38;
	[tilespmem:$0x8500] =	vst v63  }
0xe8: {  	s28 =	simm.s32 $0x4DC0;
	s23 =	sadd.s32 s17, s12  }
0xe9: {  	[hbm4b:s23+s3] =	stream.linear.scatter [tilespmem:s28], [sflag:$0x5], $0x80, $0x38;
	[tilespmem:$0x8500] =	vst v63  }
0xea: {  	s29 =	simm.s32 $0x4E48;
	s26 =	sadd.s32 $0x10, s23  }
0xeb: {  	[hbm4b:s26+s3] =	stream.linear.scatter [tilespmem:s29], [sflag:$0x5], $0x80, $0x38;
	[tilespmem:$0x8500] =	vst v63  }
0xec: {  	s26 =	sadd.s32 $0x20, s23;
	s29 =	simm.s32 $0x4ED0  }
0xed: {  	[hbm4b:s26+s3] =	stream.linear.scatter [tilespmem:s29], [sflag:$0x5], $0x80, $0x38;
	[tilespmem:$0x8500] =	vst v63  }
0xee: {  	s26 =	sadd.s32 $0x30, s23;
	s29 =	simm.s32 $0x4F58  }
0xef: {  	[hbm4b:s26+s3] =	stream.linear.scatter [tilespmem:s29], [sflag:$0x5], $0x80, $0x38;
	[tilespmem:$0x8500] =	vst v63  }
0xf0: {  	s26 =	sadd.s32 $0x40, s23;
	s29 =	simm.s32 $0x4FE0  }
0xf1: {  	[hbm4b:s26+s3] =	stream.linear.scatter [tilespmem:s29], [sflag:$0x5], $0x80, $0x38;
	[tilespmem:$0x8500] =	vst v63  }
0xf2: {  	s26 =	sadd.s32 $0x50, s23;
	s29 =	simm.s32 $0x5068  }
0xf3: {  	[hbm4b:s26+s3] =	stream.linear.scatter [tilespmem:s29], [sflag:$0x5], $0x80, $0x38;
	[tilespmem:$0x8500] =	vst v63  }
0xf4: {  	s26 =	sadd.s32 $0x60, s23;
	s29 =	simm.s32 $0x50F0  }
0xf5: {  	[hbm4b:s26+s3] =	stream.linear.scatter [tilespmem:s29], [sflag:$0x5], $0x80, $0x38;
	[tilespmem:$0x8500] =	vst v63  }
0xf6: {  	s23 =	sadd.s32 $0x70, s23;
	s29 =	simm.s32 $0x5178  }
0xf7: {  	[hbm4b:s23+s3] =	stream.linear.scatter [tilespmem:s29], [sflag:$0x5], $0x80, $0x38;
	[tilespmem:$0x8500] =	vst v63  }
0xf8: {  	s28 =	simm.s32 $0x5200;
	s23 =	sadd.s32 s17, s13  }
0xf9: {  	[hbm4b:s23+s3] =	stream.linear.scatter [tilespmem:s28], [sflag:$0x5], $0x80, $0x38;
	[tilespmem:$0x8500] =	vst v63  }
0xfa: {  	s29 =	simm.s32 $0x5288;
	s26 =	sadd.s32 $0x10, s23  }
0xfb: {  	[hbm4b:s26+s3] =	stream.linear.scatter [tilespmem:s29], [sflag:$0x5], $0x80, $0x38;
	[tilespmem:$0x8500] =	vst v63  }
0xfc: {  	s26 =	sadd.s32 $0x20, s23;
	s29 =	simm.s32 $0x5310  }
0xfd: {  	[hbm4b:s26+s3] =	stream.linear.scatter [tilespmem:s29], [sflag:$0x5], $0x80, $0x38;
	[tilespmem:$0x8500] =	vst v63  }
0xfe: {  	s26 =	sadd.s32 $0x30, s23;
	s29 =	simm.s32 $0x5398  }
0xff: {  	[hbm4b:s26+s3] =	stream.linear.scatter [tilespmem:s29], [sflag:$0x5], $0x80, $0x38;
	[tilespmem:$0x8500] =	vst v63  }
0x100: {  	s26 =	sadd.s32 $0x40, s23;
	s29 =	simm.s32 $0x5420  }
0x101: {  	[hbm4b:s26+s3] =	stream.linear.scatter [tilespmem:s29], [sflag:$0x5], $0x80, $0x38;
	[tilespmem:$0x8500] =	vst v63  }
0x102: {  	s26 =	sadd.s32 $0x50, s23;
	s29 =	simm.s32 $0x54A8  }
0x103: {  	[hbm4b:s26+s3] =	stream.linear.scatter [tilespmem:s29], [sflag:$0x5], $0x80, $0x38;
	[tilespmem:$0x8500] =	vst v63  }
0x104: {  	s26 =	sadd.s32 $0x60, s23;
	s29 =	simm.s32 $0x5530  }
0x105: {  	[hbm4b:s26+s3] =	stream.linear.scatter [tilespmem:s29], [sflag:$0x5], $0x80, $0x38;
	[tilespmem:$0x8500] =	vst v63  }
0x106: {  	s23 =	sadd.s32 $0x70, s23;
	s29 =	simm.s32 $0x55B8  }
0x107: {  	[hbm4b:s23+s3] =	stream.linear.scatter [tilespmem:s29], [sflag:$0x5], $0x80, $0x38;
	[tilespmem:$0x8500] =	vst v63  }
0x108: {  	s28 =	simm.s32 $0x5640;
	s23 =	sadd.s32 s17, s14  }
0x109: {  	[hbm4b:s23+s3] =	stream.linear.scatter [tilespmem:s28], [sflag:$0x5], $0x80, $0x38;
	[tilespmem:$0x8500] =	vst v63  }
0x10a: {  	s29 =	simm.s32 $0x56C8;
	s26 =	sadd.s32 $0x10, s23  }
0x10b: {  	[hbm4b:s26+s3] =	stream.linear.scatter [tilespmem:s29], [sflag:$0x5], $0x80, $0x38;
	[tilespmem:$0x8500] =	vst v63  }
0x10c: {  	s26 =	sadd.s32 $0x20, s23;
	s29 =	simm.s32 $0x5750  }
0x10d: {  	[hbm4b:s26+s3] =	stream.linear.scatter [tilespmem:s29], [sflag:$0x5], $0x80, $0x38;
	[tilespmem:$0x8500] =	vst v63  }
0x10e: {  	s26 =	sadd.s32 $0x30, s23;
	s29 =	simm.s32 $0x57D8  }
0x10f: {  	[hbm4b:s26+s3] =	stream.linear.scatter [tilespmem:s29], [sflag:$0x5], $0x80, $0x38;
	[tilespmem:$0x8500] =	vst v63  }
0x110: {  	s26 =	sadd.s32 $0x40, s23;
	s29 =	simm.s32 $0x5860  }
0x111: {  	[hbm4b:s26+s3] =	stream.linear.scatter [tilespmem:s29], [sflag:$0x5], $0x80, $0x38;
	[tilespmem:$0x8500] =	vst v63  }
0x112: {  	s26 =	sadd.s32 $0x50, s23;
	s29 =	simm.s32 $0x58E8  }
0x113: {  	[hbm4b:s26+s3] =	stream.linear.scatter [tilespmem:s29], [sflag:$0x5], $0x80, $0x38;
	[tilespmem:$0x8500] =	vst v63  }
0x114: {  	s26 =	sadd.s32 $0x60, s23;
	s29 =	simm.s32 $0x5970  }
0x115: {  	[hbm4b:s26+s3] =	stream.linear.scatter [tilespmem:s29], [sflag:$0x5], $0x80, $0x38;
	[tilespmem:$0x8500] =	vst v63  }
0x116: {  	s23 =	sadd.s32 $0x70, s23;
	s29 =	simm.s32 $0x59F8  }
0x117: {  	[hbm4b:s23+s3] =	stream.linear.scatter [tilespmem:s29], [sflag:$0x5], $0x80, $0x38;
	[tilespmem:$0x8500] =	vst v63  }
0x118: {  	s28 =	simm.s32 $0x5A80;
	s23 =	sadd.s32 s17, s15  }
0x119: {  	[hbm4b:s23+s3] =	stream.linear.scatter [tilespmem:s28], [sflag:$0x5], $0x80, $0x38;
	[tilespmem:$0x8500] =	vst v63  }
0x11a: {  	s29 =	simm.s32 $0x5B08;
	s26 =	sadd.s32 $0x10, s23  }
0x11b: {  	[hbm4b:s26+s3] =	stream.linear.scatter [tilespmem:s29], [sflag:$0x5], $0x80, $0x38;
	[tilespmem:$0x8500] =	vst v63  }
0x11c: {  	s26 =	sadd.s32 $0x20, s23;
	s29 =	simm.s32 $0x5B90  }
0x11d: {  	[hbm4b:s26+s3] =	stream.linear.scatter [tilespmem:s29], [sflag:$0x5], $0x80, $0x38;
	[tilespmem:$0x8500] =	vst v63  }
0x11e: {  	s26 =	sadd.s32 $0x30, s23;
	s29 =	simm.s32 $0x5C18  }
0x11f: {  	[hbm4b:s26+s3] =	stream.linear.scatter [tilespmem:s29], [sflag:$0x5], $0x80, $0x38;
	[tilespmem:$0x8500] =	vst v63  }
0x120: {  	s26 =	sadd.s32 $0x40, s23;
	s29 =	simm.s32 $0x5CA0  }
0x121: {  	[hbm4b:s26+s3] =	stream.linear.scatter [tilespmem:s29], [sflag:$0x5], $0x80, $0x38;
	[tilespmem:$0x8500] =	vst v63  }
0x122: {  	s26 =	sadd.s32 $0x50, s23;
	s29 =	simm.s32 $0x5D28  }
0x123: {  	[hbm4b:s26+s3] =	stream.linear.scatter [tilespmem:s29], [sflag:$0x5], $0x80, $0x38;
	[tilespmem:$0x8500] =	vst v63  }
0x124: {  	s26 =	sadd.s32 $0x60, s23;
	s29 =	simm.s32 $0x5DB0  }
0x125: {  	[hbm4b:s26+s3] =	stream.linear.scatter [tilespmem:s29], [sflag:$0x5], $0x80, $0x38;
	[tilespmem:$0x8500] =	vst v63  }
0x126: {  	s23 =	sadd.s32 $0x70, s23;
	s29 =	simm.s32 $0x5E38  }
0x127: {  	[hbm4b:s23+s3] =	stream.linear.scatter [tilespmem:s29], [sflag:$0x5], $0x80, $0x38;
	[tilespmem:$0x8500] =	vst v63  }
0x128: {  	s17 =	sadd.s32 s17, s16;
	s26 =	simm.s32 $0x5EC0  }
0x129: {  	[hbm4b:s17+s3] =	stream.linear.scatter [tilespmem:s26], [sflag:$0x5], $0x80, $0x38;
	[tilespmem:$0x8500] =	vst v63  }
0x12a: {  	s28 =	sadd.s32 $0x10, s17;
	s29 =	simm.s32 $0x5F48  }
0x12b: {  	[hbm4b:s28+s3] =	stream.linear.scatter [tilespmem:s29], [sflag:$0x5], $0x80, $0x38;
	[tilespmem:$0x8500] =	vst v63  }
0x12c: {  	s28 =	sadd.s32 $0x20, s17;
	s29 =	simm.s32 $0x5FD0  }
0x12d: {  	[hbm4b:s28+s3] =	stream.linear.scatter [tilespmem:s29], [sflag:$0x5], $0x80, $0x38;
	[tilespmem:$0x8500] =	vst v63  }
0x12e: {  	s28 =	sadd.s32 $0x30, s17;
	s29 =	simm.s32 $0x6058  }
0x12f: {  	[hbm4b:s28+s3] =	stream.linear.scatter [tilespmem:s29], [sflag:$0x5], $0x80, $0x38;
	[tilespmem:$0x8500] =	vst v63  }
0x130: {  	s28 =	sadd.s32 $0x40, s17;
	s29 =	simm.s32 $0x60E0  }
0x131: {  	[hbm4b:s28+s3] =	stream.linear.scatter [tilespmem:s29], [sflag:$0x5], $0x80, $0x38;
	[tilespmem:$0x8500] =	vst v63  }
0x132: {  	p1 =	sne.s32 s0, $0x63;
	s28 =	sadd.s32 $0x50, s17;
	s29 =	simm.s32 $0x6168  }
0x133: {  	[hbm4b:s28+s3] =	stream.linear.scatter [tilespmem:s29], [sflag:$0x5], $0x80, $0x38;
	[tilespmem:$0x8500] =	vst v63  }
.Ltmp3:
0x134: {  	_ = 	snop;
	(pc) =	sbr.rel @p1 .LBB2_9-.Ltmp3, $4  }
0x135: {  	s26 =	sadd.s32 $0x60, s17;
	s28 =	simm.s32 $0x61F0  }
0x136: {  	[hbm4b:s26+s3] =	stream.linear.scatter [tilespmem:s28], [sflag:$0x5], $0x80, $0x38;
	[tilespmem:$0x8500] =	vst v63  }
0x137: {  	s17 =	sadd.s32 $0x70, s17;
	s29 =	simm.s32 $0x6278  }
0x138: {  	[hbm4b:s17+s3] =	stream.linear.scatter [tilespmem:s29], [sflag:$0x5], $0x80, $0x38;
	[tilespmem:$0x8500] =	vst v63  }
.Ltmp4:
0x139: {  	(pc) =	sbr.rel .LBB2_10-.Ltmp4, $4  }
0x13a: {  	_ = 	snop  }
0x13b: {  	_ =	swait.ge [sflag:s8], $0x2000  }
0x13c: {  	[sflag:s8] =	ssyncset.done $0x0  }
0x13d: {  	[sflag:s8] =	ssyncadd.s32 $0xFFFFE000  }
.LBB2_9:
0x13e: {  	_ =	swait.ge [sflag:s1], $0x80  }
0x13f: {  	[sflag:s1] =	ssyncset.done $0x0  }
0x140: {  	s17 =	simm.s32 $0x100;
	s29 =	rddreg [dreg:$0x5];
	[sflag:s1] =	ssyncadd.s32 $0xFFFFFF80  }
0x141: {  	[tilespmem:s17], [sflag:$0x3] =	stream.indirect.gather [hbm4b:s6+s20], $0x40, s3, s20, $0xb8;
	[tilespmem:$0x8500] =	vst v63  }
.Ltmp5:
0x142: {  	s17 =	sadd.s32 s21, s29;
	(pc) =	sbr.rel @p0 .LBB2_11-.Ltmp5, $4  }
0x143: {  	_ =	swait.ge [sflag:s8], $0x2000;
	s17 =	sshll.u32 s17, $0x4  }
0x144: {  	[sflag:s8] =	ssyncset.done $0x0;
	s17 =	sand.u32 $0xFFFFFF0, s17  }
0x145: {  	[sflag:s8] =	ssyncadd.s32 $0xFFFFE000;
	s17 =	sadd.s32 s4, s17  }
0x146: {  	[tilespmem:s20], [sflag:$0x2] =	stream.linear.gather [hbm4b:s17+s3], $0x80, $0x38;
	[tilespmem:$0x8500] =	vst v63  }
.LBB2_10:
0x147: {  	_ =	swait.ge [sflag:s18], $0x400  }
0x148: {  	[sflag:s18] =	ssyncset.done $0x0  }
0x149: {  	[sflag:s18] =	ssyncadd.s32 $0xFFFFFC00  }
0x14a: {  	_ =	swait.ge [sflag:s18], $0x400  }
0x14b: {  	[sflag:s18] =	ssyncset.done $0x0  }
0x14c: {  	[sflag:s18] =	ssyncadd.s32 $0xFFFFFC00  }
0x14d: {  	_ =	swait.ge [sflag:s18], $0x400  }
0x14e: {  	[sflag:s18] =	ssyncset.done $0x0  }
0x14f: {  	[sflag:s18] =	ssyncadd.s32 $0xFFFFFC00  }
0x150: {  	_ =	swait.ge [sflag:s18], $0x400  }
0x151: {  	[sflag:s18] =	ssyncset.done $0x0  }
0x152: {  	[sflag:s18] =	ssyncadd.s32 $0xFFFFFC00  }
0x153: {  	_ =	swait.ge [sflag:s18], $0x400  }
0x154: {  	[sflag:s18] =	ssyncset.done $0x0  }
0x155: {  	[sflag:s18] =	ssyncadd.s32 $0xFFFFFC00  }
0x156: {  	_ =	swait.ge [sflag:s18], $0x400  }
0x157: {  	[sflag:s18] =	ssyncset.done $0x0  }
0x158: {  	[sflag:s18] =	ssyncadd.s32 $0xFFFFFC00  }
0x159: {  	_ =	swait.ge [sflag:s18], $0x400  }
0x15a: {  	[sflag:s18] =	ssyncset.done $0x0  }
0x15b: {  	[sflag:s18] =	ssyncadd.s32 $0xFFFFFC00  }
0x15c: {  	_ =	swait.ge [sflag:s18], $0x400  }
0x15d: {  	[sflag:s18] =	ssyncset.done $0x0  }
0x15e: {  	[sflag:s18] =	ssyncadd.s32 $0xFFFFFC00  }
.LBB2_11:
0x15f: {  	s17 =	simm.s32 $0x0;
	s26 =	simm.s32 $0x1;
	s21 =	simm.s32 $0x2  }
0x160: {  	s23 =	simm.s32 $0x3;
	s28 =	simm.s32 $0x4;
	s29 =	simm.s32 $0x7;
	v1 =	vmov s17;
	v4 =	vmov s26;
	v37 =	vmov s21  }
0x161: {  	v38 =	vmov s23;
	v39 =	vmov s28;
	v40 =	vmov s29  }
0x162: {  	v1 =	vshrl.u32 v1, $0x3;
	v4 =	vshrl.u32 v4, $0x3;
	v37 =	vshrl.u32 v37, $0x3  }
0x163: {  	s23 =	simm.s32 $0x5;
	s26 =	simm.s32 $0x6;
	v40 =	vshrl.u32 v40, $0x3;
	v38 =	vshrl.u32 v38, $0x3;
	v39 =	vshrl.u32 v39, $0x3  }
0x164: {  	v59 =	vmov s23;
	v62 =	vmov s26;
	v40 =	vshll.u32 v40, v2  }
0x165: {  	v1 =	vshll.u32 v1, v2;
	v4 =	vshll.u32 v4, v2;
	v42 =	vbroadcast v40, $0x0  }
0x166: {  	s17 =	simm.s32 $0x22C0;
	v41 =	vshll.u32 v37, v2;
	v38 =	vshll.u32 v38, v2;
	v37 =	vbroadcast v1, $0x0  }
0x167: {  	v43 =	vshll.u32 v39, v2;
	v1 =	vld.idx.msk [tilespmem:v0+s17+$0x0], $0xffff;
	v4 =	vbroadcast v4, $0x0;
	v45 =	vadd.s32 v35, v42  }
0x168: {  	v44 =	vld.idx.msk [tilespmem:v0+s17+$0xFFFFFE40], $0xffff;
	v60 =	vshrl.u32 v59, $0x3;
	v56 =	vbroadcast v41, $0x0;
	v46 =	vadd.s32 v6, v37  }
0x169: {  	v47 =	vld.idx.msk [tilespmem:v0+s17+$0xFFFFFE80], $0xffff;
	v63 =	vshrl.u32 v62, $0x3;
	v39 =	vbroadcast v38, $0x0;
	v48 =	vadd.s32 v11, v4  }
0x16a: {  	v49 =	vld.idx.msk [tilespmem:v0+s17+$0xFFFFFEC0], $0xffff;
	v40 =	vbroadcast v43, $0x0;
	v41 =	vshll.u32 v63, v2;
	v50 =	vadd.s32 v15, v56  }
0x16b: {  	v51 =	vld.idx.msk [tilespmem:v0+s17+$0xFFFFFF00], $0xffff;
	v61 =	vshll.u32 v60, v2;
	v41 =	vbroadcast v41, $0x0;
	v52 =	vadd.s32 v19, v39  }
0x16c: {  	v53 =	vld.idx.msk [tilespmem:v0+s17+$0xFFFFFF40], $0xffff;
	v38 =	vbroadcast v61, $0x0;
	v33 =	vadd.s32 v23, v40;
	[tilespmem:v45+s7+$0x0] =	vst.idx.msk $0xffff, v1  }
0x16d: {  	v57 =	vld.idx.msk [tilespmem:v0+s17+$0xFFFFFFC0], $0xffff;
	v59 =	vadd.s32 v31, v41;
	[tilespmem:v46+s7+$0x0] =	vst.idx.msk $0xffff, v44  }
0x16e: {  	v54 =	vld.idx.msk [tilespmem:v0+s17+$0xFFFFFF80], $0xffff;
	v1 =	vadd.s32 v27, v38;
	[tilespmem:v48+s7+$0x0] =	vst.idx.msk $0xffff, v47  }
0x16f: {  	v58 =	vadd.s32 v36, v42;
	[tilespmem:v50+s7+$0x0] =	vst.idx.msk $0xffff, v49;
	v34 =	vld.idx.msk [tilespmem:v3+s17+$0x0], $0xffff  }
0x170: {  	v60 =	vadd.s32 v12, v4;
	[tilespmem:v52+s7+$0x0] =	vst.idx.msk $0xffff, v51;
	v47 =	vld.idx.msk [tilespmem:v3+s17+$0xFFFFFE80], $0xffff  }
0x171: {  	v61 =	vadd.s32 v16, v56;
	[tilespmem:v33+s7+$0x0] =	vst.idx.msk $0xffff, v53;
	v50 =	vld.idx.msk [tilespmem:v3+s17+$0xFFFFFEC0], $0xffff  }
0x172: {  	v62 =	vadd.s32 v20, v39;
	v52 =	vld.idx.msk [tilespmem:v3+s17+$0xFFFFFF00], $0xffff;
	[tilespmem:v59+s7+$0x0] =	vst.idx.msk $0xffff, v57  }
0x173: {  	v49 =	vadd.s32 v32, v41;
	v46 =	vld.idx.msk [tilespmem:v3+s17+$0xFFFFFFC0], $0xffff;
	[tilespmem:v1+s7+$0x0] =	vst.idx.msk $0xffff, v54  }
0x174: {  	v53 =	vld.idx.msk [tilespmem:v3+s17+$0xFFFFFF40], $0xffff;
	v1 =	vadd.s32 v24, v40;
	[tilespmem:v58+s7+$0x0] =	vst.idx.msk $0xffff, v34  }
0x175: {  	v63 =	vadd.s32 v28, v38;
	v54 =	vld.idx.msk [tilespmem:v3+s17+$0xFFFFFF80], $0xffff;
	[tilespmem:v60+s7+$0x0] =	vst.idx.msk $0xffff, v47  }
0x176: {  	v48 =	vld.idx.msk [tilespmem:v3+s17+$0xFFFFFE40], $0xffff;
	[tilespmem:v61+s7+$0x0] =	vst.idx.msk $0xffff, v50;
	v50 =	vadd.s32 v8, v37  }
0x177: {  	v47 =	vadd.s32 v14, v42;
	[tilespmem:v62+s7+$0x0] =	vst.idx.msk $0xffff, v52;
	v45 =	vld.idx.msk [tilespmem:v5+s17+$0x0], $0xffff  }
0x178: {  	v43 =	vadd.s32 v13, v4;
	v51 =	vld.idx.msk [tilespmem:v5+s17+$0xFFFFFE80], $0xffff;
	[tilespmem:v49+s7+$0x0] =	vst.idx.msk $0xffff, v46  }
0x179: {  	v33 =	vadd.s32 v17, v56;
	v55 =	vld.idx.msk [tilespmem:v5+s17+$0xFFFFFEC0], $0xffff;
	[tilespmem:v1+s7+$0x0] =	vst.idx.msk $0xffff, v53  }
0x17a: {  	v58 =	vld.idx.msk [tilespmem:v5+s17+$0xFFFFFF00], $0xffff;
	[tilespmem:v63+s7+$0x0] =	vst.idx.msk $0xffff, v54  }
0x17b: {  	v59 =	vadd.s32 v21, v39;
	v49 =	vld.idx.msk [tilespmem:v5+s17+$0xFFFFFFC0], $0xffff;
	[tilespmem:v50+s7+$0x0] =	vst.idx.msk $0xffff, v48  }
0x17c: {  	v60 =	vld.idx.msk [tilespmem:v5+s17+$0xFFFFFF40], $0xffff;
	[tilespmem:v47+s7+$0x0] =	vst.idx.msk $0xffff, v45  }
0x17d: {  	s21 =	simm.s32 $0x8;
	v48 =	vld.idx.msk [tilespmem:v5+s17+$0xFFFFFF80], $0xffff;
	[tilespmem:v43+s7+$0x0] =	vst.idx.msk $0xffff, v51  }
0x17e: {  	s28 =	simm.s32 $0x9;
	s26 =	simm.s32 $0xB;
	v1 =	vmov s21;
	[tilespmem:v33+s7+$0x0] =	vst.idx.msk $0xffff, v55;
	v62 =	vld.idx.msk [tilespmem:v7+s17+$0x0], $0xffff  }
0x17f: {  	v57 =	vmov s26;
	v34 =	vmov s28;
	s28 =	simm.s32 $0xC;
	v1 =	vshrl.u32 v1, $0x3;
	v33 =	vld [tilespmem:$0x1FFD0]  }
0x180: {  	v61 =	vadd.s32 v25, v40;
	v44 =	vshll.u32 v1, v2;
	v1 =	vmov s28;
	v9 =	vld [tilespmem:$0x1FF50];
	[tilespmem:v59+s7+$0x0] =	vst.idx.msk $0xffff, v58  }
0x181: {  	v46 =	vshrl.u32 v57, $0x3;
	v63 =	vadd.s32 v18, v42;
	v57 =	vshrl.u32 v1, $0x3;
	v1 =	vld [tilespmem:$0x1FF70]  }
0x182: {  	v51 =	vld.idx.msk [tilespmem:v5+s17+$0xFFFFFE40], $0xffff  }
0x183: {  	v50 =	vld.idx.msk [tilespmem:v7+s17+$0xFFFFFE80], $0xffff  }
0x184: {  	v42 =	vshrl.u32 v34, $0x3;
	v43 =	vld.idx.msk [tilespmem:v7+s17+$0xFFFFFEC0], $0xffff  }
0x185: {  	v47 =	vshll.u32 v42, v2;
	v42 =	vld.idx.msk [tilespmem:v7+s17+$0xFFFFFF00], $0xffff;
	[tilespmem:v61+s7+$0x0] =	vst.idx.msk $0xffff, v60  }
0x186: {  	v53 =	vadd.s32 v1, v4;
	v1 =	vld [tilespmem:$0x1FF80];
	[tilespmem:v63+s7+$0x0] =	vst.idx.msk $0xffff, v62  }
0x187: {  	v22 =	vld [tilespmem:$0x1FF90]  }
0x188: {  	s29 =	simm.s32 $0xA;
	v52 =	vadd.s32 v29, v38;
	v26 =	vld [tilespmem:$0x1FFA0]  }
0x189: {  	v54 =	vmov s29;
	v55 =	vadd.s32 v33, v41;
	v30 =	vld [tilespmem:$0x1FFC0]  }
0x18a: {  	v46 =	vshll.u32 v46, v2;
	s29 =	simm.s32 $0xD;
	v45 =	vshrl.u32 v54, $0x3;
	v54 =	vadd.s32 v9, v37;
	v10 =	vld [tilespmem:$0x1FF60]  }
0x18b: {  	s23 =	simm.s32 $0x10;
	s26 =	simm.s32 $0xF;
	v45 =	vshll.u32 v45, v2;
	v58 =	vmov s29;
	v34 =	vld [tilespmem:$0x1FFE0];
	v56 =	vadd.s32 v1, v56  }
.LBB2_12:
0x18c: {  	v1 =	vshll.u32 v57, v2  }
0x18d: {  	v4 =	vmov s26;
	v39 =	vadd.s32 v22, v39;
	v60 =	vld.idx.msk [tilespmem:v7+s17+$0xFFFFFF40], $0xffff;
	v40 =	vadd.s32 v26, v40;
	[tilespmem:v52+s7+$0x0] =	vst.idx.msk $0xffff, v48  }
0x18e: {  	v38 =	vadd.s32 v30, v38;
	v4 =	vshrl.u32 v4, $0x3;
	[tilespmem:v55+s7+$0x0] =	vst.idx.msk $0xffff, v49;
	v52 =	vld.idx.msk [tilespmem:v7+s17+$0xFFFFFF80], $0xffff  }
0x18f: {  	v44 =	vbroadcast v44, $0x0;
	v4 =	vshll.u32 v4, v2;
	[tilespmem:v54+s7+$0x0] =	vst.idx.msk $0xffff, v51;
	v49 =	vld.idx.msk [tilespmem:v7+s17+$0xFFFFFFC0], $0xffff  }
0x190: {  	v41 =	vadd.s32 v34, v41;
	v4 =	vbroadcast v4, $0x0;
	[tilespmem:v53+s7+$0x0] =	vst.idx.msk $0xffff, v50;
	v51 =	vld.idx.msk [tilespmem:v7+s17+$0xFFFFFE40], $0xffff;
	s17 =	sadd.s32 $0x200, s17  }
0x191: {  	v62 =	vadd.s32 v10, v37;
	v37 =	vmov v44;
	[tilespmem:v56+s7+$0x0] =	vst.idx.msk $0xffff, v43;
	v43 =	vbroadcast v47, $0x0;
	v50 =	vld.idx.msk [tilespmem:v0+s17+$0x0], $0xffff  }
0x192: {  	v44 =	vadd.s32 v6, v37;
	v63 =	vadd.s32 v35, v4;
	[tilespmem:v39+s7+$0x0] =	vst.idx.msk $0xffff, v42;
	v54 =	vld.idx.msk [tilespmem:v0+s17+$0xFFFFFE40], $0xffff  }
0x193: {  	v61 =	vshrl.u32 v58, $0x3;
	v42 =	vbroadcast v45, $0x0;
	[tilespmem:v40+s7+$0x0] =	vst.idx.msk $0xffff, v60;
	v55 =	vld.idx.msk [tilespmem:v0+s17+$0xFFFFFE80], $0xffff;
	v45 =	vadd.s32 v11, v43  }
0x194: {  	v48 =	vshll.u32 v61, v2;
	v39 =	vbroadcast v46, $0x0;
	v56 =	vld.idx.msk [tilespmem:v0+s17+$0xFFFFFEC0], $0xffff;
	[tilespmem:v38+s7+$0x0] =	vst.idx.msk $0xffff, v52  }
0x195: {  	s29 =	sadd.s32 $0x6, s21;
	v40 =	vbroadcast v1, $0x0;
	v60 =	vld.idx.msk [tilespmem:v0+s17+$0xFFFFFF00], $0xffff;
	v46 =	vadd.s32 v15, v42;
	[tilespmem:v41+s7+$0x0] =	vst.idx.msk $0xffff, v49  }
0x196: {  	v1 =	vmov s29;
	v57 =	vld.idx.msk [tilespmem:v0+s17+$0xFFFFFF40], $0xffff;
	v61 =	vadd.s32 v19, v39;
	v38 =	vbroadcast v48, $0x0;
	[tilespmem:v62+s7+$0x0] =	vst.idx.msk $0xffff, v51  }
0x197: {  	v1 =	vshrl.u32 v1, $0x3;
	v62 =	vadd.s32 v23, v40;
	v51 =	vld.idx.msk [tilespmem:v0+s17+$0xFFFFFF80], $0xffff;
	[tilespmem:v63+s7+$0x0] =	vst.idx.msk $0xffff, v50  }
0x198: {  	v1 =	vshll.u32 v1, v2;
	[tilespmem:v45+s7+$0x0] =	vst.idx.msk $0xffff, v55;
	v45 =	vld.idx.msk [tilespmem:v0+s17+$0xFFFFFFC0], $0xffff;
	v63 =	vadd.s32 v27, v38  }
0x199: {  	v58 =	vadd.s32 v12, v43;
	v41 =	vbroadcast v1, $0x0;
	[tilespmem:v44+s7+$0x0] =	vst.idx.msk $0xffff, v54;
	v50 =	vld.idx.msk [tilespmem:v3+s17+$0xFFFFFE80], $0xffff  }
0x19a: {  	v47 =	vadd.s32 v36, v4;
	v1 =	vld.idx.msk [tilespmem:v3+s17+$0x0], $0xffff;
	[tilespmem:v46+s7+$0x0] =	vst.idx.msk $0xffff, v56  }
0x19b: {  	v46 =	vadd.s32 v31, v41;
	[tilespmem:v61+s7+$0x0] =	vst.idx.msk $0xffff, v60;
	v59 =	vld.idx.msk [tilespmem:v3+s17+$0xFFFFFEC0], $0xffff  }
0x19c: {  	v60 =	vadd.s32 v16, v42;
	v52 =	vld.idx.msk [tilespmem:v3+s17+$0xFFFFFF00], $0xffff;
	[tilespmem:v62+s7+$0x0] =	vst.idx.msk $0xffff, v57  }
0x19d: {  	v61 =	vadd.s32 v20, v39;
	v62 =	vld.idx.msk [tilespmem:v3+s17+$0xFFFFFF40], $0xffff;
	[tilespmem:v63+s7+$0x0] =	vst.idx.msk $0xffff, v51  }
0x19e: {  	v63 =	vadd.s32 v24, v40;
	[tilespmem:v58+s7+$0x0] =	vst.idx.msk $0xffff, v50;
	v50 =	vld.idx.msk [tilespmem:v3+s17+$0xFFFFFE40], $0xffff  }
0x19f: {  	[tilespmem:v47+s7+$0x0] =	vst.idx.msk $0xffff, v1;
	v1 =	vadd.s32 v28, v38;
	v51 =	vld.idx.msk [tilespmem:v3+s17+$0xFFFFFF80], $0xffff  }
0x1a0: {  	[tilespmem:v46+s7+$0x0] =	vst.idx.msk $0xffff, v45;
	v47 =	vadd.s32 v14, v4;
	v45 =	vld.idx.msk [tilespmem:v5+s17+$0x0], $0xffff  }
0x1a1: {  	v49 =	vadd.s32 v32, v41;
	v46 =	vld.idx.msk [tilespmem:v3+s17+$0xFFFFFFC0], $0xffff;
	[tilespmem:v60+s7+$0x0] =	vst.idx.msk $0xffff, v59  }
0x1a2: {  	v54 =	vld.idx.msk [tilespmem:v5+s17+$0xFFFFFE80], $0xffff;
	[tilespmem:v61+s7+$0x0] =	vst.idx.msk $0xffff, v52;
	v52 =	vadd.s32 v13, v43  }
0x1a3: {  	v59 =	vadd.s32 v21, v39;
	v58 =	vld.idx.msk [tilespmem:v5+s17+$0xFFFFFF00], $0xffff;
	[tilespmem:v63+s7+$0x0] =	vst.idx.msk $0xffff, v62  }
0x1a4: {  	v61 =	vadd.s32 v25, v40;
	[tilespmem:v1+s7+$0x0] =	vst.idx.msk $0xffff, v51;
	v60 =	vld.idx.msk [tilespmem:v5+s17+$0xFFFFFF40], $0xffff  }
0x1a5: {  	v53 =	vadd.s32 v8, v37;
	v56 =	vld.idx.msk [tilespmem:v5+s17+$0xFFFFFEC0], $0xffff;
	[tilespmem:v47+s7+$0x0] =	vst.idx.msk $0xffff, v45  }
0x1a6: {  	v48 =	vmov s23;
	v55 =	vadd.s32 v17, v42;
	[tilespmem:v49+s7+$0x0] =	vst.idx.msk $0xffff, v46;
	v62 =	vld.idx.msk [tilespmem:v7+s17+$0x0], $0xffff  }
0x1a7: {  	v1 =	vshrl.u32 v48, $0x3;
	[tilespmem:v52+s7+$0x0] =	vst.idx.msk $0xffff, v54;
	v48 =	vld.idx.msk [tilespmem:v5+s17+$0xFFFFFF80], $0xffff  }
0x1a8: {  	s28 =	sadd.s32 $0x1, s23;
	s29 =	sadd.s32 $0x2, s23;
	v4 =	vadd.s32 v18, v4;
	[tilespmem:v59+s7+$0x0] =	vst.idx.msk $0xffff, v58;
	v59 =	vld [tilespmem:$0x1FF70]  }
0x1a9: {  	p0 =	slt.u32 s23, $0x78;
	v51 =	vmov s28;
	s28 =	sadd.s32 $0x3, s23;
	v45 =	vmov s29;
	v52 =	vadd.s32 v29, v38;
	[tilespmem:v61+s7+$0x0] =	vst.idx.msk $0xffff, v60;
	v60 =	vld [tilespmem:$0x1FF80]  }
.Ltmp6:
0x1aa: {  	[tilespmem:v53+s7+$0x0] =	vst.idx.msk $0xffff, v50;
	v54 =	vadd.s32 v9, v37;
	v57 =	vmov s28;
	v44 =	vshll.u32 v1, v2;
	v49 =	vld.idx.msk [tilespmem:v5+s17+$0xFFFFFFC0], $0xffff;
	(pc) =	sbr.rel @p0 .LBB2_12-.Ltmp6, $4  }
0x1ab: {  	s28 =	sadd.s32 $0x4, s23;
	v46 =	vshrl.u32 v51, $0x3;
	v45 =	vshrl.u32 v45, $0x3;
	v51 =	vld.idx.msk [tilespmem:v5+s17+$0xFFFFFE40], $0xffff;
	[tilespmem:v55+s7+$0x0] =	vst.idx.msk $0xffff, v56;
	v55 =	vadd.s32 v33, v41  }
0x1ac: {  	v50 =	vld.idx.msk [tilespmem:v7+s17+$0xFFFFFE80], $0xffff;
	v1 =	vmov s28;
	v63 =	vshrl.u32 v57, $0x3;
	v47 =	vshll.u32 v46, v2  }
0x1ad: {  	s21 =	smov.u32 s23;
	s29 =	sadd.s32 $0x5, s23;
	v45 =	vshll.u32 v45, v2;
	v57 =	vshrl.u32 v1, $0x3;
	v53 =	vadd.s32 v59, v43;
	v43 =	vld.idx.msk [tilespmem:v7+s17+$0xFFFFFEC0], $0xffff  }
0x1ae: {  	s26 =	sadd.s32 $0x7, s21;
	v58 =	vmov s29;
	s23 =	sadd.s32 $0x8, s23;
	v46 =	vshll.u32 v63, v2;
	[tilespmem:v4+s7+$0x0] =	vst.idx.msk $0xffff, v62;
	v56 =	vadd.s32 v60, v42;
	v42 =	vld.idx.msk [tilespmem:v7+s17+$0xFFFFFF00], $0xffff  }
0x1af: {  	_ =	sdelay $0x3  }
0x1b0: {  	v1 =	vmov s26;
	v4 =	vshll.u32 v57, v2;
	v39 =	vadd.s32 v22, v39;
	[tilespmem:v52+s7+$0x0] =	vst.idx.msk $0xffff, v48  }
0x1b1: {  	v63 =	vld.idx.msk [tilespmem:v7+s17+$0xFFFFFF40], $0xffff;
	v57 =	vshrl.u32 v58, $0x3;
	v40 =	vadd.s32 v26, v40;
	[tilespmem:v55+s7+$0x0] =	vst.idx.msk $0xffff, v49;
	v1 =	vshrl.u32 v1, $0x3  }
0x1b2: {  	v38 =	vadd.s32 v30, v38;
	v58 =	vld.idx.msk [tilespmem:v7+s17+$0xFFFFFF80], $0xffff;
	[tilespmem:v54+s7+$0x0] =	vst.idx.msk $0xffff, v51;
	v1 =	vshll.u32 v1, v2  }
0x1b3: {  	v41 =	vadd.s32 v34, v41;
	v61 =	vld.idx.msk [tilespmem:v7+s17+$0xFFFFFFC0], $0xffff;
	[tilespmem:v53+s7+$0x0] =	vst.idx.msk $0xffff, v50;
	v1 =	vbroadcast v1, $0x0  }
0x1b4: {  	v44 =	vbroadcast v44, $0x0;
	s26 =	sadd.s32 $0x200, s17;
	v37 =	vadd.s32 v10, v37;
	v62 =	vld.idx.msk [tilespmem:v7+s17+$0xFFFFFE40], $0xffff;
	[tilespmem:v56+s7+$0x0] =	vst.idx.msk $0xffff, v43  }
0x1b5: {  	v47 =	vbroadcast v47, $0x0;
	v43 =	vld.idx.msk [tilespmem:v0+s26+$0x0], $0xffff;
	v53 =	vadd.s32 v35, v1;
	[tilespmem:v39+s7+$0x0] =	vst.idx.msk $0xffff, v42  }
0x1b6: {  	v45 =	vbroadcast v45, $0x0;
	v46 =	vbroadcast v46, $0x0;
	v39 =	vld.idx.msk [tilespmem:v0+s26+$0xFFFFFE40], $0xffff;
	v42 =	vadd.s32 v6, v44;
	[tilespmem:v40+s7+$0x0] =	vst.idx.msk $0xffff, v63  }
0x1b7: {  	v52 =	vshll.u32 v57, v2;
	v48 =	vadd.s32 v11, v47;
	v40 =	vld.idx.msk [tilespmem:v0+s26+$0xFFFFFE80], $0xffff;
	[tilespmem:v38+s7+$0x0] =	vst.idx.msk $0xffff, v58  }
0x1b8: {  	s21 =	sadd.s32 $0x6, s21;
	v4 =	vbroadcast v4, $0x0;
	v49 =	vadd.s32 v15, v45;
	v38 =	vld.idx.msk [tilespmem:v0+s26+$0xFFFFFEC0], $0xffff;
	[tilespmem:v41+s7+$0x0] =	vst.idx.msk $0xffff, v61  }
0x1b9: {  	v57 =	vld.idx.msk [tilespmem:v0+s26+$0xFFFFFF00], $0xffff;
	v52 =	vbroadcast v52, $0x0;
	v63 =	vmov s21;
	v58 =	vadd.s32 v19, v46;
	[tilespmem:v37+s7+$0x0] =	vst.idx.msk $0xffff, v62  }
0x1ba: {  	v54 =	vshrl.u32 v63, $0x3;
	v61 =	vld.idx.msk [tilespmem:v0+s26+$0xFFFFFF40], $0xffff;
	v62 =	vadd.s32 v23, v4;
	[tilespmem:v53+s7+$0x0] =	vst.idx.msk $0xffff, v43  }
0x1bb: {  	v63 =	vadd.s32 v27, v52;
	v54 =	vshll.u32 v54, v2;
	v43 =	vld.idx.msk [tilespmem:v0+s26+$0xFFFFFF80], $0xffff;
	[tilespmem:v42+s7+$0x0] =	vst.idx.msk $0xffff, v39  }
0x1bc: {  	v42 =	vbroadcast v54, $0x0;
	[tilespmem:v48+s7+$0x0] =	vst.idx.msk $0xffff, v40;
	v40 =	vadd.s32 v36, v1;
	v53 =	vld.idx.msk [tilespmem:v3+s26+$0x0], $0xffff  }
0x1bd: {  	v54 =	vadd.s32 v12, v47;
	[tilespmem:v49+s7+$0x0] =	vst.idx.msk $0xffff, v38;
	v49 =	vld.idx.msk [tilespmem:v3+s26+$0xFFFFFE80], $0xffff  }
0x1be: {  	v48 =	vld.idx.msk [tilespmem:v0+s26+$0xFFFFFFC0], $0xffff;
	[tilespmem:v58+s7+$0x0] =	vst.idx.msk $0xffff, v57;
	v38 =	vadd.s32 v31, v42  }
0x1bf: {  	v58 =	vadd.s32 v16, v45;
	v57 =	vld.idx.msk [tilespmem:v3+s26+$0xFFFFFEC0], $0xffff;
	[tilespmem:v62+s7+$0x0] =	vst.idx.msk $0xffff, v61  }
0x1c0: {  	v61 =	vld.idx.msk [tilespmem:v3+s26+$0xFFFFFF00], $0xffff;
	v62 =	vadd.s32 v20, v46;
	[tilespmem:v63+s7+$0x0] =	vst.idx.msk $0xffff, v43  }
0x1c1: {  	v39 =	vld.idx.msk [tilespmem:v3+s26+$0xFFFFFF40], $0xffff;
	v63 =	vadd.s32 v24, v4;
	[tilespmem:v40+s7+$0x0] =	vst.idx.msk $0xffff, v53  }
0x1c2: {  	v40 =	vld.idx.msk [tilespmem:v3+s26+$0xFFFFFF80], $0xffff;
	v53 =	vadd.s32 v28, v52;
	[tilespmem:v54+s7+$0x0] =	vst.idx.msk $0xffff, v49  }
0x1c3: {  	[tilespmem:v38+s7+$0x0] =	vst.idx.msk $0xffff, v48;
	v38 =	vld.idx.msk [tilespmem:v5+s26+$0x0], $0xffff;
	v48 =	vadd.s32 v14, v1  }
0x1c4: {  	v51 =	vld.idx.msk [tilespmem:v3+s26+$0xFFFFFE40], $0xffff;
	[tilespmem:v58+s7+$0x0] =	vst.idx.msk $0xffff, v57;
	v58 =	vadd.s32 v8, v44  }
0x1c5: {  	[tilespmem:v62+s7+$0x0] =	vst.idx.msk $0xffff, v61;
	v61 =	vld.idx.msk [tilespmem:v5+s26+$0xFFFFFE80], $0xffff;
	v62 =	vadd.s32 v13, v47  }
0x1c6: {  	v57 =	vadd.s32 v32, v42;
	v49 =	vld.idx.msk [tilespmem:v3+s26+$0xFFFFFFC0], $0xffff;
	[tilespmem:v63+s7+$0x0] =	vst.idx.msk $0xffff, v39  }
0x1c7: {  	v39 =	vld.idx.msk [tilespmem:v5+s26+$0xFFFFFEC0], $0xffff;
	v63 =	vadd.s32 v17, v45;
	[tilespmem:v53+s7+$0x0] =	vst.idx.msk $0xffff, v40  }
0x1c8: {  	v40 =	vld.idx.msk [tilespmem:v5+s26+$0xFFFFFF00], $0xffff;
	v53 =	vadd.s32 v21, v46;
	[tilespmem:v48+s7+$0x0] =	vst.idx.msk $0xffff, v38  }
0x1c9: {  	v56 =	vadd.s32 v25, v4;
	v38 =	vld.idx.msk [tilespmem:v5+s26+$0xFFFFFF40], $0xffff;
	[tilespmem:v58+s7+$0x0] =	vst.idx.msk $0xffff, v51  }
0x1ca: {  	v58 =	vld.idx.msk [tilespmem:v5+s26+$0xFFFFFF80], $0xffff;
	[tilespmem:v62+s7+$0x0] =	vst.idx.msk $0xffff, v61;
	v61 =	vadd.s32 v29, v52  }
0x1cb: {  	v1 =	vadd.s32 v18, v1;
	[tilespmem:v57+s7+$0x0] =	vst.idx.msk $0xffff, v49;
	v57 =	vld.idx.msk [tilespmem:v7+s26+$0x0], $0xffff  }
0x1cc: {  	v47 =	vadd.s32 v59, v47;
	v55 =	vld.idx.msk [tilespmem:v7+s26+$0xFFFFFE80], $0xffff;
	[tilespmem:v63+s7+$0x0] =	vst.idx.msk $0xffff, v39  }
0x1cd: {  	v62 =	vld.idx.msk [tilespmem:v5+s26+$0xFFFFFFC0], $0xffff;
	v63 =	vadd.s32 v33, v42;
	[tilespmem:v53+s7+$0x0] =	vst.idx.msk $0xffff, v40  }
0x1ce: {  	v54 =	vadd.s32 v9, v44;
	v33 =	vld.idx.msk [tilespmem:v5+s26+$0xFFFFFE40], $0xffff;
	[tilespmem:v56+s7+$0x0] =	vst.idx.msk $0xffff, v38  }
0x1cf: {  	v45 =	vadd.s32 v60, v45;
	v56 =	vld.idx.msk [tilespmem:v7+s26+$0xFFFFFEC0], $0xffff;
	[tilespmem:v61+s7+$0x0] =	vst.idx.msk $0xffff, v58  }
0x1d0: {  	[tilespmem:v1+s7+$0x0] =	vst.idx.msk $0xffff, v57;
	v1 =	vld.idx.msk [tilespmem:v7+s26+$0xFFFFFF00], $0xffff;
	v57 =	vadd.s32 v22, v46  }
0x1d1: {  	v4 =	vadd.s32 v26, v4;
	v58 =	vld.idx.msk [tilespmem:v7+s26+$0xFFFFFF40], $0xffff;
	[tilespmem:v47+s7+$0x0] =	vst.idx.msk $0xffff, v55  }
0x1d2: {  	v60 =	vadd.s32 v30, v52;
	v59 =	vld.idx.msk [tilespmem:v7+s26+$0xFFFFFF80], $0xffff;
	[tilespmem:v63+s7+$0x0] =	vst.idx.msk $0xffff, v62  }
0x1d3: {  	[tilespmem:v54+s7+$0x0] =	vst.idx.msk $0xffff, v33;
	v62 =	vadd.s32 v34, v42;
	v61 =	vld.idx.msk [tilespmem:v7+s26+$0xFFFFFFC0], $0xffff  }
0x1d4: {  	v44 =	vadd.s32 v10, v44;
	v63 =	vld.idx.msk [tilespmem:v7+s26+$0xFFFFFE40], $0xffff;
	[tilespmem:v45+s7+$0x0] =	vst.idx.msk $0xffff, v56  }
0x1d5: {  	s28 =	sadd.s32 s5, s19;
	[tilespmem:v57+s7+$0x0] =	vst.idx.msk $0xffff, v1  }
0x1d6: {  	s19 =	sshll.u32 s28, $0xA;
	s17 =	sshll.u32 s28, $0x7;
	[tilespmem:v4+s7+$0x0] =	vst.idx.msk $0xffff, v58  }
0x1d7: {  	s19 =	sand.u32 $0xFFE0000, s19;
	s17 =	sand.u32 $0x3F80, s17;
	[tilespmem:v60+s7+$0x0] =	vst.idx.msk $0xffff, v59  }
0x1d8: {  	s17 =	sor.u32 s17, s19;
	[tilespmem:v62+s7+$0x0] =	vst.idx.msk $0xffff, v61  }
0x1d9: {  	s19 =	sadd.s32 s2, s17;
	[tilespmem:v44+s7+$0x0] =	vst.idx.msk $0xffff, v63  }
0x1da: {  	[hbm4b:s19+s3] =	stream.linear.scatter [tilespmem:s7], [sflag:$0x6], $0x80, $0x38;
	[tilespmem:$0x8500] =	vst v63  }
0x1db: {  	s23 =	simm.s32 $0x6388;
	s29 =	sadd.s32 $0x10, s19  }
0x1dc: {  	[hbm4b:s29+s3] =	stream.linear.scatter [tilespmem:s23], [sflag:$0x6], $0x80, $0x38;
	[tilespmem:$0x8500] =	vst v63  }
0x1dd: {  	s26 =	simm.s32 $0x6410;
	s23 =	sadd.s32 $0x20, s19  }
0x1de: {  	[hbm4b:s23+s3] =	stream.linear.scatter [tilespmem:s26], [sflag:$0x6], $0x80, $0x38;
	[tilespmem:$0x8500] =	vst v63  }
0x1df: {  	s28 =	sadd.s32 $0x30, s19;
	s29 =	simm.s32 $0x6498  }
0x1e0: {  	[hbm4b:s28+s3] =	stream.linear.scatter [tilespmem:s29], [sflag:$0x6], $0x80, $0x38;
	[tilespmem:$0x8500] =	vst v63  }
0x1e1: {  	s23 =	sadd.s32 $0x40, s19;
	s26 =	simm.s32 $0x6520  }
0x1e2: {  	[hbm4b:s23+s3] =	stream.linear.scatter [tilespmem:s26], [sflag:$0x6], $0x80, $0x38;
	[tilespmem:$0x8500] =	vst v63  }
0x1e3: {  	s28 =	sadd.s32 $0x50, s19;
	s29 =	simm.s32 $0x65A8  }
0x1e4: {  	[hbm4b:s28+s3] =	stream.linear.scatter [tilespmem:s29], [sflag:$0x6], $0x80, $0x38;
	[tilespmem:$0x8500] =	vst v63  }
0x1e5: {  	s23 =	sadd.s32 $0x60, s19;
	s26 =	simm.s32 $0x6630  }
0x1e6: {  	[hbm4b:s23+s3] =	stream.linear.scatter [tilespmem:s26], [sflag:$0x6], $0x80, $0x38;
	[tilespmem:$0x8500] =	vst v63  }
0x1e7: {  	s19 =	sadd.s32 $0x70, s19;
	s28 =	simm.s32 $0x66B8  }
0x1e8: {  	[hbm4b:s19+s3] =	stream.linear.scatter [tilespmem:s28], [sflag:$0x6], $0x80, $0x38;
	[tilespmem:$0x8500] =	vst v63  }
0x1e9: {  	s29 =	simm.s32 $0x6740;
	s19 =	sadd.s32 s17, s10  }
0x1ea: {  	[hbm4b:s19+s3] =	stream.linear.scatter [tilespmem:s29], [sflag:$0x6], $0x80, $0x38;
	[tilespmem:$0x8500] =	vst v63  }
0x1eb: {  	s26 =	simm.s32 $0x67C8;
	s23 =	sadd.s32 $0x10, s19  }
0x1ec: {  	[hbm4b:s23+s3] =	stream.linear.scatter [tilespmem:s26], [sflag:$0x6], $0x80, $0x38;
	[tilespmem:$0x8500] =	vst v63  }
0x1ed: {  	s28 =	sadd.s32 $0x20, s19;
	s29 =	simm.s32 $0x6850  }
0x1ee: {  	[hbm4b:s28+s3] =	stream.linear.scatter [tilespmem:s29], [sflag:$0x6], $0x80, $0x38;
	[tilespmem:$0x8500] =	vst v63  }
0x1ef: {  	s23 =	sadd.s32 $0x30, s19;
	s26 =	simm.s32 $0x68D8  }
0x1f0: {  	[hbm4b:s23+s3] =	stream.linear.scatter [tilespmem:s26], [sflag:$0x6], $0x80, $0x38;
	[tilespmem:$0x8500] =	vst v63  }
0x1f1: {  	s28 =	sadd.s32 $0x40, s19;
	s29 =	simm.s32 $0x6960  }
0x1f2: {  	[hbm4b:s28+s3] =	stream.linear.scatter [tilespmem:s29], [sflag:$0x6], $0x80, $0x38;
	[tilespmem:$0x8500] =	vst v63  }
0x1f3: {  	s23 =	sadd.s32 $0x50, s19;
	s26 =	simm.s32 $0x69E8  }
0x1f4: {  	[hbm4b:s23+s3] =	stream.linear.scatter [tilespmem:s26], [sflag:$0x6], $0x80, $0x38;
	[tilespmem:$0x8500] =	vst v63  }
0x1f5: {  	s28 =	sadd.s32 $0x60, s19;
	s29 =	simm.s32 $0x6A70  }
0x1f6: {  	[hbm4b:s28+s3] =	stream.linear.scatter [tilespmem:s29], [sflag:$0x6], $0x80, $0x38;
	[tilespmem:$0x8500] =	vst v63  }
0x1f7: {  	s19 =	sadd.s32 $0x70, s19;
	s23 =	simm.s32 $0x6AF8  }
0x1f8: {  	[hbm4b:s19+s3] =	stream.linear.scatter [tilespmem:s23], [sflag:$0x6], $0x80, $0x38;
	[tilespmem:$0x8500] =	vst v63  }
0x1f9: {  	s26 =	simm.s32 $0x6B80;
	s19 =	sadd.s32 s17, s11  }
0x1fa: {  	[hbm4b:s19+s3] =	stream.linear.scatter [tilespmem:s26], [sflag:$0x6], $0x80, $0x38;
	[tilespmem:$0x8500] =	vst v63  }
0x1fb: {  	s29 =	simm.s32 $0x6C08;
	s28 =	sadd.s32 $0x10, s19  }
0x1fc: {  	[hbm4b:s28+s3] =	stream.linear.scatter [tilespmem:s29], [sflag:$0x6], $0x80, $0x38;
	[tilespmem:$0x8500] =	vst v63  }
0x1fd: {  	s23 =	sadd.s32 $0x20, s19;
	s26 =	simm.s32 $0x6C90  }
0x1fe: {  	[hbm4b:s23+s3] =	stream.linear.scatter [tilespmem:s26], [sflag:$0x6], $0x80, $0x38;
	[tilespmem:$0x8500] =	vst v63  }
0x1ff: {  	s28 =	sadd.s32 $0x30, s19;
	s29 =	simm.s32 $0x6D18  }
0x200: {  	[hbm4b:s28+s3] =	stream.linear.scatter [tilespmem:s29], [sflag:$0x6], $0x80, $0x38;
	[tilespmem:$0x8500] =	vst v63  }
0x201: {  	s23 =	sadd.s32 $0x40, s19;
	s26 =	simm.s32 $0x6DA0  }
0x202: {  	[hbm4b:s23+s3] =	stream.linear.scatter [tilespmem:s26], [sflag:$0x6], $0x80, $0x38;
	[tilespmem:$0x8500] =	vst v63  }
0x203: {  	s28 =	sadd.s32 $0x50, s19;
	s29 =	simm.s32 $0x6E28  }
0x204: {  	[hbm4b:s28+s3] =	stream.linear.scatter [tilespmem:s29], [sflag:$0x6], $0x80, $0x38;
	[tilespmem:$0x8500] =	vst v63  }
0x205: {  	s23 =	sadd.s32 $0x60, s19;
	s26 =	simm.s32 $0x6EB0  }
0x206: {  	[hbm4b:s23+s3] =	stream.linear.scatter [tilespmem:s26], [sflag:$0x6], $0x80, $0x38;
	[tilespmem:$0x8500] =	vst v63  }
0x207: {  	s19 =	sadd.s32 $0x70, s19;
	s28 =	simm.s32 $0x6F38  }
0x208: {  	[hbm4b:s19+s3] =	stream.linear.scatter [tilespmem:s28], [sflag:$0x6], $0x80, $0x38;
	[tilespmem:$0x8500] =	vst v63  }
0x209: {  	s29 =	simm.s32 $0x6FC0;
	s19 =	sadd.s32 s17, s12  }
0x20a: {  	[hbm4b:s19+s3] =	stream.linear.scatter [tilespmem:s29], [sflag:$0x6], $0x80, $0x38;
	[tilespmem:$0x8500] =	vst v63  }
0x20b: {  	s26 =	simm.s32 $0x7048;
	s23 =	sadd.s32 $0x10, s19  }
0x20c: {  	[hbm4b:s23+s3] =	stream.linear.scatter [tilespmem:s26], [sflag:$0x6], $0x80, $0x38;
	[tilespmem:$0x8500] =	vst v63  }
0x20d: {  	s28 =	sadd.s32 $0x20, s19;
	s29 =	simm.s32 $0x70D0  }
0x20e: {  	[hbm4b:s28+s3] =	stream.linear.scatter [tilespmem:s29], [sflag:$0x6], $0x80, $0x38;
	[tilespmem:$0x8500] =	vst v63  }
0x20f: {  	s23 =	sadd.s32 $0x30, s19;
	s26 =	simm.s32 $0x7158  }
0x210: {  	[hbm4b:s23+s3] =	stream.linear.scatter [tilespmem:s26], [sflag:$0x6], $0x80, $0x38;
	[tilespmem:$0x8500] =	vst v63  }
0x211: {  	s28 =	sadd.s32 $0x40, s19;
	s29 =	simm.s32 $0x71E0  }
0x212: {  	[hbm4b:s28+s3] =	stream.linear.scatter [tilespmem:s29], [sflag:$0x6], $0x80, $0x38;
	[tilespmem:$0x8500] =	vst v63  }
0x213: {  	s23 =	sadd.s32 $0x50, s19;
	s26 =	simm.s32 $0x7268  }
0x214: {  	[hbm4b:s23+s3] =	stream.linear.scatter [tilespmem:s26], [sflag:$0x6], $0x80, $0x38;
	[tilespmem:$0x8500] =	vst v63  }
0x215: {  	s28 =	sadd.s32 $0x60, s19;
	s29 =	simm.s32 $0x72F0  }
0x216: {  	[hbm4b:s28+s3] =	stream.linear.scatter [tilespmem:s29], [sflag:$0x6], $0x80, $0x38;
	[tilespmem:$0x8500] =	vst v63  }
0x217: {  	s19 =	sadd.s32 $0x70, s19;
	s23 =	simm.s32 $0x7378  }
0x218: {  	[hbm4b:s19+s3] =	stream.linear.scatter [tilespmem:s23], [sflag:$0x6], $0x80, $0x38;
	[tilespmem:$0x8500] =	vst v63  }
0x219: {  	s26 =	simm.s32 $0x7400;
	s19 =	sadd.s32 s17, s13  }
0x21a: {  	[hbm4b:s19+s3] =	stream.linear.scatter [tilespmem:s26], [sflag:$0x6], $0x80, $0x38;
	[tilespmem:$0x8500] =	vst v63  }
0x21b: {  	s29 =	simm.s32 $0x7488;
	s28 =	sadd.s32 $0x10, s19  }
0x21c: {  	[hbm4b:s28+s3] =	stream.linear.scatter [tilespmem:s29], [sflag:$0x6], $0x80, $0x38;
	[tilespmem:$0x8500] =	vst v63  }
0x21d: {  	s23 =	sadd.s32 $0x20, s19;
	s26 =	simm.s32 $0x7510  }
0x21e: {  	[hbm4b:s23+s3] =	stream.linear.scatter [tilespmem:s26], [sflag:$0x6], $0x80, $0x38;
	[tilespmem:$0x8500] =	vst v63  }
0x21f: {  	s28 =	sadd.s32 $0x30, s19;
	s29 =	simm.s32 $0x7598  }
0x220: {  	[hbm4b:s28+s3] =	stream.linear.scatter [tilespmem:s29], [sflag:$0x6], $0x80, $0x38;
	[tilespmem:$0x8500] =	vst v63  }
0x221: {  	s23 =	sadd.s32 $0x40, s19;
	s26 =	simm.s32 $0x7620  }
0x222: {  	[hbm4b:s23+s3] =	stream.linear.scatter [tilespmem:s26], [sflag:$0x6], $0x80, $0x38;
	[tilespmem:$0x8500] =	vst v63  }
0x223: {  	s28 =	sadd.s32 $0x50, s19;
	s29 =	simm.s32 $0x76A8  }
0x224: {  	[hbm4b:s28+s3] =	stream.linear.scatter [tilespmem:s29], [sflag:$0x6], $0x80, $0x38;
	[tilespmem:$0x8500] =	vst v63  }
0x225: {  	s23 =	sadd.s32 $0x60, s19;
	s26 =	simm.s32 $0x7730  }
0x226: {  	[hbm4b:s23+s3] =	stream.linear.scatter [tilespmem:s26], [sflag:$0x6], $0x80, $0x38;
	[tilespmem:$0x8500] =	vst v63  }
0x227: {  	s19 =	sadd.s32 $0x70, s19;
	s28 =	simm.s32 $0x77B8  }
0x228: {  	[hbm4b:s19+s3] =	stream.linear.scatter [tilespmem:s28], [sflag:$0x6], $0x80, $0x38;
	[tilespmem:$0x8500] =	vst v63  }
0x229: {  	s29 =	simm.s32 $0x7840;
	s19 =	sadd.s32 s17, s14  }
0x22a: {  	[hbm4b:s19+s3] =	stream.linear.scatter [tilespmem:s29], [sflag:$0x6], $0x80, $0x38;
	[tilespmem:$0x8500] =	vst v63  }
0x22b: {  	s26 =	simm.s32 $0x78C8;
	s23 =	sadd.s32 $0x10, s19  }
0x22c: {  	[hbm4b:s23+s3] =	stream.linear.scatter [tilespmem:s26], [sflag:$0x6], $0x80, $0x38;
	[tilespmem:$0x8500] =	vst v63  }
0x22d: {  	s28 =	sadd.s32 $0x20, s19;
	s29 =	simm.s32 $0x7950  }
0x22e: {  	[hbm4b:s28+s3] =	stream.linear.scatter [tilespmem:s29], [sflag:$0x6], $0x80, $0x38;
	[tilespmem:$0x8500] =	vst v63  }
0x22f: {  	s23 =	sadd.s32 $0x30, s19;
	s26 =	simm.s32 $0x79D8  }
0x230: {  	[hbm4b:s23+s3] =	stream.linear.scatter [tilespmem:s26], [sflag:$0x6], $0x80, $0x38;
	[tilespmem:$0x8500] =	vst v63  }
0x231: {  	s28 =	sadd.s32 $0x40, s19;
	s29 =	simm.s32 $0x7A60  }
0x232: {  	[hbm4b:s28+s3] =	stream.linear.scatter [tilespmem:s29], [sflag:$0x6], $0x80, $0x38;
	[tilespmem:$0x8500] =	vst v63  }
0x233: {  	s23 =	sadd.s32 $0x50, s19;
	s26 =	simm.s32 $0x7AE8  }
0x234: {  	[hbm4b:s23+s3] =	stream.linear.scatter [tilespmem:s26], [sflag:$0x6], $0x80, $0x38;
	[tilespmem:$0x8500] =	vst v63  }
0x235: {  	s28 =	sadd.s32 $0x60, s19;
	s29 =	simm.s32 $0x7B70  }
0x236: {  	[hbm4b:s28+s3] =	stream.linear.scatter [tilespmem:s29], [sflag:$0x6], $0x80, $0x38;
	[tilespmem:$0x8500] =	vst v63  }
0x237: {  	s19 =	sadd.s32 $0x70, s19;
	s23 =	simm.s32 $0x7BF8  }
0x238: {  	[hbm4b:s19+s3] =	stream.linear.scatter [tilespmem:s23], [sflag:$0x6], $0x80, $0x38;
	[tilespmem:$0x8500] =	vst v63  }
0x239: {  	s26 =	simm.s32 $0x7C80;
	s19 =	sadd.s32 s17, s15  }
0x23a: {  	[hbm4b:s19+s3] =	stream.linear.scatter [tilespmem:s26], [sflag:$0x6], $0x80, $0x38;
	[tilespmem:$0x8500] =	vst v63  }
0x23b: {  	s29 =	simm.s32 $0x7D08;
	s28 =	sadd.s32 $0x10, s19  }
0x23c: {  	[hbm4b:s28+s3] =	stream.linear.scatter [tilespmem:s29], [sflag:$0x6], $0x80, $0x38;
	[tilespmem:$0x8500] =	vst v63  }
0x23d: {  	s23 =	sadd.s32 $0x20, s19;
	s26 =	simm.s32 $0x7D90  }
0x23e: {  	[hbm4b:s23+s3] =	stream.linear.scatter [tilespmem:s26], [sflag:$0x6], $0x80, $0x38;
	[tilespmem:$0x8500] =	vst v63  }
0x23f: {  	s28 =	sadd.s32 $0x30, s19;
	s29 =	simm.s32 $0x7E18  }
0x240: {  	[hbm4b:s28+s3] =	stream.linear.scatter [tilespmem:s29], [sflag:$0x6], $0x80, $0x38;
	[tilespmem:$0x8500] =	vst v63  }
0x241: {  	s23 =	sadd.s32 $0x40, s19;
	s26 =	simm.s32 $0x7EA0  }
0x242: {  	[hbm4b:s23+s3] =	stream.linear.scatter [tilespmem:s26], [sflag:$0x6], $0x80, $0x38;
	[tilespmem:$0x8500] =	vst v63  }
0x243: {  	s28 =	sadd.s32 $0x50, s19;
	s29 =	simm.s32 $0x7F28  }
0x244: {  	[hbm4b:s28+s3] =	stream.linear.scatter [tilespmem:s29], [sflag:$0x6], $0x80, $0x38;
	[tilespmem:$0x8500] =	vst v63  }
0x245: {  	s26 =	sadd.s32 $0x60, s19;
	s28 =	simm.s32 $0x7FB0  }
0x246: {  	[hbm4b:s26+s3] =	stream.linear.scatter [tilespmem:s28], [sflag:$0x6], $0x80, $0x38;
	[tilespmem:$0x8500] =	vst v63  }
0x247: {  	s19 =	sadd.s32 $0x70, s19;
	s29 =	simm.s32 $0x8038  }
0x248: {  	[hbm4b:s19+s3] =	stream.linear.scatter [tilespmem:s29], [sflag:$0x6], $0x80, $0x38;
	[tilespmem:$0x8500] =	vst v63  }
0x249: {  	s21 =	simm.s32 $0x80C0;
	s17 =	sadd.s32 s17, s16  }
0x24a: {  	[hbm4b:s17+s3] =	stream.linear.scatter [tilespmem:s21], [sflag:$0x6], $0x80, $0x38;
	[tilespmem:$0x8500] =	vst v63  }
0x24b: {  	s23 =	sadd.s32 $0x10, s17;
	s26 =	simm.s32 $0x8148  }
0x24c: {  	[hbm4b:s23+s3] =	stream.linear.scatter [tilespmem:s26], [sflag:$0x6], $0x80, $0x38;
	[tilespmem:$0x8500] =	vst v63  }
0x24d: {  	s28 =	sadd.s32 $0x20, s17;
	s29 =	simm.s32 $0x81D0  }
0x24e: {  	[hbm4b:s28+s3] =	stream.linear.scatter [tilespmem:s29], [sflag:$0x6], $0x80, $0x38;
	[tilespmem:$0x8500] =	vst v63  }
0x24f: {  	s23 =	sadd.s32 $0x30, s17;
	s26 =	simm.s32 $0x8258  }
0x250: {  	[hbm4b:s23+s3] =	stream.linear.scatter [tilespmem:s26], [sflag:$0x6], $0x80, $0x38;
	[tilespmem:$0x8500] =	vst v63  }
0x251: {  	s0 =	sadd.s32 $0x1, s0;
	s28 =	sadd.s32 $0x40, s17;
	s29 =	simm.s32 $0x82E0  }
0x252: {  	[hbm4b:s28+s3] =	stream.linear.scatter [tilespmem:s29], [sflag:$0x6], $0x80, $0x38;
	[tilespmem:$0x8500] =	vst v63  }
0x253: {  	p0 =	sne.s32 s0, $0x64;
	s23 =	sadd.s32 $0x50, s17;
	s26 =	simm.s32 $0x8368  }
0x254: {  	[hbm4b:s23+s3] =	stream.linear.scatter [tilespmem:s26], [sflag:$0x6], $0x80, $0x38;
	[tilespmem:$0x8500] =	vst v63  }
.Ltmp7:
0x255: {  	_ = 	snop;
	(pc) =	sbr.rel @p0 .LBB2_2-.Ltmp7, $4  }
0x256: {  	s28 =	sadd.s32 $0x60, s17;
	s29 =	simm.s32 $0x83F0  }
0x257: {  	[hbm4b:s28+s3] =	stream.linear.scatter [tilespmem:s29], [sflag:$0x6], $0x80, $0x38;
	[tilespmem:$0x8500] =	vst v63  }
0x258: {  	s17 =	sadd.s32 $0x70, s17  }
0x259: {  	[hbm4b:s17+s3] =	stream.linear.scatter [tilespmem:s30], [sflag:$0x6], $0x80, $0x38;
	[tilespmem:$0x8500] =	vst v63  }
0x25a: {  	_ =	swait.ge [sflag:s31], $0x400  }
0x25b: {  	[sflag:s31] =	ssyncset.done $0x0  }
0x25c: {  	[sflag:s31] =	ssyncadd.s32 $0xFFFFFC00  }
0x25d: {  	_ =	swait.ge [sflag:s31], $0x400  }
0x25e: {  	[sflag:s31] =	ssyncset.done $0x0  }
0x25f: {  	[sflag:s31] =	ssyncadd.s32 $0xFFFFFC00  }
0x260: {  	_ =	swait.ge [sflag:s31], $0x400  }
0x261: {  	[sflag:s31] =	ssyncset.done $0x0  }
0x262: {  	[sflag:s31] =	ssyncadd.s32 $0xFFFFFC00  }
0x263: {  	_ =	swait.ge [sflag:s31], $0x400  }
0x264: {  	[sflag:s31] =	ssyncset.done $0x0  }
0x265: {  	[sflag:s31] =	ssyncadd.s32 $0xFFFFFC00  }
0x266: {  	_ =	swait.ge [sflag:s31], $0x400  }
0x267: {  	[sflag:s31] =	ssyncset.done $0x0  }
0x268: {  	[sflag:s31] =	ssyncadd.s32 $0xFFFFFC00  }
0x269: {  	_ =	swait.ge [sflag:s31], $0x400  }
0x26a: {  	[sflag:s31] =	ssyncset.done $0x0  }
0x26b: {  	[sflag:s31] =	ssyncadd.s32 $0xFFFFFC00  }
0x26c: {  	_ =	swait.ge [sflag:s31], $0x400  }
0x26d: {  	[sflag:s31] =	ssyncset.done $0x0  }
0x26e: {  	[sflag:s31] =	ssyncadd.s32 $0xFFFFFC00  }
0x26f: {  	_ =	swait.ge [sflag:s31], $0x400  }
0x270: {  	[sflag:s31] =	ssyncset.done $0x0  }
0x271: {  	[sflag:s31] =	ssyncadd.s32 $0xFFFFFC00  }
0x272: {  	_ =	swait.ge [sflag:s18], $0x400  }
0x273: {  	[sflag:s18] =	ssyncset.done $0x0  }
0x274: {  	[sflag:s18] =	ssyncadd.s32 $0xFFFFFC00  }
0x275: {  	_ =	swait.ge [sflag:s18], $0x400  }
0x276: {  	[sflag:s18] =	ssyncset.done $0x0  }
0x277: {  	[sflag:s18] =	ssyncadd.s32 $0xFFFFFC00  }
0x278: {  	_ =	swait.ge [sflag:s18], $0x400  }
0x279: {  	[sflag:s18] =	ssyncset.done $0x0  }
0x27a: {  	[sflag:s18] =	ssyncadd.s32 $0xFFFFFC00  }
0x27b: {  	_ =	swait.ge [sflag:s18], $0x400  }
0x27c: {  	[sflag:s18] =	ssyncset.done $0x0  }
0x27d: {  	[sflag:s18] =	ssyncadd.s32 $0xFFFFFC00  }
0x27e: {  	_ =	swait.ge [sflag:s18], $0x400  }
0x27f: {  	[sflag:s18] =	ssyncset.done $0x0  }
0x280: {  	[sflag:s18] =	ssyncadd.s32 $0xFFFFFC00  }
0x281: {  	_ =	swait.ge [sflag:s18], $0x400  }
0x282: {  	[sflag:s18] =	ssyncset.done $0x0  }
0x283: {  	[sflag:s18] =	ssyncadd.s32 $0xFFFFFC00  }
0x284: {  	_ =	swait.ge [sflag:s18], $0x400  }
0x285: {  	[sflag:s18] =	ssyncset.done $0x0  }
0x286: {  	[sflag:s18] =	ssyncadd.s32 $0xFFFFFC00  }
0x287: {  	_ =	swait.ge [sflag:s18], $0x400  }
0x288: {  	s17 =	rddreg [dreg:$0x7]  }
0x289: {  	s0 =	rddreg [dreg:$0x6];
	s17 =	sadd.s32 $0x1, s17  }
0x28a: {  	p0 =	sne.s32 s17, s0  }
.Ltmp8:
0x28b: {  	_ = 	snop;
	(pc) =	sbr.rel @p0 .LBB2_1-.Ltmp8, $3  }
0x28c: {  	_ =	sdelay $0x1  }
0x28d: {  	[sflag:s18] =	ssyncset.done $0x0  }
0x28e: {  	[sflag:s18] =	ssyncadd.s32 $0xFFFFFC00  }
0x28f: {  	_ =	sfence.sel $0x180000  }
0x290: {  	[bflag:$0x0] =	sbarrier.arrive $0xFFFF  }
0x291: {  	_ =	strace $0x90000047  }
0x292: {  	s0 =	stileid.u32;
	[bflag:$0x2] =	sbarrier.arrive $0xFFFF  }
0x293: {  	p0 =	sne.s32 s0, $0x0;
	s0 =	rddreg [dreg:$0x2]  }
0x294: {  	s0 =	sadd.s32 @!p0 $0x100000, s0  }
0x295: {  	[sflag:s0] =	ssyncadd.tile.s32 @!p0 $0x1;
	_ =	shalt  }
.Lfunc_end2:
_tile_overlayer_lowered:
.L_overlay_start_2:
0x296: {  	(tag) =	ssettag $0x2  }
0x297: {  	s0 =	rddreg [dreg:$0x0];
	s2 =	stileid.u32  }
0x298: {  	s1 =	rddreg [dreg:$0x1];
	p0 =	sne.s32 s2, $0x0  }
0x299: {  	s3 =	rddreg [dreg:$0x2];
	[bflag:$0x3] =	sbarrier.arrive $0xFFFF;
	s2 =	simm.s32 @!p0 $0x1C07  }
0x29a: {  	[timem:s3], [sflag:s2] =	dma.local @!p0 [hbm:s0], s1  }
0x29b: {  	s0 =	simm.s32 @!p0 $0x7  }
0x29c: {  	_ =	swait.ge @!p0 [sflag:s0], s1  }
0x29d: {  	s1 =	ssub.s32 @!p0 $0x0, s1;
	[sflag:s0] =	ssyncset.done @!p0 $0x0  }
0x29e: {  	[sflag:s0] =	ssyncadd.s32 @!p0 s1  }
0x29f: {  	[bflag:$0x3] =	sbarrier.arrive $0xFFFF  }
0x2a0: {  	_ =	shalt  }

</sc_bundles>
